<compile_context>
chip_gen: v7x
topology: tpu7x:2x2x1
jax: 0.10.2.dev20260603
libtpu: 0.0.44.dev20260713+nightly
codegen_flags: <defaults>
</compile_context>

<pallas_src>
import jax
import jax.numpy as jnp
from jax import lax
from jax.experimental import pallas as pl
from jax.experimental.pallas import tpu as pltpu
from jax.experimental.pallas import tpu_sc as plsc

N = 10000
D = 128
DH = D // 2
E = 320000

NC = 2
NS = 16
C = 128
K = 160
NBUF = 4
EPT = K * C
E_PAD = NS * EPT
NP = 10240
RPT = NP // NS


def _sc_agg_build(with_cnt: bool):
    mesh = plsc.VectorSubcoreMesh(core_axis_name="c", subcore_axis_name="s")
    if with_cnt:
        out_type = (jax.ShapeDtypeStruct((NP, D), jnp.float32),
                    jax.ShapeDtypeStruct((NC, NP), jnp.float32))
    else:
        out_type = jax.ShapeDtypeStruct((NP, D), jnp.float32)

    scratch = (
        pltpu.VMEM((K, C), jnp.int32),
        pltpu.VMEM((K, C), jnp.int32),
        tuple(pltpu.VMEM((C, DH), jnp.float32) for _ in range(NBUF)),
        pltpu.VMEM((C,), jnp.float32),
        pltpu.VMEM((RPT,), jnp.float32),
        pltpu.VMEM_SHARED((NP, DH), jnp.float32),
        pltpu.VMEM_SHARED((NP,), jnp.float32),
        tuple(pltpu.SemaphoreType.DMA for _ in range(NBUF)),
    )

    def body(x_hbm, src_hbm, dst_hbm, agg_out, *rest):
        if with_cnt:
            cnt_out = rest[0]
            rest = rest[1:]
        else:
            cnt_out = None
        src_v, dst_v, rows, ones_v, cntbuf, acc_sh, cnt_sh, gsems = rest
        rows0 = rows[0]
        cid = lax.axis_index("c")
        sid = lax.axis_index("s")

        z16 = jnp.zeros((16,), jnp.float32)

        def zrow(i, _):
            for k in range(DH // 16):
                rows0[i, pl.ds(k * 16, 16)] = z16
            return 0

        lax.fori_loop(0, C, zrow, 0)

        def zcnt(i, _):
            cntbuf[pl.ds(i * 16, 16)] = z16
            return 0

        lax.fori_loop(0, RPT // 16, zcnt, 0)
        for k in range(C // 16):
            ones_v[pl.ds(k * 16, 16)] = jnp.ones((16,), jnp.float32)

        base = pl.multiple_of(sid * RPT, RPT)
        for t in range(RPT // C):
            pltpu.sync_copy(rows0, acc_sh.at[pl.ds(base + t * C, C)])
        if with_cnt:
            pltpu.sync_copy(cntbuf, cnt_sh.at[pl.ds(base, RPT)])
        plsc.subcore_barrier()

        pltpu.sync_copy(src_hbm.at[sid], src_v)
        pltpu.sync_copy(dst_hbm.at[sid], dst_v)

        def remap(r, _):
            for k in range(C // 16):
                v = src_v[r, pl.ds(k * 16, 16)]
                src_v[r, pl.ds(k * 16, 16)] = v * NC + cid
            return 0

        lax.fori_loop(0, K, remap, 0)

        def gsrc(j):
            return x_hbm.at[src_v.at[j]]

        def gather(j, b):
            return pltpu.async_copy(gsrc(j), rows[b], gsems[b])

        def gwait(j, b):
            pltpu.make_async_copy(gsrc(j), rows[b], gsems[b]).wait()

        def scat(j, b):
            pltpu.sync_copy(rows[b], acc_sh.at[dst_v.at[j]], add=True)
            if with_cnt:
                do_cnt = jnp.where(cid == 0, j < K // 2, j >= K // 2)

                @pl.when(do_cnt)
                def _():
                    pltpu.sync_copy(ones_v, cnt_sh.at[dst_v.at[j]], add=True)

        for b in range(NBUF):
            gather(b, b)

        def step(g, _):
            j = NBUF * g
            for b in range(NBUF):
                gwait(j + b, b)
                scat(j + b, b)
                gather(j + b + NBUF, b)
            return 0

        lax.fori_loop(0, K // NBUF - 1, step, 0)
        for b in range(NBUF):
            j = K - NBUF + b
            gwait(j, b)
            scat(j, b)

        plsc.subcore_barrier()
        cbase = pl.multiple_of(cid * DH, DH)
        for t in range(RPT // C):
            pltpu.sync_copy(acc_sh.at[pl.ds(base + t * C, C)], rows0)
            pltpu.sync_copy(rows0, agg_out.at[pl.ds(base + t * C, C),
                                              pl.ds(cbase, DH)])
        if with_cnt:
            pltpu.sync_copy(cnt_sh.at[pl.ds(base, RPT)], cntbuf)
            pltpu.sync_copy(cntbuf, cnt_out.at[cid, pl.ds(base, RPT)])

    return pl.kernel(body, out_type=out_type, mesh=mesh,
                     scratch_types=scratch,
                     compiler_params=pltpu.CompilerParams(
                         use_tc_tiling_on_sc=False))


_sc_agg_cnt = _sc_agg_build(with_cnt=True)
_sc_agg = _sc_agg_build(with_cnt=False)


_RB = 1000
_dn = (((1,), (1,)), ((), ()))


def _tc_root_body(x_ref, wr_ref, b_ref, r_ref):
    r_ref[...] = lax.dot_general(
        x_ref[...], wr_ref[...], _dn, preferred_element_type=jnp.float32
    ) + b_ref[...]


_tc_root = pl.pallas_call(
    _tc_root_body,
    grid=(N // _RB,),
    in_specs=[
        pl.BlockSpec((_RB, D), lambda i: (i, 0)),
        pl.BlockSpec((D, D), lambda i: (0, 0)),
        pl.BlockSpec((1, D), lambda i: (0, 0)),
    ],
    out_specs=pl.BlockSpec((_RB, D), lambda i: (i, 0)),
    out_shape=jax.ShapeDtypeStruct((N, D), jnp.float32),
)


def _tc_combine_build(emit_split: bool):
    def bodyfn(agg_ref, cnt_ref, r_ref, wl_ref, out_ref, *split_refs):
        inv = 1.0 / jnp.maximum(cnt_ref[...], 1.0)
        mean = agg_ref[...] * inv
        out = lax.dot_general(
            mean, wl_ref[...], _dn, preferred_element_type=jnp.float32
        ) + r_ref[...]
        out_ref[...] = out
        if emit_split:
            split_refs[0][0] = out[:, :DH]
            split_refs[0][1] = out[:, DH:]

    out_specs = [pl.BlockSpec((_RB, D), lambda i: (i, 0))]
    out_shape = [jax.ShapeDtypeStruct((N, D), jnp.float32)]
    if emit_split:
        out_specs.append(pl.BlockSpec((NC, _RB, DH), lambda i: (0, i, 0)))
        out_shape.append(jax.ShapeDtypeStruct((NC, N, DH), jnp.float32))

    return pl.pallas_call(
        bodyfn,
        grid=(N // _RB,),
        in_specs=[
            pl.BlockSpec((_RB, D), lambda i: (i, 0)),
            pl.BlockSpec((_RB, 1), lambda i: (i, 0)),
            pl.BlockSpec((_RB, D), lambda i: (i, 0)),
            pl.BlockSpec((D, D), lambda i: (0, 0)),
        ],
        out_specs=out_specs,
        out_shape=out_shape,
    )


_tc_combine = _tc_combine_build(emit_split=False)


def kernel(x, edge_index, x_batch, W1l, b1, W1r, W2l, b2, W2r):
    src = edge_index[0].astype(jnp.int32)
    dst = edge_index[1].astype(jnp.int32)
    npad = E_PAD - E
    src = jnp.concatenate([src, jnp.arange(npad, dtype=jnp.int32) % N])
    dst = jnp.concatenate([dst, N + (jnp.arange(npad, dtype=jnp.int32) % (NP - N))])
    src_r = src.reshape(NS, K, C)
    dst_r = dst.reshape(NS, K, C)
    agg1, cnt = _sc_agg_cnt(x.reshape(N * NC, DH), src_r, dst_r)
    cnt_col = (cnt[0, :N] + cnt[1, :N]).reshape(N, 1)
    r1 = _tc_root(x, W1r, b1.reshape(1, D))
    (h,) = _tc_combine(agg1, cnt_col, r1, W1l)
    agg2 = _sc_agg(h.reshape(N * NC, DH), src_r, dst_r)
    r2 = _tc_root(h, W2r, b2.reshape(1, D))
    (out,) = _tc_combine(agg2, cnt_col, r2, W2l)
    return out

# --- scband reference (transcript-rebuilt; emitter-appended) ---
"""Pipeline reference for scband-gnn-24361054503674 (READ-ONLY COPY).

The authoritative reference and input builder live on the scoring server;
editing this copy changes nothing except your own understanding.
"""

import jax, jax.numpy as jnp
import numpy as np

N = 10000
E = 320000
D_IN = 128
D_HID = 128
D_OUT = 128


def setup_inputs(seed: int = 0) -> dict:
    key = jax.random.key(seed)
    ks = jax.random.split(key, 10)
    x = jax.random.normal(ks[0], (N, D_IN), dtype=jnp.float32)
    edge_index = jax.random.randint(ks[1], (2, E), 0, N, dtype=jnp.int64)
    x_batch = jnp.zeros((N,), dtype=jnp.int64)
    # SAGEConv layer 0: lin_l (neighbor/aggregated path, has bias), lin_r (root path, no bias)
    s0 = 1.0 / np.sqrt(D_IN)
    W1l = jax.random.uniform(ks[2], (D_HID, D_IN), minval=-s0, maxval=s0, dtype=jnp.float32)
    b1 = jax.random.uniform(ks[3], (D_HID,), minval=-s0, maxval=s0, dtype=jnp.float32)
    W1r = jax.random.uniform(ks[4], (D_HID, D_IN), minval=-s0, maxval=s0, dtype=jnp.float32)
    # SAGEConv layer 1
    s1 = 1.0 / np.sqrt(D_HID)
    W2l = jax.random.uniform(ks[5], (D_OUT, D_HID), minval=-s1, maxval=s1, dtype=jnp.float32)
    b2 = jax.random.uniform(ks[6], (D_OUT,), minval=-s1, maxval=s1, dtype=jnp.float32)
    W2r = jax.random.uniform(ks[7], (D_OUT, D_HID), minval=-s1, maxval=s1, dtype=jnp.float32)
    return {"x": x, "edge_index": edge_index, "x_batch": x_batch,
            "W1l": W1l, "b1": b1, "W1r": W1r, "W2l": W2l, "b2": b2, "W2r": W2r}


def _sage_conv(x, edge_index, Wl, b, Wr):
    # PyG SAGEConv with default mean aggregation:
    # out = lin_l(mean_{j in N(i)} x_j) + lin_r(x_i)
    src = edge_index[0]
    dst = edge_index[1]
    msg = jnp.take(x, src, axis=0)                      # gather  [E, d]
    agg = jax.ops.segment_sum(msg, dst, num_segments=N)  # scatter-add [N, d]
    cnt = jax.ops.segment_sum(jnp.ones((msg.shape[0],), dtype=x.dtype), dst, num_segments=N)
    mean = agg / jnp.clip(cnt, 1.0, None)[:, None]
    return mean @ Wl.T + b + x @ Wr.T


def reference(x, edge_index, x_batch, W1l, b1, W1r, W2l, b2, W2r):
    # Layer 0 (act_type == 'relu' so NO activation is applied per original code;
    # dropout p=0.0 is identity)
    h = _sage_conv(x, edge_index, W1l, b1, W1r)
    # Layer 1 (last layer: no activation / dropout)
    out = _sage_conv(h, edge_index, W2l, b2, W2r)
    return out

if __name__ == "__main__":
    import jax
    _d = setup_inputs()
    print(jax.jit(kernel)(*tuple(_d.values())))

</pallas_src>

<mosaic_0001>
#map = affine_map<(d0, d1) -> (0, 0)>
#map1 = affine_map<(d0, d1) -> (0, 0, 0)>
module attributes {stable_mosaic.version = 14 : i64} {
  func.func @body(%arg0: i32, %arg1: i32, %arg2: memref<20000x64xf32, #tpu.memory_space<hbm>>, %arg3: memref<16x160x128xi32, #tpu.memory_space<hbm>>, %arg4: memref<16x160x128xi32, #tpu.memory_space<hbm>>, %arg5: memref<10240x128xf32, #tpu.memory_space<hbm>>, %arg6: memref<2x10240xf32, #tpu.memory_space<hbm>>, %arg7: memref<160x128xi32, #tpu.memory_space<vmem>>, %arg8: memref<160x128xi32, #tpu.memory_space<vmem>>, %arg9: memref<128x64xf32, #tpu.memory_space<vmem>>, %arg10: memref<128x64xf32, #tpu.memory_space<vmem>>, %arg11: memref<128x64xf32, #tpu.memory_space<vmem>>, %arg12: memref<128x64xf32, #tpu.memory_space<vmem>>, %arg13: memref<128xf32, #tpu.memory_space<vmem>>, %arg14: memref<640xf32, #tpu.memory_space<vmem>>, %arg15: memref<10240x64xf32, #tpu.memory_space<vmem_shared>>, %arg16: memref<10240xf32, #tpu.memory_space<vmem_shared>>, %arg17: memref<!tpu.dma_semaphore, #tpu.memory_space<semaphore_mem>>, %arg18: memref<!tpu.dma_semaphore, #tpu.memory_space<semaphore_mem>>, %arg19: memref<!tpu.dma_semaphore, #tpu.memory_space<semaphore_mem>>, %arg20: memref<!tpu.dma_semaphore, #tpu.memory_space<semaphore_mem>>) attributes {dimension_semantics = [#tpu.dimension_semantics<core_parallel>, #tpu.dimension_semantics<subcore_parallel>], iteration_bounds = array<i64: 2, 16>, scalar_prefetch = 0 : i64, scratch_operands = 14 : i64, tpu.core_type = #tpu.core_type<sc_vector_subcore>, window_params = [{transform_indices = #map}, {transform_indices = #map1}, {transform_indices = #map1}, {transform_indices = #map}, {transform_indices = #map}]} {
    %broadcast_in_dim3A = arith.constant 0.000000e+00 : f32
    %broadcast_in_dim3A_0 = vector.broadcast %broadcast_in_dim3A : f32 to vector<16xf32>
    %scan3A = arith.constant 0 : i32
    %scan3A_1 = arith.constant 0 : i32
    %scan3A_2 = arith.constant 128 : i32
    %scan3A_3 = arith.addi %scan3A_1, %scan3A_2 : i32
    %scan3A_4 = arith.constant 1 : i32
    %scan3A_5 = scf.for %scan3A_193 = %scan3A_1 to %scan3A_3 step %scan3A_4 iter_args(%scan3A_194 = %scan3A) -> (i32)  : i32 {
      %swap3A_195 = arith.index_cast %scan3A_193 : i32 to index
      %swap3A_196 = arith.constant 0 : index
      %swap3A_197 = tpu.vector_load %arg9[%swap3A_195, %swap3A_196] {strides = array<i32>} : memref<128x64xf32, #tpu.memory_space<vmem>>, vector<1x16xf32>,
      %swap3A_198 = vector.shape_cast %swap3A_197 : vector<1x16xf32> to vector<16xf32>
      %swap3A_199 = vector.shape_cast %broadcast_in_dim3A_0 : vector<16xf32> to vector<1x16xf32>
      tpu.vector_store %arg9[%swap3A_195, %swap3A_196], %swap3A_199 {strides = array<i32>} : memref<128x64xf32, #tpu.memory_space<vmem>>, vector<1x16xf32>,
      %swap3A_200 = arith.index_cast %scan3A_193 : i32 to index
      %swap3A_201 = arith.constant 16 : index
      %swap3A_202 = tpu.vector_load %arg9[%swap3A_200, %swap3A_201] {strides = array<i32>} : memref<128x64xf32, #tpu.memory_space<vmem>>, vector<1x16xf32>,
      %swap3A_203 = vector.shape_cast %swap3A_202 : vector<1x16xf32> to vector<16xf32>
      %swap3A_204 = vector.shape_cast %broadcast_in_dim3A_0 : vector<16xf32> to vector<1x16xf32>
      tpu.vector_store %arg9[%swap3A_200, %swap3A_201], %swap3A_204 {strides = array<i32>} : memref<128x64xf32, #tpu.memory_space<vmem>>, vector<1x16xf32>,
      %swap3A_205 = arith.index_cast %scan3A_193 : i32 to index
      %swap3A_206 = arith.constant 32 : index
      %swap3A_207 = tpu.vector_load %arg9[%swap3A_205, %swap3A_206] {strides = array<i32>} : memref<128x64xf32, #tpu.memory_space<vmem>>, vector<1x16xf32>,
      %swap3A_208 = vector.shape_cast %swap3A_207 : vector<1x16xf32> to vector<16xf32>
      %swap3A_209 = vector.shape_cast %broadcast_in_dim3A_0 : vector<16xf32> to vector<1x16xf32>
      tpu.vector_store %arg9[%swap3A_205, %swap3A_206], %swap3A_209 {strides = array<i32>} : memref<128x64xf32, #tpu.memory_space<vmem>>, vector<1x16xf32>,
      %swap3A_210 = arith.index_cast %scan3A_193 : i32 to index
      %swap3A_211 = arith.constant 48 : index
      %swap3A_212 = tpu.vector_load %arg9[%swap3A_210, %swap3A_211] {strides = array<i32>} : memref<128x64xf32, #tpu.memory_space<vmem>>, vector<1x16xf32>,
      %swap3A_213 = vector.shape_cast %swap3A_212 : vector<1x16xf32> to vector<16xf32>
      %swap3A_214 = vector.shape_cast %broadcast_in_dim3A_0 : vector<16xf32> to vector<1x16xf32>
      tpu.vector_store %arg9[%swap3A_210, %swap3A_211], %swap3A_214 {strides = array<i32>} : memref<128x64xf32, #tpu.memory_space<vmem>>, vector<1x16xf32>,
      %scan3A_215 = arith.constant 0 : i32
      scf.yield %scan3A_215 : i32
    }
    %scan3A_6 = arith.constant 128 : i32
    %scan3A_7 = arith.constant 0 : i32
    %scan3A_8 = arith.constant 0 : i32
    %scan3A_9 = arith.constant 40 : i32
    %scan3A_10 = arith.addi %scan3A_8, %scan3A_9 : i32
    %scan3A_11 = arith.constant 1 : i32
    %scan3A_12 = scf.for %scan3A_193 = %scan3A_8 to %scan3A_10 step %scan3A_11 iter_args(%scan3A_194 = %scan3A_7) -> (i32)  : i32 {
      %mul3A_195 = arith.constant 16 : i32
      %mul3A_196 = arith.muli %scan3A_193, %mul3A_195 : i32
      %swap3A_197 = arith.index_cast %mul3A_196 : i32 to index
      %swap3A_198 = tpu.vector_load %arg14[%swap3A_197] {strides = array<i32>} : memref<640xf32, #tpu.memory_space<vmem>>, vector<16xf32>,
      %swap3A_199 = vector.shape_cast %swap3A_198 : vector<16xf32> to vector<16xf32>
      %swap3A_200 = vector.shape_cast %broadcast_in_dim3A_0 : vector<16xf32> to vector<16xf32>
      tpu.vector_store %arg14[%swap3A_197], %swap3A_200 {strides = array<i32>} : memref<640xf32, #tpu.memory_space<vmem>>, vector<16xf32>,
      %scan3A_201 = arith.constant 0 : i32
      scf.yield %scan3A_201 : i32
    }
    %scan3A_13 = arith.constant 40 : i32
    %broadcast_in_dim3A_14 = arith.constant 1.000000e+00 : f32
    %broadcast_in_dim3A_15 = vector.broadcast %broadcast_in_dim3A_14 : f32 to vector<16xf32>
    %swap3A = arith.constant 0 : index
    %swap3A_16 = tpu.vector_load %arg13[%swap3A] {strides = array<i32>} : memref<128xf32, #tpu.memory_space<vmem>>, vector<16xf32>,
    %swap3A_17 = vector.shape_cast %swap3A_16 : vector<16xf32> to vector<16xf32>
    %swap3A_18 = vector.shape_cast %broadcast_in_dim3A_15 : vector<16xf32> to vector<16xf32>
    tpu.vector_store %arg13[%swap3A], %swap3A_18 {strides = array<i32>} : memref<128xf32, #tpu.memory_space<vmem>>, vector<16xf32>,
    %broadcast_in_dim3A_19 = arith.constant 1.000000e+00 : f32
    %broadcast_in_dim3A_20 = vector.broadcast %broadcast_in_dim3A_19 : f32 to vector<16xf32>
    %swap3A_21 = arith.constant 16 : index
    %swap3A_22 = tpu.vector_load %arg13[%swap3A_21] {strides = array<i32>} : memref<128xf32, #tpu.memory_space<vmem>>, vector<16xf32>,
    %swap3A_23 = vector.shape_cast %swap3A_22 : vector<16xf32> to vector<16xf32>
    %swap3A_24 = vector.shape_cast %broadcast_in_dim3A_20 : vector<16xf32> to vector<16xf32>
    tpu.vector_store %arg13[%swap3A_21], %swap3A_24 {strides = array<i32>} : memref<128xf32, #tpu.memory_space<vmem>>, vector<16xf32>,
    %broadcast_in_dim3A_25 = arith.constant 1.000000e+00 : f32
    %broadcast_in_dim3A_26 = vector.broadcast %broadcast_in_dim3A_25 : f32 to vector<16xf32>
    %swap3A_27 = arith.constant 32 : index
    %swap3A_28 = tpu.vector_load %arg13[%swap3A_27] {strides = array<i32>} : memref<128xf32, #tpu.memory_space<vmem>>, vector<16xf32>,
    %swap3A_29 = vector.shape_cast %swap3A_28 : vector<16xf32> to vector<16xf32>
    %swap3A_30 = vector.shape_cast %broadcast_in_dim3A_26 : vector<16xf32> to vector<16xf32>
    tpu.vector_store %arg13[%swap3A_27], %swap3A_30 {strides = array<i32>} : memref<128xf32, #tpu.memory_space<vmem>>, vector<16xf32>,
    %broadcast_in_dim3A_31 = arith.constant 1.000000e+00 : f32
    %broadcast_in_dim3A_32 = vector.broadcast %broadcast_in_dim3A_31 : f32 to vector<16xf32>
    %swap3A_33 = arith.constant 48 : index
    %swap3A_34 = tpu.vector_load %arg13[%swap3A_33] {strides = array<i32>} : memref<128xf32, #tpu.memory_space<vmem>>, vector<16xf32>,
    %swap3A_35 = vector.shape_cast %swap3A_34 : vector<16xf32> to vector<16xf32>
    %swap3A_36 = vector.shape_cast %broadcast_in_dim3A_32 : vector<16xf32> to vector<16xf32>
    tpu.vector_store %arg13[%swap3A_33], %swap3A_36 {strides = array<i32>} : memref<128xf32, #tpu.memory_space<vmem>>, vector<16xf32>,
    %broadcast_in_dim3A_37 = arith.constant 1.000000e+00 : f32
    %broadcast_in_dim3A_38 = vector.broadcast %broadcast_in_dim3A_37 : f32 to vector<16xf32>
    %swap3A_39 = arith.constant 64 : index
    %swap3A_40 = tpu.vector_load %arg13[%swap3A_39] {strides = array<i32>} : memref<128xf32, #tpu.memory_space<vmem>>, vector<16xf32>,
    %swap3A_41 = vector.shape_cast %swap3A_40 : vector<16xf32> to vector<16xf32>
    %swap3A_42 = vector.shape_cast %broadcast_in_dim3A_38 : vector<16xf32> to vector<16xf32>
    tpu.vector_store %arg13[%swap3A_39], %swap3A_42 {strides = array<i32>} : memref<128xf32, #tpu.memory_space<vmem>>, vector<16xf32>,
    %broadcast_in_dim3A_43 = arith.constant 1.000000e+00 : f32
    %broadcast_in_dim3A_44 = vector.broadcast %broadcast_in_dim3A_43 : f32 to vector<16xf32>
    %swap3A_45 = arith.constant 80 : index
    %swap3A_46 = tpu.vector_load %arg13[%swap3A_45] {strides = array<i32>} : memref<128xf32, #tpu.memory_space<vmem>>, vector<16xf32>,
    %swap3A_47 = vector.shape_cast %swap3A_46 : vector<16xf32> to vector<16xf32>
    %swap3A_48 = vector.shape_cast %broadcast_in_dim3A_44 : vector<16xf32> to vector<16xf32>
    tpu.vector_store %arg13[%swap3A_45], %swap3A_48 {strides = array<i32>} : memref<128xf32, #tpu.memory_space<vmem>>, vector<16xf32>,
    %broadcast_in_dim3A_49 = arith.constant 1.000000e+00 : f32
    %broadcast_in_dim3A_50 = vector.broadcast %broadcast_in_dim3A_49 : f32 to vector<16xf32>
    %swap3A_51 = arith.constant 96 : index
    %swap3A_52 = tpu.vector_load %arg13[%swap3A_51] {strides = array<i32>} : memref<128xf32, #tpu.memory_space<vmem>>, vector<16xf32>,
    %swap3A_53 = vector.shape_cast %swap3A_52 : vector<16xf32> to vector<16xf32>
    %swap3A_54 = vector.shape_cast %broadcast_in_dim3A_50 : vector<16xf32> to vector<16xf32>
    tpu.vector_store %arg13[%swap3A_51], %swap3A_54 {strides = array<i32>} : memref<128xf32, #tpu.memory_space<vmem>>, vector<16xf32>,
    %broadcast_in_dim3A_55 = arith.constant 1.000000e+00 : f32
    %broadcast_in_dim3A_56 = vector.broadcast %broadcast_in_dim3A_55 : f32 to vector<16xf32>
    %swap3A_57 = arith.constant 112 : index
    %swap3A_58 = tpu.vector_load %arg13[%swap3A_57] {strides = array<i32>} : memref<128xf32, #tpu.memory_space<vmem>>, vector<16xf32>,
    %swap3A_59 = vector.shape_cast %swap3A_58 : vector<16xf32> to vector<16xf32>
    %swap3A_60 = vector.shape_cast %broadcast_in_dim3A_56 : vector<16xf32> to vector<16xf32>
    tpu.vector_store %arg13[%swap3A_57], %swap3A_60 {strides = array<i32>} : memref<128xf32, #tpu.memory_space<vmem>>, vector<16xf32>,
    %mul3A = arith.constant 640 : i32
    %mul3A_61 = arith.muli %arg1, %mul3A : i32
    %multiple_of3A = tpu.assume_multiple %mul3A_61, 640 : i32
    %add3A = arith.constant 0 : i32
    %add3A_62 = arith.addi %multiple_of3A, %add3A : i32
    "tpu.region"() ({
      %run_scoped3A_193 = tpu.sem_alloc : memref<!tpu.dma_semaphore, #tpu.memory_space<semaphore_mem>>
      %dma_start3A_194 = arith.constant 0 : i32
      %dma_start3A_195 = tpu.memref_slice %arg15[%add3A_62, %dma_start3A_194] : memref<10240x64xf32, #tpu.memory_space<vmem_shared>> -> memref<128x64xf32, #tpu.memory_space<vmem_shared>>
      %dma_start3A_196 = arith.constant 0 : i32
      %dma_start3A_197 = tpu.memref_slice %arg15[%add3A_62, %dma_start3A_196] : memref<10240x64xf32, #tpu.memory_space<vmem_shared>> -> memref<128x64xf32, #tpu.memory_space<vmem_shared>>
      tpu.enqueue_dma source(%arg9 : memref<128x64xf32, #tpu.memory_space<vmem>>) target(%dma_start3A_197 : memref<128x64xf32, #tpu.memory_space<vmem_shared>>) target_semaphore(%run_scoped3A_193 : memref<!tpu.dma_semaphore, #tpu.memory_space<semaphore_mem>>)
      %dma_wait3A_198 = arith.constant 0 : i32
      %dma_wait3A_199 = tpu.memref_slice %arg15[%add3A_62, %dma_wait3A_198] : memref<10240x64xf32, #tpu.memory_space<vmem_shared>> -> memref<128x64xf32, #tpu.memory_space<vmem_shared>>
      %dma_wait3A_200 = arith.constant 0 : i32
      %dma_wait3A_201 = tpu.memref_slice %arg15[%add3A_62, %dma_wait3A_200] : memref<10240x64xf32, #tpu.memory_space<vmem_shared>> -> memref<128x64xf32, #tpu.memory_space<vmem_shared>>
      tpu.wait_dma2 semaphore(%run_scoped3A_193 : memref<!tpu.dma_semaphore, #tpu.memory_space<semaphore_mem>>) src(%arg9 : memref<128x64xf32, #tpu.memory_space<vmem>>) dst(%dma_wait3A_201 : memref<128x64xf32, #tpu.memory_space<vmem_shared>>)
      tpu.yield
    }) : () -> ()
    %add3A_63 = arith.constant 128 : i32
    %add3A_64 = arith.addi %multiple_of3A, %add3A_63 : i32
    "tpu.region"() ({
      %run_scoped3A_193 = tpu.sem_alloc : memref<!tpu.dma_semaphore, #tpu.memory_space<semaphore_mem>>
      %dma_start3A_194 = arith.constant 0 : i32
      %dma_start3A_195 = tpu.memref_slice %arg15[%add3A_64, %dma_start3A_194] : memref<10240x64xf32, #tpu.memory_space<vmem_shared>> -> memref<128x64xf32, #tpu.memory_space<vmem_shared>>
      %dma_start3A_196 = arith.constant 0 : i32
      %dma_start3A_197 = tpu.memref_slice %arg15[%add3A_64, %dma_start3A_196] : memref<10240x64xf32, #tpu.memory_space<vmem_shared>> -> memref<128x64xf32, #tpu.memory_space<vmem_shared>>
      tpu.enqueue_dma source(%arg9 : memref<128x64xf32, #tpu.memory_space<vmem>>) target(%dma_start3A_197 : memref<128x64xf32, #tpu.memory_space<vmem_shared>>) target_semaphore(%run_scoped3A_193 : memref<!tpu.dma_semaphore, #tpu.memory_space<semaphore_mem>>)
      %dma_wait3A_198 = arith.constant 0 : i32
      %dma_wait3A_199 = tpu.memref_slice %arg15[%add3A_64, %dma_wait3A_198] : memref<10240x64xf32, #tpu.memory_space<vmem_shared>> -> memref<128x64xf32, #tpu.memory_space<vmem_shared>>
      %dma_wait3A_200 = arith.constant 0 : i32
      %dma_wait3A_201 = tpu.memref_slice %arg15[%add3A_64, %dma_wait3A_200] : memref<10240x64xf32, #tpu.memory_space<vmem_shared>> -> memref<128x64xf32, #tpu.memory_space<vmem_shared>>
      tpu.wait_dma2 semaphore(%run_scoped3A_193 : memref<!tpu.dma_semaphore, #tpu.memory_space<semaphore_mem>>) src(%arg9 : memref<128x64xf32, #tpu.memory_space<vmem>>) dst(%dma_wait3A_201 : memref<128x64xf32, #tpu.memory_space<vmem_shared>>)
      tpu.yield
    }) : () -> ()
    %add3A_65 = arith.constant 256 : i32
    %add3A_66 = arith.addi %multiple_of3A, %add3A_65 : i32
    "tpu.region"() ({
      %run_scoped3A_193 = tpu.sem_alloc : memref<!tpu.dma_semaphore, #tpu.memory_space<semaphore_mem>>
      %dma_start3A_194 = arith.constant 0 : i32
      %dma_start3A_195 = tpu.memref_slice %arg15[%add3A_66, %dma_start3A_194] : memref<10240x64xf32, #tpu.memory_space<vmem_shared>> -> memref<128x64xf32, #tpu.memory_space<vmem_shared>>
      %dma_start3A_196 = arith.constant 0 : i32
      %dma_start3A_197 = tpu.memref_slice %arg15[%add3A_66, %dma_start3A_196] : memref<10240x64xf32, #tpu.memory_space<vmem_shared>> -> memref<128x64xf32, #tpu.memory_space<vmem_shared>>
      tpu.enqueue_dma source(%arg9 : memref<128x64xf32, #tpu.memory_space<vmem>>) target(%dma_start3A_197 : memref<128x64xf32, #tpu.memory_space<vmem_shared>>) target_semaphore(%run_scoped3A_193 : memref<!tpu.dma_semaphore, #tpu.memory_space<semaphore_mem>>)
      %dma_wait3A_198 = arith.constant 0 : i32
      %dma_wait3A_199 = tpu.memref_slice %arg15[%add3A_66, %dma_wait3A_198] : memref<10240x64xf32, #tpu.memory_space<vmem_shared>> -> memref<128x64xf32, #tpu.memory_space<vmem_shared>>
      %dma_wait3A_200 = arith.constant 0 : i32
      %dma_wait3A_201 = tpu.memref_slice %arg15[%add3A_66, %dma_wait3A_200] : memref<10240x64xf32, #tpu.memory_space<vmem_shared>> -> memref<128x64xf32, #tpu.memory_space<vmem_shared>>
      tpu.wait_dma2 semaphore(%run_scoped3A_193 : memref<!tpu.dma_semaphore, #tpu.memory_space<semaphore_mem>>) src(%arg9 : memref<128x64xf32, #tpu.memory_space<vmem>>) dst(%dma_wait3A_201 : memref<128x64xf32, #tpu.memory_space<vmem_shared>>)
      tpu.yield
    }) : () -> ()
    %add3A_67 = arith.constant 384 : i32
    %add3A_68 = arith.addi %multiple_of3A, %add3A_67 : i32
    "tpu.region"() ({
      %run_scoped3A_193 = tpu.sem_alloc : memref<!tpu.dma_semaphore, #tpu.memory_space<semaphore_mem>>
      %dma_start3A_194 = arith.constant 0 : i32
      %dma_start3A_195 = tpu.memref_slice %arg15[%add3A_68, %dma_start3A_194] : memref<10240x64xf32, #tpu.memory_space<vmem_shared>> -> memref<128x64xf32, #tpu.memory_space<vmem_shared>>
      %dma_start3A_196 = arith.constant 0 : i32
      %dma_start3A_197 = tpu.memref_slice %arg15[%add3A_68, %dma_start3A_196] : memref<10240x64xf32, #tpu.memory_space<vmem_shared>> -> memref<128x64xf32, #tpu.memory_space<vmem_shared>>
      tpu.enqueue_dma source(%arg9 : memref<128x64xf32, #tpu.memory_space<vmem>>) target(%dma_start3A_197 : memref<128x64xf32, #tpu.memory_space<vmem_shared>>) target_semaphore(%run_scoped3A_193 : memref<!tpu.dma_semaphore, #tpu.memory_space<semaphore_mem>>)
      %dma_wait3A_198 = arith.constant 0 : i32
      %dma_wait3A_199 = tpu.memref_slice %arg15[%add3A_68, %dma_wait3A_198] : memref<10240x64xf32, #tpu.memory_space<vmem_shared>> -> memref<128x64xf32, #tpu.memory_space<vmem_shared>>
      %dma_wait3A_200 = arith.constant 0 : i32
      %dma_wait3A_201 = tpu.memref_slice %arg15[%add3A_68, %dma_wait3A_200] : memref<10240x64xf32, #tpu.memory_space<vmem_shared>> -> memref<128x64xf32, #tpu.memory_space<vmem_shared>>
      tpu.wait_dma2 semaphore(%run_scoped3A_193 : memref<!tpu.dma_semaphore, #tpu.memory_space<semaphore_mem>>) src(%arg9 : memref<128x64xf32, #tpu.memory_space<vmem>>) dst(%dma_wait3A_201 : memref<128x64xf32, #tpu.memory_space<vmem_shared>>)
      tpu.yield
    }) : () -> ()
    %add3A_69 = arith.constant 512 : i32
    %add3A_70 = arith.addi %multiple_of3A, %add3A_69 : i32
    "tpu.region"() ({
      %run_scoped3A_193 = tpu.sem_alloc : memref<!tpu.dma_semaphore, #tpu.memory_space<semaphore_mem>>
      %dma_start3A_194 = arith.constant 0 : i32
      %dma_start3A_195 = tpu.memref_slice %arg15[%add3A_70, %dma_start3A_194] : memref<10240x64xf32, #tpu.memory_space<vmem_shared>> -> memref<128x64xf32, #tpu.memory_space<vmem_shared>>
      %dma_start3A_196 = arith.constant 0 : i32
      %dma_start3A_197 = tpu.memref_slice %arg15[%add3A_70, %dma_start3A_196] : memref<10240x64xf32, #tpu.memory_space<vmem_shared>> -> memref<128x64xf32, #tpu.memory_space<vmem_shared>>
      tpu.enqueue_dma source(%arg9 : memref<128x64xf32, #tpu.memory_space<vmem>>) target(%dma_start3A_197 : memref<128x64xf32, #tpu.memory_space<vmem_shared>>) target_semaphore(%run_scoped3A_193 : memref<!tpu.dma_semaphore, #tpu.memory_space<semaphore_mem>>)
      %dma_wait3A_198 = arith.constant 0 : i32
      %dma_wait3A_199 = tpu.memref_slice %arg15[%add3A_70, %dma_wait3A_198] : memref<10240x64xf32, #tpu.memory_space<vmem_shared>> -> memref<128x64xf32, #tpu.memory_space<vmem_shared>>
      %dma_wait3A_200 = arith.constant 0 : i32
      %dma_wait3A_201 = tpu.memref_slice %arg15[%add3A_70, %dma_wait3A_200] : memref<10240x64xf32, #tpu.memory_space<vmem_shared>> -> memref<128x64xf32, #tpu.memory_space<vmem_shared>>
      tpu.wait_dma2 semaphore(%run_scoped3A_193 : memref<!tpu.dma_semaphore, #tpu.memory_space<semaphore_mem>>) src(%arg9 : memref<128x64xf32, #tpu.memory_space<vmem>>) dst(%dma_wait3A_201 : memref<128x64xf32, #tpu.memory_space<vmem_shared>>)
      tpu.yield
    }) : () -> ()
    "tpu.region"() ({
      %run_scoped3A_193 = tpu.sem_alloc : memref<!tpu.dma_semaphore, #tpu.memory_space<semaphore_mem>>
      %dma_start3A_194 = tpu.memref_slice %arg16[%multiple_of3A] : memref<10240xf32, #tpu.memory_space<vmem_shared>> -> memref<640xf32, #tpu.memory_space<vmem_shared>>
      %dma_start3A_195 = tpu.memref_slice %arg16[%multiple_of3A] : memref<10240xf32, #tpu.memory_space<vmem_shared>> -> memref<640xf32, #tpu.memory_space<vmem_shared>>
      tpu.enqueue_dma source(%arg14 : memref<640xf32, #tpu.memory_space<vmem>>) target(%dma_start3A_195 : memref<640xf32, #tpu.memory_space<vmem_shared>>) target_semaphore(%run_scoped3A_193 : memref<!tpu.dma_semaphore, #tpu.memory_space<semaphore_mem>>)
      %dma_wait3A_196 = tpu.memref_slice %arg16[%multiple_of3A] : memref<10240xf32, #tpu.memory_space<vmem_shared>> -> memref<640xf32, #tpu.memory_space<vmem_shared>>
      %dma_wait3A_197 = tpu.memref_slice %arg16[%multiple_of3A] : memref<10240xf32, #tpu.memory_space<vmem_shared>> -> memref<640xf32, #tpu.memory_space<vmem_shared>>
      tpu.wait_dma2 semaphore(%run_scoped3A_193 : memref<!tpu.dma_semaphore, #tpu.memory_space<semaphore_mem>>) src(%arg14 : memref<640xf32, #tpu.memory_space<vmem>>) dst(%dma_wait3A_197 : memref<640xf32, #tpu.memory_space<vmem_shared>>)
      tpu.yield
    }) : () -> ()
    %barrier3A = arith.constant 0 : index
    tpu.barrier barrier_id(%barrier3A)
    "tpu.region"() ({
      %run_scoped3A_193 = tpu.sem_alloc : memref<!tpu.dma_semaphore, #tpu.memory_space<semaphore_mem>>
      %dma_start3A_194 = arith.constant 0 : i32
      %dma_start3A_195 = arith.constant 0 : i32
      %dma_start3A_196 = tpu.memref_slice %arg3[%arg1, %dma_start3A_194, %dma_start3A_195] : memref<16x160x128xi32, #tpu.memory_space<hbm>> -> memref<1x160x128xi32, #tpu.memory_space<hbm>>
      %dma_start3A_197 = tpu.memref_squeeze %dma_start3A_196 : memref<1x160x128xi32, #tpu.memory_space<hbm>> -> memref<160x128xi32, #tpu.memory_space<hbm>>
      %dma_start3A_198 = arith.constant 0 : i32
      %dma_start3A_199 = arith.constant 0 : i32
      %dma_start3A_200 = tpu.memref_slice %arg3[%arg1, %dma_start3A_198, %dma_start3A_199] : memref<16x160x128xi32, #tpu.memory_space<hbm>> -> memref<1x160x128xi32, #tpu.memory_space<hbm>>
      %dma_start3A_201 = tpu.memref_squeeze %dma_start3A_200 : memref<1x160x128xi32, #tpu.memory_space<hbm>> -> memref<160x128xi32, #tpu.memory_space<hbm>>
      tpu.enqueue_dma source(%dma_start3A_201 : memref<160x128xi32, #tpu.memory_space<hbm>>) target(%arg7 : memref<160x128xi32, #tpu.memory_space<vmem>>) target_semaphore(%run_scoped3A_193 : memref<!tpu.dma_semaphore, #tpu.memory_space<semaphore_mem>>)
      %dma_wait3A_202 = arith.constant 0 : i32
      %dma_wait3A_203 = arith.constant 0 : i32
      %dma_wait3A_204 = tpu.memref_slice %arg3[%arg1, %dma_wait3A_202, %dma_wait3A_203] : memref<16x160x128xi32, #tpu.memory_space<hbm>> -> memref<1x160x128xi32, #tpu.memory_space<hbm>>
      %dma_wait3A_205 = tpu.memref_squeeze %dma_wait3A_204 : memref<1x160x128xi32, #tpu.memory_space<hbm>> -> memref<160x128xi32, #tpu.memory_space<hbm>>
      %dma_wait3A_206 = arith.constant 0 : i32
      %dma_wait3A_207 = arith.constant 0 : i32
      %dma_wait3A_208 = tpu.memref_slice %arg3[%arg1, %dma_wait3A_206, %dma_wait3A_207] : memref<16x160x128xi32, #tpu.memory_space<hbm>> -> memref<1x160x128xi32, #tpu.memory_space<hbm>>
      %dma_wait3A_209 = tpu.memref_squeeze %dma_wait3A_208 : memref<1x160x128xi32, #tpu.memory_space<hbm>> -> memref<160x128xi32, #tpu.memory_space<hbm>>
      tpu.wait_dma2 semaphore(%run_scoped3A_193 : memref<!tpu.dma_semaphore, #tpu.memory_space<semaphore_mem>>) src(%dma_wait3A_209 : memref<160x128xi32, #tpu.memory_space<hbm>>) dst(%arg7 : memref<160x128xi32, #tpu.memory_space<vmem>>)
      tpu.yield
    }) : () -> ()
    "tpu.region"() ({
      %run_scoped3A_193 = tpu.sem_alloc : memref<!tpu.dma_semaphore, #tpu.memory_space<semaphore_mem>>
      %dma_start3A_194 = arith.constant 0 : i32
      %dma_start3A_195 = arith.constant 0 : i32
      %dma_start3A_196 = tpu.memref_slice %arg4[%arg1, %dma_start3A_194, %dma_start3A_195] : memref<16x160x128xi32, #tpu.memory_space<hbm>> -> memref<1x160x128xi32, #tpu.memory_space<hbm>>
      %dma_start3A_197 = tpu.memref_squeeze %dma_start3A_196 : memref<1x160x128xi32, #tpu.memory_space<hbm>> -> memref<160x128xi32, #tpu.memory_space<hbm>>
      %dma_start3A_198 = arith.constant 0 : i32
      %dma_start3A_199 = arith.constant 0 : i32
      %dma_start3A_200 = tpu.memref_slice %arg4[%arg1, %dma_start3A_198, %dma_start3A_199] : memref<16x160x128xi32, #tpu.memory_space<hbm>> -> memref<1x160x128xi32, #tpu.memory_space<hbm>>
      %dma_start3A_201 = tpu.memref_squeeze %dma_start3A_200 : memref<1x160x128xi32, #tpu.memory_space<hbm>> -> memref<160x128xi32, #tpu.memory_space<hbm>>
      tpu.enqueue_dma source(%dma_start3A_201 : memref<160x128xi32, #tpu.memory_space<hbm>>) target(%arg8 : memref<160x128xi32, #tpu.memory_space<vmem>>) target_semaphore(%run_scoped3A_193 : memref<!tpu.dma_semaphore, #tpu.memory_space<semaphore_mem>>)
      %dma_wait3A_202 = arith.constant 0 : i32
      %dma_wait3A_203 = arith.constant 0 : i32
      %dma_wait3A_204 = tpu.memref_slice %arg4[%arg1, %dma_wait3A_202, %dma_wait3A_203] : memref<16x160x128xi32, #tpu.memory_space<hbm>> -> memref<1x160x128xi32, #tpu.memory_space<hbm>>
      %dma_wait3A_205 = tpu.memref_squeeze %dma_wait3A_204 : memref<1x160x128xi32, #tpu.memory_space<hbm>> -> memref<160x128xi32, #tpu.memory_space<hbm>>
      %dma_wait3A_206 = arith.constant 0 : i32
      %dma_wait3A_207 = arith.constant 0 : i32
      %dma_wait3A_208 = tpu.memref_slice %arg4[%arg1, %dma_wait3A_206, %dma_wait3A_207] : memref<16x160x128xi32, #tpu.memory_space<hbm>> -> memref<1x160x128xi32, #tpu.memory_space<hbm>>
      %dma_wait3A_209 = tpu.memref_squeeze %dma_wait3A_208 : memref<1x160x128xi32, #tpu.memory_space<hbm>> -> memref<160x128xi32, #tpu.memory_space<hbm>>
      tpu.wait_dma2 semaphore(%run_scoped3A_193 : memref<!tpu.dma_semaphore, #tpu.memory_space<semaphore_mem>>) src(%dma_wait3A_209 : memref<160x128xi32, #tpu.memory_space<hbm>>) dst(%arg8 : memref<160x128xi32, #tpu.memory_space<vmem>>)
      tpu.yield
    }) : () -> ()
    %scan3A_71 = arith.constant 0 : i32
    %scan3A_72 = arith.constant 0 : i32
    %scan3A_73 = arith.constant 160 : i32
    %scan3A_74 = arith.addi %scan3A_72, %scan3A_73 : i32
    %scan3A_75 = arith.constant 1 : i32
    %scan3A_76 = scf.for %scan3A_193 = %scan3A_72 to %scan3A_74 step %scan3A_75 iter_args(%scan3A_194 = %scan3A_71) -> (i32)  : i32 {
      %get3A = arith.index_cast %scan3A_193 : i32 to index
      %get3A_195 = arith.constant 0 : index
      %get3A_196 = tpu.vector_load %arg7[%get3A, %get3A_195] {strides = array<i32>} : memref<160x128xi32, #tpu.memory_space<vmem>>, vector<1x16xi32>,
      %get3A_197 = vector.shape_cast %get3A_196 : vector<1x16xi32> to vector<16xi32>
      %mul3A_198 = arith.constant 2 : i32
      %mul3A_199 = vector.broadcast %mul3A_198 : i32 to vector<16xi32>
      %mul3A_200 = arith.muli %get3A_197, %mul3A_199 : vector<16xi32>
      %add3A_201 = vector.broadcast %arg0 : i32 to vector<16xi32>
      %add3A_202 = arith.addi %mul3A_200, %add3A_201 : vector<16xi32>
      %swap3A_203 = arith.index_cast %scan3A_193 : i32 to index
      %swap3A_204 = arith.constant 0 : index
      %swap3A_205 = tpu.vector_load %arg7[%swap3A_203, %swap3A_204] {strides = array<i32>} : memref<160x128xi32, #tpu.memory_space<vmem>>, vector<1x16xi32>,
      %swap3A_206 = vector.shape_cast %swap3A_205 : vector<1x16xi32> to vector<16xi32>
      %swap3A_207 = vector.shape_cast %add3A_202 : vector<16xi32> to vector<1x16xi32>
      tpu.vector_store %arg7[%swap3A_203, %swap3A_204], %swap3A_207 {strides = array<i32>} : memref<160x128xi32, #tpu.memory_space<vmem>>, vector<1x16xi32>,
      %get3A_208 = arith.index_cast %scan3A_193 : i32 to index
      %get3A_209 = arith.constant 16 : index
      %get3A_210 = tpu.vector_load %arg7[%get3A_208, %get3A_209] {strides = array<i32>} : memref<160x128xi32, #tpu.memory_space<vmem>>, vector<1x16xi32>,
      %get3A_211 = vector.shape_cast %get3A_210 : vector<1x16xi32> to vector<16xi32>
      %mul3A_212 = arith.constant 2 : i32
      %mul3A_213 = vector.broadcast %mul3A_212 : i32 to vector<16xi32>
      %mul3A_214 = arith.muli %get3A_211, %mul3A_213 : vector<16xi32>
      %add3A_215 = vector.broadcast %arg0 : i32 to vector<16xi32>
      %add3A_216 = arith.addi %mul3A_214, %add3A_215 : vector<16xi32>
      %swap3A_217 = arith.index_cast %scan3A_193 : i32 to index
      %swap3A_218 = arith.constant 16 : index
      %swap3A_219 = tpu.vector_load %arg7[%swap3A_217, %swap3A_218] {strides = array<i32>} : memref<160x128xi32, #tpu.memory_space<vmem>>, vector<1x16xi32>,
      %swap3A_220 = vector.shape_cast %swap3A_219 : vector<1x16xi32> to vector<16xi32>
      %swap3A_221 = vector.shape_cast %add3A_216 : vector<16xi32> to vector<1x16xi32>
      tpu.vector_store %arg7[%swap3A_217, %swap3A_218], %swap3A_221 {strides = array<i32>} : memref<160x128xi32, #tpu.memory_space<vmem>>, vector<1x16xi32>,
      %get3A_222 = arith.index_cast %scan3A_193 : i32 to index
      %get3A_223 = arith.constant 32 : index
      %get3A_224 = tpu.vector_load %arg7[%get3A_222, %get3A_223] {strides = array<i32>} : memref<160x128xi32, #tpu.memory_space<vmem>>, vector<1x16xi32>,
      %get3A_225 = vector.shape_cast %get3A_224 : vector<1x16xi32> to vector<16xi32>
      %mul3A_226 = arith.constant 2 : i32
      %mul3A_227 = vector.broadcast %mul3A_226 : i32 to vector<16xi32>
      %mul3A_228 = arith.muli %get3A_225, %mul3A_227 : vector<16xi32>
      %add3A_229 = vector.broadcast %arg0 : i32 to vector<16xi32>
      %add3A_230 = arith.addi %mul3A_228, %add3A_229 : vector<16xi32>
      %swap3A_231 = arith.index_cast %scan3A_193 : i32 to index
      %swap3A_232 = arith.constant 32 : index
      %swap3A_233 = tpu.vector_load %arg7[%swap3A_231, %swap3A_232] {strides = array<i32>} : memref<160x128xi32, #tpu.memory_space<vmem>>, vector<1x16xi32>,
      %swap3A_234 = vector.shape_cast %swap3A_233 : vector<1x16xi32> to vector<16xi32>
      %swap3A_235 = vector.shape_cast %add3A_230 : vector<16xi32> to vector<1x16xi32>
      tpu.vector_store %arg7[%swap3A_231, %swap3A_232], %swap3A_235 {strides = array<i32>} : memref<160x128xi32, #tpu.memory_space<vmem>>, vector<1x16xi32>,
      %get3A_236 = arith.index_cast %scan3A_193 : i32 to index
      %get3A_237 = arith.constant 48 : index
      %get3A_238 = tpu.vector_load %arg7[%get3A_236, %get3A_237] {strides = array<i32>} : memref<160x128xi32, #tpu.memory_space<vmem>>, vector<1x16xi32>,
      %get3A_239 = vector.shape_cast %get3A_238 : vector<1x16xi32> to vector<16xi32>
      %mul3A_240 = arith.constant 2 : i32
      %mul3A_241 = vector.broadcast %mul3A_240 : i32 to vector<16xi32>
      %mul3A_242 = arith.muli %get3A_239, %mul3A_241 : vector<16xi32>
      %add3A_243 = vector.broadcast %arg0 : i32 to vector<16xi32>
      %add3A_244 = arith.addi %mul3A_242, %add3A_243 : vector<16xi32>
      %swap3A_245 = arith.index_cast %scan3A_193 : i32 to index
      %swap3A_246 = arith.constant 48 : index
      %swap3A_247 = tpu.vector_load %arg7[%swap3A_245, %swap3A_246] {strides = array<i32>} : memref<160x128xi32, #tpu.memory_space<vmem>>, vector<1x16xi32>,
      %swap3A_248 = vector.shape_cast %swap3A_247 : vector<1x16xi32> to vector<16xi32>
      %swap3A_249 = vector.shape_cast %add3A_244 : vector<16xi32> to vector<1x16xi32>
      tpu.vector_store %arg7[%swap3A_245, %swap3A_246], %swap3A_249 {strides = array<i32>} : memref<160x128xi32, #tpu.memory_space<vmem>>, vector<1x16xi32>,
      %get3A_250 = arith.index_cast %scan3A_193 : i32 to index
      %get3A_251 = arith.constant 64 : index
      %get3A_252 = tpu.vector_load %arg7[%get3A_250, %get3A_251] {strides = array<i32>} : memref<160x128xi32, #tpu.memory_space<vmem>>, vector<1x16xi32>,
      %get3A_253 = vector.shape_cast %get3A_252 : vector<1x16xi32> to vector<16xi32>
      %mul3A_254 = arith.constant 2 : i32
      %mul3A_255 = vector.broadcast %mul3A_254 : i32 to vector<16xi32>
      %mul3A_256 = arith.muli %get3A_253, %mul3A_255 : vector<16xi32>
      %add3A_257 = vector.broadcast %arg0 : i32 to vector<16xi32>
      %add3A_258 = arith.addi %mul3A_256, %add3A_257 : vector<16xi32>
      %swap3A_259 = arith.index_cast %scan3A_193 : i32 to index
      %swap3A_260 = arith.constant 64 : index
      %swap3A_261 = tpu.vector_load %arg7[%swap3A_259, %swap3A_260] {strides = array<i32>} : memref<160x128xi32, #tpu.memory_space<vmem>>, vector<1x16xi32>,
      %swap3A_262 = vector.shape_cast %swap3A_261 : vector<1x16xi32> to vector<16xi32>
      %swap3A_263 = vector.shape_cast %add3A_258 : vector<16xi32> to vector<1x16xi32>
      tpu.vector_store %arg7[%swap3A_259, %swap3A_260], %swap3A_263 {strides = array<i32>} : memref<160x128xi32, #tpu.memory_space<vmem>>, vector<1x16xi32>,
      %get3A_264 = arith.index_cast %scan3A_193 : i32 to index
      %get3A_265 = arith.constant 80 : index
      %get3A_266 = tpu.vector_load %arg7[%get3A_264, %get3A_265] {strides = array<i32>} : memref<160x128xi32, #tpu.memory_space<vmem>>, vector<1x16xi32>,
      %get3A_267 = vector.shape_cast %get3A_266 : vector<1x16xi32> to vector<16xi32>
      %mul3A_268 = arith.constant 2 : i32
      %mul3A_269 = vector.broadcast %mul3A_268 : i32 to vector<16xi32>
      %mul3A_270 = arith.muli %get3A_267, %mul3A_269 : vector<16xi32>
      %add3A_271 = vector.broadcast %arg0 : i32 to vector<16xi32>
      %add3A_272 = arith.addi %mul3A_270, %add3A_271 : vector<16xi32>
      %swap3A_273 = arith.index_cast %scan3A_193 : i32 to index
      %swap3A_274 = arith.constant 80 : index
      %swap3A_275 = tpu.vector_load %arg7[%swap3A_273, %swap3A_274] {strides = array<i32>} : memref<160x128xi32, #tpu.memory_space<vmem>>, vector<1x16xi32>,
      %swap3A_276 = vector.shape_cast %swap3A_275 : vector<1x16xi32> to vector<16xi32>
      %swap3A_277 = vector.shape_cast %add3A_272 : vector<16xi32> to vector<1x16xi32>
      tpu.vector_store %arg7[%swap3A_273, %swap3A_274], %swap3A_277 {strides = array<i32>} : memref<160x128xi32, #tpu.memory_space<vmem>>, vector<1x16xi32>,
      %get3A_278 = arith.index_cast %scan3A_193 : i32 to index
      %get3A_279 = arith.constant 96 : index
      %get3A_280 = tpu.vector_load %arg7[%get3A_278, %get3A_279] {strides = array<i32>} : memref<160x128xi32, #tpu.memory_space<vmem>>, vector<1x16xi32>,
      %get3A_281 = vector.shape_cast %get3A_280 : vector<1x16xi32> to vector<16xi32>
      %mul3A_282 = arith.constant 2 : i32
      %mul3A_283 = vector.broadcast %mul3A_282 : i32 to vector<16xi32>
      %mul3A_284 = arith.muli %get3A_281, %mul3A_283 : vector<16xi32>
      %add3A_285 = vector.broadcast %arg0 : i32 to vector<16xi32>
      %add3A_286 = arith.addi %mul3A_284, %add3A_285 : vector<16xi32>
      %swap3A_287 = arith.index_cast %scan3A_193 : i32 to index
      %swap3A_288 = arith.constant 96 : index
      %swap3A_289 = tpu.vector_load %arg7[%swap3A_287, %swap3A_288] {strides = array<i32>} : memref<160x128xi32, #tpu.memory_space<vmem>>, vector<1x16xi32>,
      %swap3A_290 = vector.shape_cast %swap3A_289 : vector<1x16xi32> to vector<16xi32>
      %swap3A_291 = vector.shape_cast %add3A_286 : vector<16xi32> to vector<1x16xi32>
      tpu.vector_store %arg7[%swap3A_287, %swap3A_288], %swap3A_291 {strides = array<i32>} : memref<160x128xi32, #tpu.memory_space<vmem>>, vector<1x16xi32>,
      %get3A_292 = arith.index_cast %scan3A_193 : i32 to index
      %get3A_293 = arith.constant 112 : index
      %get3A_294 = tpu.vector_load %arg7[%get3A_292, %get3A_293] {strides = array<i32>} : memref<160x128xi32, #tpu.memory_space<vmem>>, vector<1x16xi32>,
      %get3A_295 = vector.shape_cast %get3A_294 : vector<1x16xi32> to vector<16xi32>
      %mul3A_296 = arith.constant 2 : i32
      %mul3A_297 = vector.broadcast %mul3A_296 : i32 to vector<16xi32>
      %mul3A_298 = arith.muli %get3A_295, %mul3A_297 : vector<16xi32>
      %add3A_299 = vector.broadcast %arg0 : i32 to vector<16xi32>
      %add3A_300 = arith.addi %mul3A_298, %add3A_299 : vector<16xi32>
      %swap3A_301 = arith.index_cast %scan3A_193 : i32 to index
      %swap3A_302 = arith.constant 112 : index
      %swap3A_303 = tpu.vector_load %arg7[%swap3A_301, %swap3A_302] {strides = array<i32>} : memref<160x128xi32, #tpu.memory_space<vmem>>, vector<1x16xi32>,
      %swap3A_304 = vector.shape_cast %swap3A_303 : vector<1x16xi32> to vector<16xi32>
      %swap3A_305 = vector.shape_cast %add3A_300 : vector<16xi32> to vector<1x16xi32>
      tpu.vector_store %arg7[%swap3A_301, %swap3A_302], %swap3A_305 {strides = array<i32>} : memref<160x128xi32, #tpu.memory_space<vmem>>, vector<1x16xi32>,
      %scan3A_306 = arith.constant 0 : i32
      scf.yield %scan3A_306 : i32
    }
    %scan3A_77 = arith.constant 160 : i32
    %dma_start3A = arith.constant 0 : i32
    %dma_start3A_78 = arith.constant 0 : i32
    %dma_start3A_79 = tpu.memref_slice %arg7[%dma_start3A, %dma_start3A_78] : memref<160x128xi32, #tpu.memory_space<vmem>> -> memref<1x128xi32, #tpu.memory_space<vmem>>
    %dma_start3A_80 = tpu.memref_squeeze %dma_start3A_79 : memref<1x128xi32, #tpu.memory_space<vmem>> -> memref<128xi32, #tpu.memory_space<vmem>>
    %dma_start3A_81 = arith.constant 0 : i32
    %dma_start3A_82 = arith.constant 0 : i32
    %dma_start3A_83 = tpu.memref_slice %arg2[%dma_start3A_81, %dma_start3A_82] : memref<20000x64xf32, #tpu.memory_space<hbm>> -> memref<20000x64xf32, #tpu.memory_space<hbm>>
    tpu.enqueue_indirect_dma source(%dma_start3A_83 : memref<20000x64xf32, #tpu.memory_space<hbm>>) target(%arg9 : memref<128x64xf32, #tpu.memory_space<vmem>>) offsets(%dma_start3A_80 : memref<128xi32, #tpu.memory_space<vmem>>) semaphore(%arg17 : memref<!tpu.dma_semaphore, #tpu.memory_space<semaphore_mem>>)
    %dma_start3A_84 = arith.constant 1 : i32
    %dma_start3A_85 = arith.constant 0 : i32
    %dma_start3A_86 = tpu.memref_slice %arg7[%dma_start3A_84, %dma_start3A_85] : memref<160x128xi32, #tpu.memory_space<vmem>> -> memref<1x128xi32, #tpu.memory_space<vmem>>
    %dma_start3A_87 = tpu.memref_squeeze %dma_start3A_86 : memref<1x128xi32, #tpu.memory_space<vmem>> -> memref<128xi32, #tpu.memory_space<vmem>>
    %dma_start3A_88 = arith.constant 0 : i32
    %dma_start3A_89 = arith.constant 0 : i32
    %dma_start3A_90 = tpu.memref_slice %arg2[%dma_start3A_88, %dma_start3A_89] : memref<20000x64xf32, #tpu.memory_space<hbm>> -> memref<20000x64xf32, #tpu.memory_space<hbm>>
    tpu.enqueue_indirect_dma source(%dma_start3A_90 : memref<20000x64xf32, #tpu.memory_space<hbm>>) target(%arg10 : memref<128x64xf32, #tpu.memory_space<vmem>>) offsets(%dma_start3A_87 : memref<128xi32, #tpu.memory_space<vmem>>) semaphore(%arg18 : memref<!tpu.dma_semaphore, #tpu.memory_space<semaphore_mem>>)
    %dma_start3A_91 = arith.constant 2 : i32
    %dma_start3A_92 = arith.constant 0 : i32
    %dma_start3A_93 = tpu.memref_slice %arg7[%dma_start3A_91, %dma_start3A_92] : memref<160x128xi32, #tpu.memory_space<vmem>> -> memref<1x128xi32, #tpu.memory_space<vmem>>
    %dma_start3A_94 = tpu.memref_squeeze %dma_start3A_93 : memref<1x128xi32, #tpu.memory_space<vmem>> -> memref<128xi32, #tpu.memory_space<vmem>>
    %dma_start3A_95 = arith.constant 0 : i32
    %dma_start3A_96 = arith.constant 0 : i32
    %dma_start3A_97 = tpu.memref_slice %arg2[%dma_start3A_95, %dma_start3A_96] : memref<20000x64xf32, #tpu.memory_space<hbm>> -> memref<20000x64xf32, #tpu.memory_space<hbm>>
    tpu.enqueue_indirect_dma source(%dma_start3A_97 : memref<20000x64xf32, #tpu.memory_space<hbm>>) target(%arg11 : memref<128x64xf32, #tpu.memory_space<vmem>>) offsets(%dma_start3A_94 : memref<128xi32, #tpu.memory_space<vmem>>) semaphore(%arg19 : memref<!tpu.dma_semaphore, #tpu.memory_space<semaphore_mem>>)
    %dma_start3A_98 = arith.constant 3 : i32
    %dma_start3A_99 = arith.constant 0 : i32
    %dma_start3A_100 = tpu.memref_slice %arg7[%dma_start3A_98, %dma_start3A_99] : memref<160x128xi32, #tpu.memory_space<vmem>> -> memref<1x128xi32, #tpu.memory_space<vmem>>
    %dma_start3A_101 = tpu.memref_squeeze %dma_start3A_100 : memref<1x128xi32, #tpu.memory_space<vmem>> -> memref<128xi32, #tpu.memory_space<vmem>>
    %dma_start3A_102 = arith.constant 0 : i32
    %dma_start3A_103 = arith.constant 0 : i32
    %dma_start3A_104 = tpu.memref_slice %arg2[%dma_start3A_102, %dma_start3A_103] : memref<20000x64xf32, #tpu.memory_space<hbm>> -> memref<20000x64xf32, #tpu.memory_space<hbm>>
    tpu.enqueue_indirect_dma source(%dma_start3A_104 : memref<20000x64xf32, #tpu.memory_space<hbm>>) target(%arg12 : memref<128x64xf32, #tpu.memory_space<vmem>>) offsets(%dma_start3A_101 : memref<128xi32, #tpu.memory_space<vmem>>) semaphore(%arg20 : memref<!tpu.dma_semaphore, #tpu.memory_space<semaphore_mem>>)
    %scan3A_105 = arith.constant 0 : i32
    %scan3A_106 = arith.constant 0 : i32
    %scan3A_107 = arith.constant 39 : i32
    %scan3A_108 = arith.addi %scan3A_106, %scan3A_107 : i32
    %scan3A_109 = arith.constant 1 : i32
    %scan3A_110 = scf.for %scan3A_193 = %scan3A_106 to %scan3A_108 step %scan3A_109 iter_args(%scan3A_194 = %scan3A_105) -> (i32)  : i32 {
      %mul3A_195 = arith.constant 4 : i32
      %mul3A_196 = arith.muli %mul3A_195, %scan3A_193 : i32
      %add3A_197 = arith.constant 0 : i32
      %add3A_198 = arith.addi %mul3A_196, %add3A_197 : i32
      %dma_wait3A_199 = arith.constant 0 : i32
      %dma_wait3A_200 = tpu.memref_slice %arg7[%add3A_198, %dma_wait3A_199] : memref<160x128xi32, #tpu.memory_space<vmem>> -> memref<1x128xi32, #tpu.memory_space<vmem>>
      %dma_wait3A_201 = tpu.memref_squeeze %dma_wait3A_200 : memref<1x128xi32, #tpu.memory_space<vmem>> -> memref<128xi32, #tpu.memory_space<vmem>>
      %dma_wait3A_202 = arith.constant 0 : i32
      %dma_wait3A_203 = arith.constant 0 : i32
      %dma_wait3A_204 = tpu.memref_slice %arg2[%dma_wait3A_202, %dma_wait3A_203] : memref<20000x64xf32, #tpu.memory_space<hbm>> -> memref<20000x64xf32, #tpu.memory_space<hbm>>
      tpu.wait_indirect_dma semaphore(%arg17 : memref<!tpu.dma_semaphore, #tpu.memory_space<semaphore_mem>>) src(%dma_wait3A_204 : memref<20000x64xf32, #tpu.memory_space<hbm>>) dst(%arg9 : memref<128x64xf32, #tpu.memory_space<vmem>>)
      %add3A_205 = arith.constant 0 : i32
      %add3A_206 = arith.addi %mul3A_196, %add3A_205 : i32
      "tpu.region"() ({
        %run_scoped3A_316 = tpu.sem_alloc : memref<!tpu.dma_semaphore, #tpu.memory_space<semaphore_mem>>
        %dma_start3A_317 = arith.constant 0 : i32
        %dma_start3A_318 = tpu.memref_slice %arg8[%add3A_206, %dma_start3A_317] : memref<160x128xi32, #tpu.memory_space<vmem>> -> memref<1x128xi32, #tpu.memory_space<vmem>>
        %dma_start3A_319 = tpu.memref_squeeze %dma_start3A_318 : memref<1x128xi32, #tpu.memory_space<vmem>> -> memref<128xi32, #tpu.memory_space<vmem>>
        %dma_start3A_320 = arith.constant 0 : i32
        %dma_start3A_321 = arith.constant 0 : i32
        %dma_start3A_322 = tpu.memref_slice %arg15[%dma_start3A_320, %dma_start3A_321] : memref<10240x64xf32, #tpu.memory_space<vmem_shared>> -> memref<10240x64xf32, #tpu.memory_space<vmem_shared>>
        tpu.enqueue_indirect_dma source(%arg9 : memref<128x64xf32, #tpu.memory_space<vmem>>) target(%dma_start3A_322 : memref<10240x64xf32, #tpu.memory_space<vmem_shared>>) offsets(%dma_start3A_319 : memref<128xi32, #tpu.memory_space<vmem>>) semaphore(%run_scoped3A_316 : memref<!tpu.dma_semaphore, #tpu.memory_space<semaphore_mem>>) {add = true}
        %dma_wait3A_323 = arith.constant 0 : i32
        %dma_wait3A_324 = tpu.memref_slice %arg8[%add3A_206, %dma_wait3A_323] : memref<160x128xi32, #tpu.memory_space<vmem>> -> memref<1x128xi32, #tpu.memory_space<vmem>>
        %dma_wait3A_325 = tpu.memref_squeeze %dma_wait3A_324 : memref<1x128xi32, #tpu.memory_space<vmem>> -> memref<128xi32, #tpu.memory_space<vmem>>
        %dma_wait3A_326 = arith.constant 0 : i32
        %dma_wait3A_327 = arith.constant 0 : i32
        %dma_wait3A_328 = tpu.memref_slice %arg15[%dma_wait3A_326, %dma_wait3A_327] : memref<10240x64xf32, #tpu.memory_space<vmem_shared>> -> memref<10240x64xf32, #tpu.memory_space<vmem_shared>>
        tpu.wait_indirect_dma semaphore(%run_scoped3A_316 : memref<!tpu.dma_semaphore, #tpu.memory_space<semaphore_mem>>) src(%arg9 : memref<128x64xf32, #tpu.memory_space<vmem>>) dst(%dma_wait3A_328 : memref<10240x64xf32, #tpu.memory_space<vmem_shared>>)
        tpu.yield
      }) : () -> ()
      %eq3A_207 = arith.constant 0 : i32
      %eq3A_208 = arith.cmpi eq, %arg0, %eq3A_207 : i32
      %lt3A = arith.constant 80 : i32
      %lt3A_209 = arith.cmpi slt, %add3A_206, %lt3A : i32
      %ge3A = arith.constant 80 : i32
      %ge3A_210 = arith.cmpi sge, %add3A_206, %ge3A : i32
      %select_n3A_211 = arith.select %eq3A_208, %lt3A_209, %ge3A_210 : i1
      %convert_element_type3A_212 = arith.extui %select_n3A_211 : i1 to i32
      %cond3A_213 = arith.constant 0 : i32
      %cond3A_214 = arith.cmpi ne, %convert_element_type3A_212, %cond3A_213 : i32
      scf.if %cond3A_214 {
        "tpu.region"() ({
          %run_scoped3A_316 = tpu.sem_alloc : memref<!tpu.dma_semaphore, #tpu.memory_space<semaphore_mem>>
          %dma_start3A_317 = arith.constant 0 : i32
          %dma_start3A_318 = tpu.memref_slice %arg8[%add3A_206, %dma_start3A_317] : memref<160x128xi32, #tpu.memory_space<vmem>> -> memref<1x128xi32, #tpu.memory_space<vmem>>
          %dma_start3A_319 = tpu.memref_squeeze %dma_start3A_318 : memref<1x128xi32, #tpu.memory_space<vmem>> -> memref<128xi32, #tpu.memory_space<vmem>>
          %dma_start3A_320 = arith.constant 0 : i32
          %dma_start3A_321 = tpu.memref_slice %arg16[%dma_start3A_320] : memref<10240xf32, #tpu.memory_space<vmem_shared>> -> memref<10240xf32, #tpu.memory_space<vmem_shared>>
          tpu.enqueue_indirect_dma source(%arg13 : memref<128xf32, #tpu.memory_space<vmem>>) target(%dma_start3A_321 : memref<10240xf32, #tpu.memory_space<vmem_shared>>) offsets(%dma_start3A_319 : memref<128xi32, #tpu.memory_space<vmem>>) semaphore(%run_scoped3A_316 : memref<!tpu.dma_semaphore, #tpu.memory_space<semaphore_mem>>) {add = true}
          %dma_wait3A_322 = arith.constant 0 : i32
          %dma_wait3A_323 = tpu.memref_slice %arg8[%add3A_206, %dma_wait3A_322] : memref<160x128xi32, #tpu.memory_space<vmem>> -> memref<1x128xi32, #tpu.memory_space<vmem>>
          %dma_wait3A_324 = tpu.memref_squeeze %dma_wait3A_323 : memref<1x128xi32, #tpu.memory_space<vmem>> -> memref<128xi32, #tpu.memory_space<vmem>>
          %dma_wait3A_325 = arith.constant 0 : i32
          %dma_wait3A_326 = tpu.memref_slice %arg16[%dma_wait3A_325] : memref<10240xf32, #tpu.memory_space<vmem_shared>> -> memref<10240xf32, #tpu.memory_space<vmem_shared>>
          tpu.wait_indirect_dma semaphore(%run_scoped3A_316 : memref<!tpu.dma_semaphore, #tpu.memory_space<semaphore_mem>>) src(%arg13 : memref<128xf32, #tpu.memory_space<vmem>>) dst(%dma_wait3A_326 : memref<10240xf32, #tpu.memory_space<vmem_shared>>)
          tpu.yield
        }) : () -> ()
      } else {
      }
      %add3A_215 = arith.constant 0 : i32
      %add3A_216 = arith.addi %mul3A_196, %add3A_215 : i32
      %add3A_217 = arith.constant 4 : i32
      %add3A_218 = arith.addi %add3A_216, %add3A_217 : i32
      %dma_start3A_219 = arith.constant 0 : i32
      %dma_start3A_220 = tpu.memref_slice %arg7[%add3A_218, %dma_start3A_219] : memref<160x128xi32, #tpu.memory_space<vmem>> -> memref<1x128xi32, #tpu.memory_space<vmem>>
      %dma_start3A_221 = tpu.memref_squeeze %dma_start3A_220 : memref<1x128xi32, #tpu.memory_space<vmem>> -> memref<128xi32, #tpu.memory_space<vmem>>
      %dma_start3A_222 = arith.constant 0 : i32
      %dma_start3A_223 = arith.constant 0 : i32
      %dma_start3A_224 = tpu.memref_slice %arg2[%dma_start3A_222, %dma_start3A_223] : memref<20000x64xf32, #tpu.memory_space<hbm>> -> memref<20000x64xf32, #tpu.memory_space<hbm>>
      tpu.enqueue_indirect_dma source(%dma_start3A_224 : memref<20000x64xf32, #tpu.memory_space<hbm>>) target(%arg9 : memref<128x64xf32, #tpu.memory_space<vmem>>) offsets(%dma_start3A_221 : memref<128xi32, #tpu.memory_space<vmem>>) semaphore(%arg17 : memref<!tpu.dma_semaphore, #tpu.memory_space<semaphore_mem>>)
      %add3A_225 = arith.constant 1 : i32
      %add3A_226 = arith.addi %mul3A_196, %add3A_225 : i32
      %dma_wait3A_227 = arith.constant 0 : i32
      %dma_wait3A_228 = tpu.memref_slice %arg7[%add3A_226, %dma_wait3A_227] : memref<160x128xi32, #tpu.memory_space<vmem>> -> memref<1x128xi32, #tpu.memory_space<vmem>>
      %dma_wait3A_229 = tpu.memref_squeeze %dma_wait3A_228 : memref<1x128xi32, #tpu.memory_space<vmem>> -> memref<128xi32, #tpu.memory_space<vmem>>
      %dma_wait3A_230 = arith.constant 0 : i32
      %dma_wait3A_231 = arith.constant 0 : i32
      %dma_wait3A_232 = tpu.memref_slice %arg2[%dma_wait3A_230, %dma_wait3A_231] : memref<20000x64xf32, #tpu.memory_space<hbm>> -> memref<20000x64xf32, #tpu.memory_space<hbm>>
      tpu.wait_indirect_dma semaphore(%arg18 : memref<!tpu.dma_semaphore, #tpu.memory_space<semaphore_mem>>) src(%dma_wait3A_232 : memref<20000x64xf32, #tpu.memory_space<hbm>>) dst(%arg10 : memref<128x64xf32, #tpu.memory_space<vmem>>)
      %add3A_233 = arith.constant 1 : i32
      %add3A_234 = arith.addi %mul3A_196, %add3A_233 : i32
      "tpu.region"() ({
        %run_scoped3A_316 = tpu.sem_alloc : memref<!tpu.dma_semaphore, #tpu.memory_space<semaphore_mem>>
        %dma_start3A_317 = arith.constant 0 : i32
        %dma_start3A_318 = tpu.memref_slice %arg8[%add3A_234, %dma_start3A_317] : memref<160x128xi32, #tpu.memory_space<vmem>> -> memref<1x128xi32, #tpu.memory_space<vmem>>
        %dma_start3A_319 = tpu.memref_squeeze %dma_start3A_318 : memref<1x128xi32, #tpu.memory_space<vmem>> -> memref<128xi32, #tpu.memory_space<vmem>>
        %dma_start3A_320 = arith.constant 0 : i32
        %dma_start3A_321 = arith.constant 0 : i32
        %dma_start3A_322 = tpu.memref_slice %arg15[%dma_start3A_320, %dma_start3A_321] : memref<10240x64xf32, #tpu.memory_space<vmem_shared>> -> memref<10240x64xf32, #tpu.memory_space<vmem_shared>>
        tpu.enqueue_indirect_dma source(%arg10 : memref<128x64xf32, #tpu.memory_space<vmem>>) target(%dma_start3A_322 : memref<10240x64xf32, #tpu.memory_space<vmem_shared>>) offsets(%dma_start3A_319 : memref<128xi32, #tpu.memory_space<vmem>>) semaphore(%run_scoped3A_316 : memref<!tpu.dma_semaphore, #tpu.memory_space<semaphore_mem>>) {add = true}
        %dma_wait3A_323 = arith.constant 0 : i32
        %dma_wait3A_324 = tpu.memref_slice %arg8[%add3A_234, %dma_wait3A_323] : memref<160x128xi32, #tpu.memory_space<vmem>> -> memref<1x128xi32, #tpu.memory_space<vmem>>
        %dma_wait3A_325 = tpu.memref_squeeze %dma_wait3A_324 : memref<1x128xi32, #tpu.memory_space<vmem>> -> memref<128xi32, #tpu.memory_space<vmem>>
        %dma_wait3A_326 = arith.constant 0 : i32
        %dma_wait3A_327 = arith.constant 0 : i32
        %dma_wait3A_328 = tpu.memref_slice %arg15[%dma_wait3A_326, %dma_wait3A_327] : memref<10240x64xf32, #tpu.memory_space<vmem_shared>> -> memref<10240x64xf32, #tpu.memory_space<vmem_shared>>
        tpu.wait_indirect_dma semaphore(%run_scoped3A_316 : memref<!tpu.dma_semaphore, #tpu.memory_space<semaphore_mem>>) src(%arg10 : memref<128x64xf32, #tpu.memory_space<vmem>>) dst(%dma_wait3A_328 : memref<10240x64xf32, #tpu.memory_space<vmem_shared>>)
        tpu.yield
      }) : () -> ()
      %eq3A_235 = arith.constant 0 : i32
      %eq3A_236 = arith.cmpi eq, %arg0, %eq3A_235 : i32
      %lt3A_237 = arith.constant 80 : i32
      %lt3A_238 = arith.cmpi slt, %add3A_234, %lt3A_237 : i32
      %ge3A_239 = arith.constant 80 : i32
      %ge3A_240 = arith.cmpi sge, %add3A_234, %ge3A_239 : i32
      %select_n3A_241 = arith.select %eq3A_236, %lt3A_238, %ge3A_240 : i1
      %convert_element_type3A_242 = arith.extui %select_n3A_241 : i1 to i32
      %cond3A_243 = arith.constant 0 : i32
      %cond3A_244 = arith.cmpi ne, %convert_element_type3A_242, %cond3A_243 : i32
      scf.if %cond3A_244 {
        "tpu.region"() ({
          %run_scoped3A_316 = tpu.sem_alloc : memref<!tpu.dma_semaphore, #tpu.memory_space<semaphore_mem>>
          %dma_start3A_317 = arith.constant 0 : i32
          %dma_start3A_318 = tpu.memref_slice %arg8[%add3A_234, %dma_start3A_317] : memref<160x128xi32, #tpu.memory_space<vmem>> -> memref<1x128xi32, #tpu.memory_space<vmem>>
          %dma_start3A_319 = tpu.memref_squeeze %dma_start3A_318 : memref<1x128xi32, #tpu.memory_space<vmem>> -> memref<128xi32, #tpu.memory_space<vmem>>
          %dma_start3A_320 = arith.constant 0 : i32
          %dma_start3A_321 = tpu.memref_slice %arg16[%dma_start3A_320] : memref<10240xf32, #tpu.memory_space<vmem_shared>> -> memref<10240xf32, #tpu.memory_space<vmem_shared>>
          tpu.enqueue_indirect_dma source(%arg13 : memref<128xf32, #tpu.memory_space<vmem>>) target(%dma_start3A_321 : memref<10240xf32, #tpu.memory_space<vmem_shared>>) offsets(%dma_start3A_319 : memref<128xi32, #tpu.memory_space<vmem>>) semaphore(%run_scoped3A_316 : memref<!tpu.dma_semaphore, #tpu.memory_space<semaphore_mem>>) {add = true}
          %dma_wait3A_322 = arith.constant 0 : i32
          %dma_wait3A_323 = tpu.memref_slice %arg8[%add3A_234, %dma_wait3A_322] : memref<160x128xi32, #tpu.memory_space<vmem>> -> memref<1x128xi32, #tpu.memory_space<vmem>>
          %dma_wait3A_324 = tpu.memref_squeeze %dma_wait3A_323 : memref<1x128xi32, #tpu.memory_space<vmem>> -> memref<128xi32, #tpu.memory_space<vmem>>
          %dma_wait3A_325 = arith.constant 0 : i32
          %dma_wait3A_326 = tpu.memref_slice %arg16[%dma_wait3A_325] : memref<10240xf32, #tpu.memory_space<vmem_shared>> -> memref<10240xf32, #tpu.memory_space<vmem_shared>>
          tpu.wait_indirect_dma semaphore(%run_scoped3A_316 : memref<!tpu.dma_semaphore, #tpu.memory_space<semaphore_mem>>) src(%arg13 : memref<128xf32, #tpu.memory_space<vmem>>) dst(%dma_wait3A_326 : memref<10240xf32, #tpu.memory_space<vmem_shared>>)
          tpu.yield
        }) : () -> ()
      } else {
      }
      %add3A_245 = arith.constant 1 : i32
      %add3A_246 = arith.addi %mul3A_196, %add3A_245 : i32
      %add3A_247 = arith.constant 4 : i32
      %add3A_248 = arith.addi %add3A_246, %add3A_247 : i32
      %dma_start3A_249 = arith.constant 0 : i32
      %dma_start3A_250 = tpu.memref_slice %arg7[%add3A_248, %dma_start3A_249] : memref<160x128xi32, #tpu.memory_space<vmem>> -> memref<1x128xi32, #tpu.memory_space<vmem>>
      %dma_start3A_251 = tpu.memref_squeeze %dma_start3A_250 : memref<1x128xi32, #tpu.memory_space<vmem>> -> memref<128xi32, #tpu.memory_space<vmem>>
      %dma_start3A_252 = arith.constant 0 : i32
      %dma_start3A_253 = arith.constant 0 : i32
      %dma_start3A_254 = tpu.memref_slice %arg2[%dma_start3A_252, %dma_start3A_253] : memref<20000x64xf32, #tpu.memory_space<hbm>> -> memref<20000x64xf32, #tpu.memory_space<hbm>>
      tpu.enqueue_indirect_dma source(%dma_start3A_254 : memref<20000x64xf32, #tpu.memory_space<hbm>>) target(%arg10 : memref<128x64xf32, #tpu.memory_space<vmem>>) offsets(%dma_start3A_251 : memref<128xi32, #tpu.memory_space<vmem>>) semaphore(%arg18 : memref<!tpu.dma_semaphore, #tpu.memory_space<semaphore_mem>>)
      %add3A_255 = arith.constant 2 : i32
      %add3A_256 = arith.addi %mul3A_196, %add3A_255 : i32
      %dma_wait3A_257 = arith.constant 0 : i32
      %dma_wait3A_258 = tpu.memref_slice %arg7[%add3A_256, %dma_wait3A_257] : memref<160x128xi32, #tpu.memory_space<vmem>> -> memref<1x128xi32, #tpu.memory_space<vmem>>
      %dma_wait3A_259 = tpu.memref_squeeze %dma_wait3A_258 : memref<1x128xi32, #tpu.memory_space<vmem>> -> memref<128xi32, #tpu.memory_space<vmem>>
      %dma_wait3A_260 = arith.constant 0 : i32
      %dma_wait3A_261 = arith.constant 0 : i32
      %dma_wait3A_262 = tpu.memref_slice %arg2[%dma_wait3A_260, %dma_wait3A_261] : memref<20000x64xf32, #tpu.memory_space<hbm>> -> memref<20000x64xf32, #tpu.memory_space<hbm>>
      tpu.wait_indirect_dma semaphore(%arg19 : memref<!tpu.dma_semaphore, #tpu.memory_space<semaphore_mem>>) src(%dma_wait3A_262 : memref<20000x64xf32, #tpu.memory_space<hbm>>) dst(%arg11 : memref<128x64xf32, #tpu.memory_space<vmem>>)
      %add3A_263 = arith.constant 2 : i32
      %add3A_264 = arith.addi %mul3A_196, %add3A_263 : i32
      "tpu.region"() ({
        %run_scoped3A_316 = tpu.sem_alloc : memref<!tpu.dma_semaphore, #tpu.memory_space<semaphore_mem>>
        %dma_start3A_317 = arith.constant 0 : i32
        %dma_start3A_318 = tpu.memref_slice %arg8[%add3A_264, %dma_start3A_317] : memref<160x128xi32, #tpu.memory_space<vmem>> -> memref<1x128xi32, #tpu.memory_space<vmem>>
        %dma_start3A_319 = tpu.memref_squeeze %dma_start3A_318 : memref<1x128xi32, #tpu.memory_space<vmem>> -> memref<128xi32, #tpu.memory_space<vmem>>
        %dma_start3A_320 = arith.constant 0 : i32
        %dma_start3A_321 = arith.constant 0 : i32
        %dma_start3A_322 = tpu.memref_slice %arg15[%dma_start3A_320, %dma_start3A_321] : memref<10240x64xf32, #tpu.memory_space<vmem_shared>> -> memref<10240x64xf32, #tpu.memory_space<vmem_shared>>
        tpu.enqueue_indirect_dma source(%arg11 : memref<128x64xf32, #tpu.memory_space<vmem>>) target(%dma_start3A_322 : memref<10240x64xf32, #tpu.memory_space<vmem_shared>>) offsets(%dma_start3A_319 : memref<128xi32, #tpu.memory_space<vmem>>) semaphore(%run_scoped3A_316 : memref<!tpu.dma_semaphore, #tpu.memory_space<semaphore_mem>>) {add = true}
        %dma_wait3A_323 = arith.constant 0 : i32
        %dma_wait3A_324 = tpu.memref_slice %arg8[%add3A_264, %dma_wait3A_323] : memref<160x128xi32, #tpu.memory_space<vmem>> -> memref<1x128xi32, #tpu.memory_space<vmem>>
        %dma_wait3A_325 = tpu.memref_squeeze %dma_wait3A_324 : memref<1x128xi32, #tpu.memory_space<vmem>> -> memref<128xi32, #tpu.memory_space<vmem>>
        %dma_wait3A_326 = arith.constant 0 : i32
        %dma_wait3A_327 = arith.constant 0 : i32
        %dma_wait3A_328 = tpu.memref_slice %arg15[%dma_wait3A_326, %dma_wait3A_327] : memref<10240x64xf32, #tpu.memory_space<vmem_shared>> -> memref<10240x64xf32, #tpu.memory_space<vmem_shared>>
        tpu.wait_indirect_dma semaphore(%run_scoped3A_316 : memref<!tpu.dma_semaphore, #tpu.memory_space<semaphore_mem>>) src(%arg11 : memref<128x64xf32, #tpu.memory_space<vmem>>) dst(%dma_wait3A_328 : memref<10240x64xf32, #tpu.memory_space<vmem_shared>>)
        tpu.yield
      }) : () -> ()
      %eq3A_265 = arith.constant 0 : i32
      %eq3A_266 = arith.cmpi eq, %arg0, %eq3A_265 : i32
      %lt3A_267 = arith.constant 80 : i32
      %lt3A_268 = arith.cmpi slt, %add3A_264, %lt3A_267 : i32
      %ge3A_269 = arith.constant 80 : i32
      %ge3A_270 = arith.cmpi sge, %add3A_264, %ge3A_269 : i32
      %select_n3A_271 = arith.select %eq3A_266, %lt3A_268, %ge3A_270 : i1
      %convert_element_type3A_272 = arith.extui %select_n3A_271 : i1 to i32
      %cond3A_273 = arith.constant 0 : i32
      %cond3A_274 = arith.cmpi ne, %convert_element_type3A_272, %cond3A_273 : i32
      scf.if %cond3A_274 {
        "tpu.region"() ({
          %run_scoped3A_316 = tpu.sem_alloc : memref<!tpu.dma_semaphore, #tpu.memory_space<semaphore_mem>>
          %dma_start3A_317 = arith.constant 0 : i32
          %dma_start3A_318 = tpu.memref_slice %arg8[%add3A_264, %dma_start3A_317] : memref<160x128xi32, #tpu.memory_space<vmem>> -> memref<1x128xi32, #tpu.memory_space<vmem>>
          %dma_start3A_319 = tpu.memref_squeeze %dma_start3A_318 : memref<1x128xi32, #tpu.memory_space<vmem>> -> memref<128xi32, #tpu.memory_space<vmem>>
          %dma_start3A_320 = arith.constant 0 : i32
          %dma_start3A_321 = tpu.memref_slice %arg16[%dma_start3A_320] : memref<10240xf32, #tpu.memory_space<vmem_shared>> -> memref<10240xf32, #tpu.memory_space<vmem_shared>>
          tpu.enqueue_indirect_dma source(%arg13 : memref<128xf32, #tpu.memory_space<vmem>>) target(%dma_start3A_321 : memref<10240xf32, #tpu.memory_space<vmem_shared>>) offsets(%dma_start3A_319 : memref<128xi32, #tpu.memory_space<vmem>>) semaphore(%run_scoped3A_316 : memref<!tpu.dma_semaphore, #tpu.memory_space<semaphore_mem>>) {add = true}
          %dma_wait3A_322 = arith.constant 0 : i32
          %dma_wait3A_323 = tpu.memref_slice %arg8[%add3A_264, %dma_wait3A_322] : memref<160x128xi32, #tpu.memory_space<vmem>> -> memref<1x128xi32, #tpu.memory_space<vmem>>
          %dma_wait3A_324 = tpu.memref_squeeze %dma_wait3A_323 : memref<1x128xi32, #tpu.memory_space<vmem>> -> memref<128xi32, #tpu.memory_space<vmem>>
          %dma_wait3A_325 = arith.constant 0 : i32
          %dma_wait3A_326 = tpu.memref_slice %arg16[%dma_wait3A_325] : memref<10240xf32, #tpu.memory_space<vmem_shared>> -> memref<10240xf32, #tpu.memory_space<vmem_shared>>
          tpu.wait_indirect_dma semaphore(%run_scoped3A_316 : memref<!tpu.dma_semaphore, #tpu.memory_space<semaphore_mem>>) src(%arg13 : memref<128xf32, #tpu.memory_space<vmem>>) dst(%dma_wait3A_326 : memref<10240xf32, #tpu.memory_space<vmem_shared>>)
          tpu.yield
        }) : () -> ()
      } else {
      }
      %add3A_275 = arith.constant 2 : i32
      %add3A_276 = arith.addi %mul3A_196, %add3A_275 : i32
      %add3A_277 = arith.constant 4 : i32
      %add3A_278 = arith.addi %add3A_276, %add3A_277 : i32
      %dma_start3A_279 = arith.constant 0 : i32
      %dma_start3A_280 = tpu.memref_slice %arg7[%add3A_278, %dma_start3A_279] : memref<160x128xi32, #tpu.memory_space<vmem>> -> memref<1x128xi32, #tpu.memory_space<vmem>>
      %dma_start3A_281 = tpu.memref_squeeze %dma_start3A_280 : memref<1x128xi32, #tpu.memory_space<vmem>> -> memref<128xi32, #tpu.memory_space<vmem>>
      %dma_start3A_282 = arith.constant 0 : i32
      %dma_start3A_283 = arith.constant 0 : i32
      %dma_start3A_284 = tpu.memref_slice %arg2[%dma_start3A_282, %dma_start3A_283] : memref<20000x64xf32, #tpu.memory_space<hbm>> -> memref<20000x64xf32, #tpu.memory_space<hbm>>
      tpu.enqueue_indirect_dma source(%dma_start3A_284 : memref<20000x64xf32, #tpu.memory_space<hbm>>) target(%arg11 : memref<128x64xf32, #tpu.memory_space<vmem>>) offsets(%dma_start3A_281 : memref<128xi32, #tpu.memory_space<vmem>>) semaphore(%arg19 : memref<!tpu.dma_semaphore, #tpu.memory_space<semaphore_mem>>)
      %add3A_285 = arith.constant 3 : i32
      %add3A_286 = arith.addi %mul3A_196, %add3A_285 : i32
      %dma_wait3A_287 = arith.constant 0 : i32
      %dma_wait3A_288 = tpu.memref_slice %arg7[%add3A_286, %dma_wait3A_287] : memref<160x128xi32, #tpu.memory_space<vmem>> -> memref<1x128xi32, #tpu.memory_space<vmem>>
      %dma_wait3A_289 = tpu.memref_squeeze %dma_wait3A_288 : memref<1x128xi32, #tpu.memory_space<vmem>> -> memref<128xi32, #tpu.memory_space<vmem>>
      %dma_wait3A_290 = arith.constant 0 : i32
      %dma_wait3A_291 = arith.constant 0 : i32
      %dma_wait3A_292 = tpu.memref_slice %arg2[%dma_wait3A_290, %dma_wait3A_291] : memref<20000x64xf32, #tpu.memory_space<hbm>> -> memref<20000x64xf32, #tpu.memory_space<hbm>>
      tpu.wait_indirect_dma semaphore(%arg20 : memref<!tpu.dma_semaphore, #tpu.memory_space<semaphore_mem>>) src(%dma_wait3A_292 : memref<20000x64xf32, #tpu.memory_space<hbm>>) dst(%arg12 : memref<128x64xf32, #tpu.memory_space<vmem>>)
      %add3A_293 = arith.constant 3 : i32
      %add3A_294 = arith.addi %mul3A_196, %add3A_293 : i32
      "tpu.region"() ({
        %run_scoped3A_316 = tpu.sem_alloc : memref<!tpu.dma_semaphore, #tpu.memory_space<semaphore_mem>>
        %dma_start3A_317 = arith.constant 0 : i32
        %dma_start3A_318 = tpu.memref_slice %arg8[%add3A_294, %dma_start3A_317] : memref<160x128xi32, #tpu.memory_space<vmem>> -> memref<1x128xi32, #tpu.memory_space<vmem>>
        %dma_start3A_319 = tpu.memref_squeeze %dma_start3A_318 : memref<1x128xi32, #tpu.memory_space<vmem>> -> memref<128xi32, #tpu.memory_space<vmem>>
        %dma_start3A_320 = arith.constant 0 : i32
        %dma_start3A_321 = arith.constant 0 : i32
        %dma_start3A_322 = tpu.memref_slice %arg15[%dma_start3A_320, %dma_start3A_321] : memref<10240x64xf32, #tpu.memory_space<vmem_shared>> -> memref<10240x64xf32, #tpu.memory_space<vmem_shared>>
        tpu.enqueue_indirect_dma source(%arg12 : memref<128x64xf32, #tpu.memory_space<vmem>>) target(%dma_start3A_322 : memref<10240x64xf32, #tpu.memory_space<vmem_shared>>) offsets(%dma_start3A_319 : memref<128xi32, #tpu.memory_space<vmem>>) semaphore(%run_scoped3A_316 : memref<!tpu.dma_semaphore, #tpu.memory_space<semaphore_mem>>) {add = true}
        %dma_wait3A_323 = arith.constant 0 : i32
        %dma_wait3A_324 = tpu.memref_slice %arg8[%add3A_294, %dma_wait3A_323] : memref<160x128xi32, #tpu.memory_space<vmem>> -> memref<1x128xi32, #tpu.memory_space<vmem>>
        %dma_wait3A_325 = tpu.memref_squeeze %dma_wait3A_324 : memref<1x128xi32, #tpu.memory_space<vmem>> -> memref<128xi32, #tpu.memory_space<vmem>>
        %dma_wait3A_326 = arith.constant 0 : i32
        %dma_wait3A_327 = arith.constant 0 : i32
        %dma_wait3A_328 = tpu.memref_slice %arg15[%dma_wait3A_326, %dma_wait3A_327] : memref<10240x64xf32, #tpu.memory_space<vmem_shared>> -> memref<10240x64xf32, #tpu.memory_space<vmem_shared>>
        tpu.wait_indirect_dma semaphore(%run_scoped3A_316 : memref<!tpu.dma_semaphore, #tpu.memory_space<semaphore_mem>>) src(%arg12 : memref<128x64xf32, #tpu.memory_space<vmem>>) dst(%dma_wait3A_328 : memref<10240x64xf32, #tpu.memory_space<vmem_shared>>)
        tpu.yield
      }) : () -> ()
      %eq3A_295 = arith.constant 0 : i32
      %eq3A_296 = arith.cmpi eq, %arg0, %eq3A_295 : i32
      %lt3A_297 = arith.constant 80 : i32
      %lt3A_298 = arith.cmpi slt, %add3A_294, %lt3A_297 : i32
      %ge3A_299 = arith.constant 80 : i32
      %ge3A_300 = arith.cmpi sge, %add3A_294, %ge3A_299 : i32
      %select_n3A_301 = arith.select %eq3A_296, %lt3A_298, %ge3A_300 : i1
      %convert_element_type3A_302 = arith.extui %select_n3A_301 : i1 to i32
      %cond3A_303 = arith.constant 0 : i32
      %cond3A_304 = arith.cmpi ne, %convert_element_type3A_302, %cond3A_303 : i32
      scf.if %cond3A_304 {
        "tpu.region"() ({
          %run_scoped3A_316 = tpu.sem_alloc : memref<!tpu.dma_semaphore, #tpu.memory_space<semaphore_mem>>
          %dma_start3A_317 = arith.constant 0 : i32
          %dma_start3A_318 = tpu.memref_slice %arg8[%add3A_294, %dma_start3A_317] : memref<160x128xi32, #tpu.memory_space<vmem>> -> memref<1x128xi32, #tpu.memory_space<vmem>>
          %dma_start3A_319 = tpu.memref_squeeze %dma_start3A_318 : memref<1x128xi32, #tpu.memory_space<vmem>> -> memref<128xi32, #tpu.memory_space<vmem>>
          %dma_start3A_320 = arith.constant 0 : i32
          %dma_start3A_321 = tpu.memref_slice %arg16[%dma_start3A_320] : memref<10240xf32, #tpu.memory_space<vmem_shared>> -> memref<10240xf32, #tpu.memory_space<vmem_shared>>
          tpu.enqueue_indirect_dma source(%arg13 : memref<128xf32, #tpu.memory_space<vmem>>) target(%dma_start3A_321 : memref<10240xf32, #tpu.memory_space<vmem_shared>>) offsets(%dma_start3A_319 : memref<128xi32, #tpu.memory_space<vmem>>) semaphore(%run_scoped3A_316 : memref<!tpu.dma_semaphore, #tpu.memory_space<semaphore_mem>>) {add = true}
          %dma_wait3A_322 = arith.constant 0 : i32
          %dma_wait3A_323 = tpu.memref_slice %arg8[%add3A_294, %dma_wait3A_322] : memref<160x128xi32, #tpu.memory_space<vmem>> -> memref<1x128xi32, #tpu.memory_space<vmem>>
          %dma_wait3A_324 = tpu.memref_squeeze %dma_wait3A_323 : memref<1x128xi32, #tpu.memory_space<vmem>> -> memref<128xi32, #tpu.memory_space<vmem>>
          %dma_wait3A_325 = arith.constant 0 : i32
          %dma_wait3A_326 = tpu.memref_slice %arg16[%dma_wait3A_325] : memref<10240xf32, #tpu.memory_space<vmem_shared>> -> memref<10240xf32, #tpu.memory_space<vmem_shared>>
          tpu.wait_indirect_dma semaphore(%run_scoped3A_316 : memref<!tpu.dma_semaphore, #tpu.memory_space<semaphore_mem>>) src(%arg13 : memref<128xf32, #tpu.memory_space<vmem>>) dst(%dma_wait3A_326 : memref<10240xf32, #tpu.memory_space<vmem_shared>>)
          tpu.yield
        }) : () -> ()
      } else {
      }
      %add3A_305 = arith.constant 3 : i32
      %add3A_306 = arith.addi %mul3A_196, %add3A_305 : i32
      %add3A_307 = arith.constant 4 : i32
      %add3A_308 = arith.addi %add3A_306, %add3A_307 : i32
      %dma_start3A_309 = arith.constant 0 : i32
      %dma_start3A_310 = tpu.memref_slice %arg7[%add3A_308, %dma_start3A_309] : memref<160x128xi32, #tpu.memory_space<vmem>> -> memref<1x128xi32, #tpu.memory_space<vmem>>
      %dma_start3A_311 = tpu.memref_squeeze %dma_start3A_310 : memref<1x128xi32, #tpu.memory_space<vmem>> -> memref<128xi32, #tpu.memory_space<vmem>>
      %dma_start3A_312 = arith.constant 0 : i32
      %dma_start3A_313 = arith.constant 0 : i32
      %dma_start3A_314 = tpu.memref_slice %arg2[%dma_start3A_312, %dma_start3A_313] : memref<20000x64xf32, #tpu.memory_space<hbm>> -> memref<20000x64xf32, #tpu.memory_space<hbm>>
      tpu.enqueue_indirect_dma source(%dma_start3A_314 : memref<20000x64xf32, #tpu.memory_space<hbm>>) target(%arg12 : memref<128x64xf32, #tpu.memory_space<vmem>>) offsets(%dma_start3A_311 : memref<128xi32, #tpu.memory_space<vmem>>) semaphore(%arg20 : memref<!tpu.dma_semaphore, #tpu.memory_space<semaphore_mem>>)
      %scan3A_315 = arith.constant 0 : i32
      scf.yield %scan3A_315 : i32
    }
    %scan3A_111 = arith.constant 39 : i32
    %dma_wait3A = arith.constant 156 : i32
    %dma_wait3A_112 = arith.constant 0 : i32
    %dma_wait3A_113 = tpu.memref_slice %arg7[%dma_wait3A, %dma_wait3A_112] : memref<160x128xi32, #tpu.memory_space<vmem>> -> memref<1x128xi32, #tpu.memory_space<vmem>>
    %dma_wait3A_114 = tpu.memref_squeeze %dma_wait3A_113 : memref<1x128xi32, #tpu.memory_space<vmem>> -> memref<128xi32, #tpu.memory_space<vmem>>
    %dma_wait3A_115 = arith.constant 0 : i32
    %dma_wait3A_116 = arith.constant 0 : i32
    %dma_wait3A_117 = tpu.memref_slice %arg2[%dma_wait3A_115, %dma_wait3A_116] : memref<20000x64xf32, #tpu.memory_space<hbm>> -> memref<20000x64xf32, #tpu.memory_space<hbm>>
    tpu.wait_indirect_dma semaphore(%arg17 : memref<!tpu.dma_semaphore, #tpu.memory_space<semaphore_mem>>) src(%dma_wait3A_117 : memref<20000x64xf32, #tpu.memory_space<hbm>>) dst(%arg9 : memref<128x64xf32, #tpu.memory_space<vmem>>)
    %run_scoped3A = arith.constant 156 : i32
    "tpu.region"() ({
      %run_scoped3A_193 = tpu.sem_alloc : memref<!tpu.dma_semaphore, #tpu.memory_space<semaphore_mem>>
      %dma_start3A_194 = arith.constant 0 : i32
      %dma_start3A_195 = tpu.memref_slice %arg8[%run_scoped3A, %dma_start3A_194] : memref<160x128xi32, #tpu.memory_space<vmem>> -> memref<1x128xi32, #tpu.memory_space<vmem>>
      %dma_start3A_196 = tpu.memref_squeeze %dma_start3A_195 : memref<1x128xi32, #tpu.memory_space<vmem>> -> memref<128xi32, #tpu.memory_space<vmem>>
      %dma_start3A_197 = arith.constant 0 : i32
      %dma_start3A_198 = arith.constant 0 : i32
      %dma_start3A_199 = tpu.memref_slice %arg15[%dma_start3A_197, %dma_start3A_198] : memref<10240x64xf32, #tpu.memory_space<vmem_shared>> -> memref<10240x64xf32, #tpu.memory_space<vmem_shared>>
      tpu.enqueue_indirect_dma source(%arg9 : memref<128x64xf32, #tpu.memory_space<vmem>>) target(%dma_start3A_199 : memref<10240x64xf32, #tpu.memory_space<vmem_shared>>) offsets(%dma_start3A_196 : memref<128xi32, #tpu.memory_space<vmem>>) semaphore(%run_scoped3A_193 : memref<!tpu.dma_semaphore, #tpu.memory_space<semaphore_mem>>) {add = true}
      %dma_wait3A_200 = arith.constant 0 : i32
      %dma_wait3A_201 = tpu.memref_slice %arg8[%run_scoped3A, %dma_wait3A_200] : memref<160x128xi32, #tpu.memory_space<vmem>> -> memref<1x128xi32, #tpu.memory_space<vmem>>
      %dma_wait3A_202 = tpu.memref_squeeze %dma_wait3A_201 : memref<1x128xi32, #tpu.memory_space<vmem>> -> memref<128xi32, #tpu.memory_space<vmem>>
      %dma_wait3A_203 = arith.constant 0 : i32
      %dma_wait3A_204 = arith.constant 0 : i32
      %dma_wait3A_205 = tpu.memref_slice %arg15[%dma_wait3A_203, %dma_wait3A_204] : memref<10240x64xf32, #tpu.memory_space<vmem_shared>> -> memref<10240x64xf32, #tpu.memory_space<vmem_shared>>
      tpu.wait_indirect_dma semaphore(%run_scoped3A_193 : memref<!tpu.dma_semaphore, #tpu.memory_space<semaphore_mem>>) src(%arg9 : memref<128x64xf32, #tpu.memory_space<vmem>>) dst(%dma_wait3A_205 : memref<10240x64xf32, #tpu.memory_space<vmem_shared>>)
      tpu.yield
    }) : () -> ()
    %eq3A = arith.constant 0 : i32
    %eq3A_118 = arith.cmpi eq, %arg0, %eq3A : i32
    %jit3A = arith.constant false
    %jit3A_119 = arith.constant true
    %select_n3A = arith.select %eq3A_118, %jit3A, %jit3A_119 : i1
    %convert_element_type3A = arith.extui %select_n3A : i1 to i32
    %cond3A = arith.constant 0 : i32
    %cond3A_120 = arith.cmpi ne, %convert_element_type3A, %cond3A : i32
    scf.if %cond3A_120 {
      %run_scoped3A_193 = arith.constant 156 : i32
      "tpu.region"() ({
        %run_scoped3A_194 = tpu.sem_alloc : memref<!tpu.dma_semaphore, #tpu.memory_space<semaphore_mem>>
        %dma_start3A_195 = arith.constant 0 : i32
        %dma_start3A_196 = tpu.memref_slice %arg8[%run_scoped3A_193, %dma_start3A_195] : memref<160x128xi32, #tpu.memory_space<vmem>> -> memref<1x128xi32, #tpu.memory_space<vmem>>
        %dma_start3A_197 = tpu.memref_squeeze %dma_start3A_196 : memref<1x128xi32, #tpu.memory_space<vmem>> -> memref<128xi32, #tpu.memory_space<vmem>>
        %dma_start3A_198 = arith.constant 0 : i32
        %dma_start3A_199 = tpu.memref_slice %arg16[%dma_start3A_198] : memref<10240xf32, #tpu.memory_space<vmem_shared>> -> memref<10240xf32, #tpu.memory_space<vmem_shared>>
        tpu.enqueue_indirect_dma source(%arg13 : memref<128xf32, #tpu.memory_space<vmem>>) target(%dma_start3A_199 : memref<10240xf32, #tpu.memory_space<vmem_shared>>) offsets(%dma_start3A_197 : memref<128xi32, #tpu.memory_space<vmem>>) semaphore(%run_scoped3A_194 : memref<!tpu.dma_semaphore, #tpu.memory_space<semaphore_mem>>) {add = true}
        %dma_wait3A_200 = arith.constant 0 : i32
        %dma_wait3A_201 = tpu.memref_slice %arg8[%run_scoped3A_193, %dma_wait3A_200] : memref<160x128xi32, #tpu.memory_space<vmem>> -> memref<1x128xi32, #tpu.memory_space<vmem>>
        %dma_wait3A_202 = tpu.memref_squeeze %dma_wait3A_201 : memref<1x128xi32, #tpu.memory_space<vmem>> -> memref<128xi32, #tpu.memory_space<vmem>>
        %dma_wait3A_203 = arith.constant 0 : i32
        %dma_wait3A_204 = tpu.memref_slice %arg16[%dma_wait3A_203] : memref<10240xf32, #tpu.memory_space<vmem_shared>> -> memref<10240xf32, #tpu.memory_space<vmem_shared>>
        tpu.wait_indirect_dma semaphore(%run_scoped3A_194 : memref<!tpu.dma_semaphore, #tpu.memory_space<semaphore_mem>>) src(%arg13 : memref<128xf32, #tpu.memory_space<vmem>>) dst(%dma_wait3A_204 : memref<10240xf32, #tpu.memory_space<vmem_shared>>)
        tpu.yield
      }) : () -> ()
    } else {
    }
    %dma_wait3A_121 = arith.constant 157 : i32
    %dma_wait3A_122 = arith.constant 0 : i32
    %dma_wait3A_123 = tpu.memref_slice %arg7[%dma_wait3A_121, %dma_wait3A_122] : memref<160x128xi32, #tpu.memory_space<vmem>> -> memref<1x128xi32, #tpu.memory_space<vmem>>
    %dma_wait3A_124 = tpu.memref_squeeze %dma_wait3A_123 : memref<1x128xi32, #tpu.memory_space<vmem>> -> memref<128xi32, #tpu.memory_space<vmem>>
    %dma_wait3A_125 = arith.constant 0 : i32
    %dma_wait3A_126 = arith.constant 0 : i32
    %dma_wait3A_127 = tpu.memref_slice %arg2[%dma_wait3A_125, %dma_wait3A_126] : memref<20000x64xf32, #tpu.memory_space<hbm>> -> memref<20000x64xf32, #tpu.memory_space<hbm>>
    tpu.wait_indirect_dma semaphore(%arg18 : memref<!tpu.dma_semaphore, #tpu.memory_space<semaphore_mem>>) src(%dma_wait3A_127 : memref<20000x64xf32, #tpu.memory_space<hbm>>) dst(%arg10 : memref<128x64xf32, #tpu.memory_space<vmem>>)
    %run_scoped3A_128 = arith.constant 157 : i32
    "tpu.region"() ({
      %run_scoped3A_193 = tpu.sem_alloc : memref<!tpu.dma_semaphore, #tpu.memory_space<semaphore_mem>>
      %dma_start3A_194 = arith.constant 0 : i32
      %dma_start3A_195 = tpu.memref_slice %arg8[%run_scoped3A_128, %dma_start3A_194] : memref<160x128xi32, #tpu.memory_space<vmem>> -> memref<1x128xi32, #tpu.memory_space<vmem>>
      %dma_start3A_196 = tpu.memref_squeeze %dma_start3A_195 : memref<1x128xi32, #tpu.memory_space<vmem>> -> memref<128xi32, #tpu.memory_space<vmem>>
      %dma_start3A_197 = arith.constant 0 : i32
      %dma_start3A_198 = arith.constant 0 : i32
      %dma_start3A_199 = tpu.memref_slice %arg15[%dma_start3A_197, %dma_start3A_198] : memref<10240x64xf32, #tpu.memory_space<vmem_shared>> -> memref<10240x64xf32, #tpu.memory_space<vmem_shared>>
      tpu.enqueue_indirect_dma source(%arg10 : memref<128x64xf32, #tpu.memory_space<vmem>>) target(%dma_start3A_199 : memref<10240x64xf32, #tpu.memory_space<vmem_shared>>) offsets(%dma_start3A_196 : memref<128xi32, #tpu.memory_space<vmem>>) semaphore(%run_scoped3A_193 : memref<!tpu.dma_semaphore, #tpu.memory_space<semaphore_mem>>) {add = true}
      %dma_wait3A_200 = arith.constant 0 : i32
      %dma_wait3A_201 = tpu.memref_slice %arg8[%run_scoped3A_128, %dma_wait3A_200] : memref<160x128xi32, #tpu.memory_space<vmem>> -> memref<1x128xi32, #tpu.memory_space<vmem>>
      %dma_wait3A_202 = tpu.memref_squeeze %dma_wait3A_201 : memref<1x128xi32, #tpu.memory_space<vmem>> -> memref<128xi32, #tpu.memory_space<vmem>>
      %dma_wait3A_203 = arith.constant 0 : i32
      %dma_wait3A_204 = arith.constant 0 : i32
      %dma_wait3A_205 = tpu.memref_slice %arg15[%dma_wait3A_203, %dma_wait3A_204] : memref<10240x64xf32, #tpu.memory_space<vmem_shared>> -> memref<10240x64xf32, #tpu.memory_space<vmem_shared>>
      tpu.wait_indirect_dma semaphore(%run_scoped3A_193 : memref<!tpu.dma_semaphore, #tpu.memory_space<semaphore_mem>>) src(%arg10 : memref<128x64xf32, #tpu.memory_space<vmem>>) dst(%dma_wait3A_205 : memref<10240x64xf32, #tpu.memory_space<vmem_shared>>)
      tpu.yield
    }) : () -> ()
    %eq3A_129 = arith.constant 0 : i32
    %eq3A_130 = arith.cmpi eq, %arg0, %eq3A_129 : i32
    %jit3A_131 = arith.constant false
    %jit3A_132 = arith.constant true
    %select_n3A_133 = arith.select %eq3A_130, %jit3A_131, %jit3A_132 : i1
    %convert_element_type3A_134 = arith.extui %select_n3A_133 : i1 to i32
    %cond3A_135 = arith.constant 0 : i32
    %cond3A_136 = arith.cmpi ne, %convert_element_type3A_134, %cond3A_135 : i32
    scf.if %cond3A_136 {
      %run_scoped3A_193 = arith.constant 157 : i32
      "tpu.region"() ({
        %run_scoped3A_194 = tpu.sem_alloc : memref<!tpu.dma_semaphore, #tpu.memory_space<semaphore_mem>>
        %dma_start3A_195 = arith.constant 0 : i32
        %dma_start3A_196 = tpu.memref_slice %arg8[%run_scoped3A_193, %dma_start3A_195] : memref<160x128xi32, #tpu.memory_space<vmem>> -> memref<1x128xi32, #tpu.memory_space<vmem>>
        %dma_start3A_197 = tpu.memref_squeeze %dma_start3A_196 : memref<1x128xi32, #tpu.memory_space<vmem>> -> memref<128xi32, #tpu.memory_space<vmem>>
        %dma_start3A_198 = arith.constant 0 : i32
        %dma_start3A_199 = tpu.memref_slice %arg16[%dma_start3A_198] : memref<10240xf32, #tpu.memory_space<vmem_shared>> -> memref<10240xf32, #tpu.memory_space<vmem_shared>>
        tpu.enqueue_indirect_dma source(%arg13 : memref<128xf32, #tpu.memory_space<vmem>>) target(%dma_start3A_199 : memref<10240xf32, #tpu.memory_space<vmem_shared>>) offsets(%dma_start3A_197 : memref<128xi32, #tpu.memory_space<vmem>>) semaphore(%run_scoped3A_194 : memref<!tpu.dma_semaphore, #tpu.memory_space<semaphore_mem>>) {add = true}
        %dma_wait3A_200 = arith.constant 0 : i32
        %dma_wait3A_201 = tpu.memref_slice %arg8[%run_scoped3A_193, %dma_wait3A_200] : memref<160x128xi32, #tpu.memory_space<vmem>> -> memref<1x128xi32, #tpu.memory_space<vmem>>
        %dma_wait3A_202 = tpu.memref_squeeze %dma_wait3A_201 : memref<1x128xi32, #tpu.memory_space<vmem>> -> memref<128xi32, #tpu.memory_space<vmem>>
        %dma_wait3A_203 = arith.constant 0 : i32
        %dma_wait3A_204 = tpu.memref_slice %arg16[%dma_wait3A_203] : memref<10240xf32, #tpu.memory_space<vmem_shared>> -> memref<10240xf32, #tpu.memory_space<vmem_shared>>
        tpu.wait_indirect_dma semaphore(%run_scoped3A_194 : memref<!tpu.dma_semaphore, #tpu.memory_space<semaphore_mem>>) src(%arg13 : memref<128xf32, #tpu.memory_space<vmem>>) dst(%dma_wait3A_204 : memref<10240xf32, #tpu.memory_space<vmem_shared>>)
        tpu.yield
      }) : () -> ()
    } else {
    }
    %dma_wait3A_137 = arith.constant 158 : i32
    %dma_wait3A_138 = arith.constant 0 : i32
    %dma_wait3A_139 = tpu.memref_slice %arg7[%dma_wait3A_137, %dma_wait3A_138] : memref<160x128xi32, #tpu.memory_space<vmem>> -> memref<1x128xi32, #tpu.memory_space<vmem>>
    %dma_wait3A_140 = tpu.memref_squeeze %dma_wait3A_139 : memref<1x128xi32, #tpu.memory_space<vmem>> -> memref<128xi32, #tpu.memory_space<vmem>>
    %dma_wait3A_141 = arith.constant 0 : i32
    %dma_wait3A_142 = arith.constant 0 : i32
    %dma_wait3A_143 = tpu.memref_slice %arg2[%dma_wait3A_141, %dma_wait3A_142] : memref<20000x64xf32, #tpu.memory_space<hbm>> -> memref<20000x64xf32, #tpu.memory_space<hbm>>
    tpu.wait_indirect_dma semaphore(%arg19 : memref<!tpu.dma_semaphore, #tpu.memory_space<semaphore_mem>>) src(%dma_wait3A_143 : memref<20000x64xf32, #tpu.memory_space<hbm>>) dst(%arg11 : memref<128x64xf32, #tpu.memory_space<vmem>>)
    %run_scoped3A_144 = arith.constant 158 : i32
    "tpu.region"() ({
      %run_scoped3A_193 = tpu.sem_alloc : memref<!tpu.dma_semaphore, #tpu.memory_space<semaphore_mem>>
      %dma_start3A_194 = arith.constant 0 : i32
      %dma_start3A_195 = tpu.memref_slice %arg8[%run_scoped3A_144, %dma_start3A_194] : memref<160x128xi32, #tpu.memory_space<vmem>> -> memref<1x128xi32, #tpu.memory_space<vmem>>
      %dma_start3A_196 = tpu.memref_squeeze %dma_start3A_195 : memref<1x128xi32, #tpu.memory_space<vmem>> -> memref<128xi32, #tpu.memory_space<vmem>>
      %dma_start3A_197 = arith.constant 0 : i32
      %dma_start3A_198 = arith.constant 0 : i32
      %dma_start3A_199 = tpu.memref_slice %arg15[%dma_start3A_197, %dma_start3A_198] : memref<10240x64xf32, #tpu.memory_space<vmem_shared>> -> memref<10240x64xf32, #tpu.memory_space<vmem_shared>>
      tpu.enqueue_indirect_dma source(%arg11 : memref<128x64xf32, #tpu.memory_space<vmem>>) target(%dma_start3A_199 : memref<10240x64xf32, #tpu.memory_space<vmem_shared>>) offsets(%dma_start3A_196 : memref<128xi32, #tpu.memory_space<vmem>>) semaphore(%run_scoped3A_193 : memref<!tpu.dma_semaphore, #tpu.memory_space<semaphore_mem>>) {add = true}
      %dma_wait3A_200 = arith.constant 0 : i32
      %dma_wait3A_201 = tpu.memref_slice %arg8[%run_scoped3A_144, %dma_wait3A_200] : memref<160x128xi32, #tpu.memory_space<vmem>> -> memref<1x128xi32, #tpu.memory_space<vmem>>
      %dma_wait3A_202 = tpu.memref_squeeze %dma_wait3A_201 : memref<1x128xi32, #tpu.memory_space<vmem>> -> memref<128xi32, #tpu.memory_space<vmem>>
      %dma_wait3A_203 = arith.constant 0 : i32
      %dma_wait3A_204 = arith.constant 0 : i32
      %dma_wait3A_205 = tpu.memref_slice %arg15[%dma_wait3A_203, %dma_wait3A_204] : memref<10240x64xf32, #tpu.memory_space<vmem_shared>> -> memref<10240x64xf32, #tpu.memory_space<vmem_shared>>
      tpu.wait_indirect_dma semaphore(%run_scoped3A_193 : memref<!tpu.dma_semaphore, #tpu.memory_space<semaphore_mem>>) src(%arg11 : memref<128x64xf32, #tpu.memory_space<vmem>>) dst(%dma_wait3A_205 : memref<10240x64xf32, #tpu.memory_space<vmem_shared>>)
      tpu.yield
    }) : () -> ()
    %eq3A_145 = arith.constant 0 : i32
    %eq3A_146 = arith.cmpi eq, %arg0, %eq3A_145 : i32
    %jit3A_147 = arith.constant false
    %jit3A_148 = arith.constant true
    %select_n3A_149 = arith.select %eq3A_146, %jit3A_147, %jit3A_148 : i1
    %convert_element_type3A_150 = arith.extui %select_n3A_149 : i1 to i32
    %cond3A_151 = arith.constant 0 : i32
    %cond3A_152 = arith.cmpi ne, %convert_element_type3A_150, %cond3A_151 : i32
    scf.if %cond3A_152 {
      %run_scoped3A_193 = arith.constant 158 : i32
      "tpu.region"() ({
        %run_scoped3A_194 = tpu.sem_alloc : memref<!tpu.dma_semaphore, #tpu.memory_space<semaphore_mem>>
        %dma_start3A_195 = arith.constant 0 : i32
        %dma_start3A_196 = tpu.memref_slice %arg8[%run_scoped3A_193, %dma_start3A_195] : memref<160x128xi32, #tpu.memory_space<vmem>> -> memref<1x128xi32, #tpu.memory_space<vmem>>
        %dma_start3A_197 = tpu.memref_squeeze %dma_start3A_196 : memref<1x128xi32, #tpu.memory_space<vmem>> -> memref<128xi32, #tpu.memory_space<vmem>>
        %dma_start3A_198 = arith.constant 0 : i32
        %dma_start3A_199 = tpu.memref_slice %arg16[%dma_start3A_198] : memref<10240xf32, #tpu.memory_space<vmem_shared>> -> memref<10240xf32, #tpu.memory_space<vmem_shared>>
        tpu.enqueue_indirect_dma source(%arg13 : memref<128xf32, #tpu.memory_space<vmem>>) target(%dma_start3A_199 : memref<10240xf32, #tpu.memory_space<vmem_shared>>) offsets(%dma_start3A_197 : memref<128xi32, #tpu.memory_space<vmem>>) semaphore(%run_scoped3A_194 : memref<!tpu.dma_semaphore, #tpu.memory_space<semaphore_mem>>) {add = true}
        %dma_wait3A_200 = arith.constant 0 : i32
        %dma_wait3A_201 = tpu.memref_slice %arg8[%run_scoped3A_193, %dma_wait3A_200] : memref<160x128xi32, #tpu.memory_space<vmem>> -> memref<1x128xi32, #tpu.memory_space<vmem>>
        %dma_wait3A_202 = tpu.memref_squeeze %dma_wait3A_201 : memref<1x128xi32, #tpu.memory_space<vmem>> -> memref<128xi32, #tpu.memory_space<vmem>>
        %dma_wait3A_203 = arith.constant 0 : i32
        %dma_wait3A_204 = tpu.memref_slice %arg16[%dma_wait3A_203] : memref<10240xf32, #tpu.memory_space<vmem_shared>> -> memref<10240xf32, #tpu.memory_space<vmem_shared>>
        tpu.wait_indirect_dma semaphore(%run_scoped3A_194 : memref<!tpu.dma_semaphore, #tpu.memory_space<semaphore_mem>>) src(%arg13 : memref<128xf32, #tpu.memory_space<vmem>>) dst(%dma_wait3A_204 : memref<10240xf32, #tpu.memory_space<vmem_shared>>)
        tpu.yield
      }) : () -> ()
    } else {
    }
    %dma_wait3A_153 = arith.constant 159 : i32
    %dma_wait3A_154 = arith.constant 0 : i32
    %dma_wait3A_155 = tpu.memref_slice %arg7[%dma_wait3A_153, %dma_wait3A_154] : memref<160x128xi32, #tpu.memory_space<vmem>> -> memref<1x128xi32, #tpu.memory_space<vmem>>
    %dma_wait3A_156 = tpu.memref_squeeze %dma_wait3A_155 : memref<1x128xi32, #tpu.memory_space<vmem>> -> memref<128xi32, #tpu.memory_space<vmem>>
    %dma_wait3A_157 = arith.constant 0 : i32
    %dma_wait3A_158 = arith.constant 0 : i32
    %dma_wait3A_159 = tpu.memref_slice %arg2[%dma_wait3A_157, %dma_wait3A_158] : memref<20000x64xf32, #tpu.memory_space<hbm>> -> memref<20000x64xf32, #tpu.memory_space<hbm>>
    tpu.wait_indirect_dma semaphore(%arg20 : memref<!tpu.dma_semaphore, #tpu.memory_space<semaphore_mem>>) src(%dma_wait3A_159 : memref<20000x64xf32, #tpu.memory_space<hbm>>) dst(%arg12 : memref<128x64xf32, #tpu.memory_space<vmem>>)
    %run_scoped3A_160 = arith.constant 159 : i32
    "tpu.region"() ({
      %run_scoped3A_193 = tpu.sem_alloc : memref<!tpu.dma_semaphore, #tpu.memory_space<semaphore_mem>>
      %dma_start3A_194 = arith.constant 0 : i32
      %dma_start3A_195 = tpu.memref_slice %arg8[%run_scoped3A_160, %dma_start3A_194] : memref<160x128xi32, #tpu.memory_space<vmem>> -> memref<1x128xi32, #tpu.memory_space<vmem>>
      %dma_start3A_196 = tpu.memref_squeeze %dma_start3A_195 : memref<1x128xi32, #tpu.memory_space<vmem>> -> memref<128xi32, #tpu.memory_space<vmem>>
      %dma_start3A_197 = arith.constant 0 : i32
      %dma_start3A_198 = arith.constant 0 : i32
      %dma_start3A_199 = tpu.memref_slice %arg15[%dma_start3A_197, %dma_start3A_198] : memref<10240x64xf32, #tpu.memory_space<vmem_shared>> -> memref<10240x64xf32, #tpu.memory_space<vmem_shared>>
      tpu.enqueue_indirect_dma source(%arg12 : memref<128x64xf32, #tpu.memory_space<vmem>>) target(%dma_start3A_199 : memref<10240x64xf32, #tpu.memory_space<vmem_shared>>) offsets(%dma_start3A_196 : memref<128xi32, #tpu.memory_space<vmem>>) semaphore(%run_scoped3A_193 : memref<!tpu.dma_semaphore, #tpu.memory_space<semaphore_mem>>) {add = true}
      %dma_wait3A_200 = arith.constant 0 : i32
      %dma_wait3A_201 = tpu.memref_slice %arg8[%run_scoped3A_160, %dma_wait3A_200] : memref<160x128xi32, #tpu.memory_space<vmem>> -> memref<1x128xi32, #tpu.memory_space<vmem>>
      %dma_wait3A_202 = tpu.memref_squeeze %dma_wait3A_201 : memref<1x128xi32, #tpu.memory_space<vmem>> -> memref<128xi32, #tpu.memory_space<vmem>>
      %dma_wait3A_203 = arith.constant 0 : i32
      %dma_wait3A_204 = arith.constant 0 : i32
      %dma_wait3A_205 = tpu.memref_slice %arg15[%dma_wait3A_203, %dma_wait3A_204] : memref<10240x64xf32, #tpu.memory_space<vmem_shared>> -> memref<10240x64xf32, #tpu.memory_space<vmem_shared>>
      tpu.wait_indirect_dma semaphore(%run_scoped3A_193 : memref<!tpu.dma_semaphore, #tpu.memory_space<semaphore_mem>>) src(%arg12 : memref<128x64xf32, #tpu.memory_space<vmem>>) dst(%dma_wait3A_205 : memref<10240x64xf32, #tpu.memory_space<vmem_shared>>)
      tpu.yield
    }) : () -> ()
    %eq3A_161 = arith.constant 0 : i32
    %eq3A_162 = arith.cmpi eq, %arg0, %eq3A_161 : i32
    %jit3A_163 = arith.constant false
    %jit3A_164 = arith.constant true
    %select_n3A_165 = arith.select %eq3A_162, %jit3A_163, %jit3A_164 : i1
    %convert_element_type3A_166 = arith.extui %select_n3A_165 : i1 to i32
    %cond3A_167 = arith.constant 0 : i32
    %cond3A_168 = arith.cmpi ne, %convert_element_type3A_166, %cond3A_167 : i32
    scf.if %cond3A_168 {
      %run_scoped3A_193 = arith.constant 159 : i32
      "tpu.region"() ({
        %run_scoped3A_194 = tpu.sem_alloc : memref<!tpu.dma_semaphore, #tpu.memory_space<semaphore_mem>>
        %dma_start3A_195 = arith.constant 0 : i32
        %dma_start3A_196 = tpu.memref_slice %arg8[%run_scoped3A_193, %dma_start3A_195] : memref<160x128xi32, #tpu.memory_space<vmem>> -> memref<1x128xi32, #tpu.memory_space<vmem>>
        %dma_start3A_197 = tpu.memref_squeeze %dma_start3A_196 : memref<1x128xi32, #tpu.memory_space<vmem>> -> memref<128xi32, #tpu.memory_space<vmem>>
        %dma_start3A_198 = arith.constant 0 : i32
        %dma_start3A_199 = tpu.memref_slice %arg16[%dma_start3A_198] : memref<10240xf32, #tpu.memory_space<vmem_shared>> -> memref<10240xf32, #tpu.memory_space<vmem_shared>>
        tpu.enqueue_indirect_dma source(%arg13 : memref<128xf32, #tpu.memory_space<vmem>>) target(%dma_start3A_199 : memref<10240xf32, #tpu.memory_space<vmem_shared>>) offsets(%dma_start3A_197 : memref<128xi32, #tpu.memory_space<vmem>>) semaphore(%run_scoped3A_194 : memref<!tpu.dma_semaphore, #tpu.memory_space<semaphore_mem>>) {add = true}
        %dma_wait3A_200 = arith.constant 0 : i32
        %dma_wait3A_201 = tpu.memref_slice %arg8[%run_scoped3A_193, %dma_wait3A_200] : memref<160x128xi32, #tpu.memory_space<vmem>> -> memref<1x128xi32, #tpu.memory_space<vmem>>
        %dma_wait3A_202 = tpu.memref_squeeze %dma_wait3A_201 : memref<1x128xi32, #tpu.memory_space<vmem>> -> memref<128xi32, #tpu.memory_space<vmem>>
        %dma_wait3A_203 = arith.constant 0 : i32
        %dma_wait3A_204 = tpu.memref_slice %arg16[%dma_wait3A_203] : memref<10240xf32, #tpu.memory_space<vmem_shared>> -> memref<10240xf32, #tpu.memory_space<vmem_shared>>
        tpu.wait_indirect_dma semaphore(%run_scoped3A_194 : memref<!tpu.dma_semaphore, #tpu.memory_space<semaphore_mem>>) src(%arg13 : memref<128xf32, #tpu.memory_space<vmem>>) dst(%dma_wait3A_204 : memref<10240xf32, #tpu.memory_space<vmem_shared>>)
        tpu.yield
      }) : () -> ()
    } else {
    }
    %barrier3A_169 = arith.constant 0 : index
    tpu.barrier barrier_id(%barrier3A_169)
    %mul3A_170 = arith.constant 64 : i32
    %mul3A_171 = arith.muli %arg0, %mul3A_170 : i32
    %multiple_of3A_172 = tpu.assume_multiple %mul3A_171, 64 : i32
    %add3A_173 = arith.constant 0 : i32
    %add3A_174 = arith.addi %multiple_of3A, %add3A_173 : i32
    "tpu.region"() ({
      %run_scoped3A_193 = tpu.sem_alloc : memref<!tpu.dma_semaphore, #tpu.memory_space<semaphore_mem>>
      %dma_start3A_194 = arith.constant 0 : i32
      %dma_start3A_195 = tpu.memref_slice %arg15[%add3A_174, %dma_start3A_194] : memref<10240x64xf32, #tpu.memory_space<vmem_shared>> -> memref<128x64xf32, #tpu.memory_space<vmem_shared>>
      %dma_start3A_196 = arith.constant 0 : i32
      %dma_start3A_197 = tpu.memref_slice %arg15[%add3A_174, %dma_start3A_196] : memref<10240x64xf32, #tpu.memory_space<vmem_shared>> -> memref<128x64xf32, #tpu.memory_space<vmem_shared>>
      tpu.enqueue_dma source(%dma_start3A_197 : memref<128x64xf32, #tpu.memory_space<vmem_shared>>) target(%arg9 : memref<128x64xf32, #tpu.memory_space<vmem>>) target_semaphore(%run_scoped3A_193 : memref<!tpu.dma_semaphore, #tpu.memory_space<semaphore_mem>>)
      %dma_wait3A_198 = arith.constant 0 : i32
      %dma_wait3A_199 = tpu.memref_slice %arg15[%add3A_174, %dma_wait3A_198] : memref<10240x64xf32, #tpu.memory_space<vmem_shared>> -> memref<128x64xf32, #tpu.memory_space<vmem_shared>>
      %dma_wait3A_200 = arith.constant 0 : i32
      %dma_wait3A_201 = tpu.memref_slice %arg15[%add3A_174, %dma_wait3A_200] : memref<10240x64xf32, #tpu.memory_space<vmem_shared>> -> memref<128x64xf32, #tpu.memory_space<vmem_shared>>
      tpu.wait_dma2 semaphore(%run_scoped3A_193 : memref<!tpu.dma_semaphore, #tpu.memory_space<semaphore_mem>>) src(%dma_wait3A_201 : memref<128x64xf32, #tpu.memory_space<vmem_shared>>) dst(%arg9 : memref<128x64xf32, #tpu.memory_space<vmem>>)
      tpu.yield
    }) : () -> ()
    %add3A_175 = arith.constant 0 : i32
    %add3A_176 = arith.addi %multiple_of3A, %add3A_175 : i32
    "tpu.region"() ({
      %run_scoped3A_193 = tpu.sem_alloc : memref<!tpu.dma_semaphore, #tpu.memory_space<semaphore_mem>>
      %dma_start3A_194 = tpu.memref_slice %arg5[%add3A_176, %multiple_of3A_172] : memref<10240x128xf32, #tpu.memory_space<hbm>> -> memref<128x64xf32, #tpu.memory_space<hbm>>
      %dma_start3A_195 = tpu.memref_slice %arg5[%add3A_176, %multiple_of3A_172] : memref<10240x128xf32, #tpu.memory_space<hbm>> -> memref<128x64xf32, #tpu.memory_space<hbm>>
      tpu.enqueue_dma source(%arg9 : memref<128x64xf32, #tpu.memory_space<vmem>>) target(%dma_start3A_195 : memref<128x64xf32, #tpu.memory_space<hbm>>) target_semaphore(%run_scoped3A_193 : memref<!tpu.dma_semaphore, #tpu.memory_space<semaphore_mem>>)
      %dma_wait3A_196 = tpu.memref_slice %arg5[%add3A_176, %multiple_of3A_172] : memref<10240x128xf32, #tpu.memory_space<hbm>> -> memref<128x64xf32, #tpu.memory_space<hbm>>
      %dma_wait3A_197 = tpu.memref_slice %arg5[%add3A_176, %multiple_of3A_172] : memref<10240x128xf32, #tpu.memory_space<hbm>> -> memref<128x64xf32, #tpu.memory_space<hbm>>
      tpu.wait_dma2 semaphore(%run_scoped3A_193 : memref<!tpu.dma_semaphore, #tpu.memory_space<semaphore_mem>>) src(%arg9 : memref<128x64xf32, #tpu.memory_space<vmem>>) dst(%dma_wait3A_197 : memref<128x64xf32, #tpu.memory_space<hbm>>)
      tpu.yield
    }) : () -> ()
    %add3A_177 = arith.constant 128 : i32
    %add3A_178 = arith.addi %multiple_of3A, %add3A_177 : i32
    "tpu.region"() ({
      %run_scoped3A_193 = tpu.sem_alloc : memref<!tpu.dma_semaphore, #tpu.memory_space<semaphore_mem>>
      %dma_start3A_194 = arith.constant 0 : i32
      %dma_start3A_195 = tpu.memref_slice %arg15[%add3A_178, %dma_start3A_194] : memref<10240x64xf32, #tpu.memory_space<vmem_shared>> -> memref<128x64xf32, #tpu.memory_space<vmem_shared>>
      %dma_start3A_196 = arith.constant 0 : i32
      %dma_start3A_197 = tpu.memref_slice %arg15[%add3A_178, %dma_start3A_196] : memref<10240x64xf32, #tpu.memory_space<vmem_shared>> -> memref<128x64xf32, #tpu.memory_space<vmem_shared>>
      tpu.enqueue_dma source(%dma_start3A_197 : memref<128x64xf32, #tpu.memory_space<vmem_shared>>) target(%arg9 : memref<128x64xf32, #tpu.memory_space<vmem>>) target_semaphore(%run_scoped3A_193 : memref<!tpu.dma_semaphore, #tpu.memory_space<semaphore_mem>>)
      %dma_wait3A_198 = arith.constant 0 : i32
      %dma_wait3A_199 = tpu.memref_slice %arg15[%add3A_178, %dma_wait3A_198] : memref<10240x64xf32, #tpu.memory_space<vmem_shared>> -> memref<128x64xf32, #tpu.memory_space<vmem_shared>>
      %dma_wait3A_200 = arith.constant 0 : i32
      %dma_wait3A_201 = tpu.memref_slice %arg15[%add3A_178, %dma_wait3A_200] : memref<10240x64xf32, #tpu.memory_space<vmem_shared>> -> memref<128x64xf32, #tpu.memory_space<vmem_shared>>
      tpu.wait_dma2 semaphore(%run_scoped3A_193 : memref<!tpu.dma_semaphore, #tpu.memory_space<semaphore_mem>>) src(%dma_wait3A_201 : memref<128x64xf32, #tpu.memory_space<vmem_shared>>) dst(%arg9 : memref<128x64xf32, #tpu.memory_space<vmem>>)
      tpu.yield
    }) : () -> ()
    %add3A_179 = arith.constant 128 : i32
    %add3A_180 = arith.addi %multiple_of3A, %add3A_179 : i32
    "tpu.region"() ({
      %run_scoped3A_193 = tpu.sem_alloc : memref<!tpu.dma_semaphore, #tpu.memory_space<semaphore_mem>>
      %dma_start3A_194 = tpu.memref_slice %arg5[%add3A_180, %multiple_of3A_172] : memref<10240x128xf32, #tpu.memory_space<hbm>> -> memref<128x64xf32, #tpu.memory_space<hbm>>
      %dma_start3A_195 = tpu.memref_slice %arg5[%add3A_180, %multiple_of3A_172] : memref<10240x128xf32, #tpu.memory_space<hbm>> -> memref<128x64xf32, #tpu.memory_space<hbm>>
      tpu.enqueue_dma source(%arg9 : memref<128x64xf32, #tpu.memory_space<vmem>>) target(%dma_start3A_195 : memref<128x64xf32, #tpu.memory_space<hbm>>) target_semaphore(%run_scoped3A_193 : memref<!tpu.dma_semaphore, #tpu.memory_space<semaphore_mem>>)
      %dma_wait3A_196 = tpu.memref_slice %arg5[%add3A_180, %multiple_of3A_172] : memref<10240x128xf32, #tpu.memory_space<hbm>> -> memref<128x64xf32, #tpu.memory_space<hbm>>
      %dma_wait3A_197 = tpu.memref_slice %arg5[%add3A_180, %multiple_of3A_172] : memref<10240x128xf32, #tpu.memory_space<hbm>> -> memref<128x64xf32, #tpu.memory_space<hbm>>
      tpu.wait_dma2 semaphore(%run_scoped3A_193 : memref<!tpu.dma_semaphore, #tpu.memory_space<semaphore_mem>>) src(%arg9 : memref<128x64xf32, #tpu.memory_space<vmem>>) dst(%dma_wait3A_197 : memref<128x64xf32, #tpu.memory_space<hbm>>)
      tpu.yield
    }) : () -> ()
    %add3A_181 = arith.constant 256 : i32
    %add3A_182 = arith.addi %multiple_of3A, %add3A_181 : i32
    "tpu.region"() ({
      %run_scoped3A_193 = tpu.sem_alloc : memref<!tpu.dma_semaphore, #tpu.memory_space<semaphore_mem>>
      %dma_start3A_194 = arith.constant 0 : i32
      %dma_start3A_195 = tpu.memref_slice %arg15[%add3A_182, %dma_start3A_194] : memref<10240x64xf32, #tpu.memory_space<vmem_shared>> -> memref<128x64xf32, #tpu.memory_space<vmem_shared>>
      %dma_start3A_196 = arith.constant 0 : i32
      %dma_start3A_197 = tpu.memref_slice %arg15[%add3A_182, %dma_start3A_196] : memref<10240x64xf32, #tpu.memory_space<vmem_shared>> -> memref<128x64xf32, #tpu.memory_space<vmem_shared>>
      tpu.enqueue_dma source(%dma_start3A_197 : memref<128x64xf32, #tpu.memory_space<vmem_shared>>) target(%arg9 : memref<128x64xf32, #tpu.memory_space<vmem>>) target_semaphore(%run_scoped3A_193 : memref<!tpu.dma_semaphore, #tpu.memory_space<semaphore_mem>>)
      %dma_wait3A_198 = arith.constant 0 : i32
      %dma_wait3A_199 = tpu.memref_slice %arg15[%add3A_182, %dma_wait3A_198] : memref<10240x64xf32, #tpu.memory_space<vmem_shared>> -> memref<128x64xf32, #tpu.memory_space<vmem_shared>>
      %dma_wait3A_200 = arith.constant 0 : i32
      %dma_wait3A_201 = tpu.memref_slice %arg15[%add3A_182, %dma_wait3A_200] : memref<10240x64xf32, #tpu.memory_space<vmem_shared>> -> memref<128x64xf32, #tpu.memory_space<vmem_shared>>
      tpu.wait_dma2 semaphore(%run_scoped3A_193 : memref<!tpu.dma_semaphore, #tpu.memory_space<semaphore_mem>>) src(%dma_wait3A_201 : memref<128x64xf32, #tpu.memory_space<vmem_shared>>) dst(%arg9 : memref<128x64xf32, #tpu.memory_space<vmem>>)
      tpu.yield
    }) : () -> ()
    %add3A_183 = arith.constant 256 : i32
    %add3A_184 = arith.addi %multiple_of3A, %add3A_183 : i32
    "tpu.region"() ({
      %run_scoped3A_193 = tpu.sem_alloc : memref<!tpu.dma_semaphore, #tpu.memory_space<semaphore_mem>>
      %dma_start3A_194 = tpu.memref_slice %arg5[%add3A_184, %multiple_of3A_172] : memref<10240x128xf32, #tpu.memory_space<hbm>> -> memref<128x64xf32, #tpu.memory_space<hbm>>
      %dma_start3A_195 = tpu.memref_slice %arg5[%add3A_184, %multiple_of3A_172] : memref<10240x128xf32, #tpu.memory_space<hbm>> -> memref<128x64xf32, #tpu.memory_space<hbm>>
      tpu.enqueue_dma source(%arg9 : memref<128x64xf32, #tpu.memory_space<vmem>>) target(%dma_start3A_195 : memref<128x64xf32, #tpu.memory_space<hbm>>) target_semaphore(%run_scoped3A_193 : memref<!tpu.dma_semaphore, #tpu.memory_space<semaphore_mem>>)
      %dma_wait3A_196 = tpu.memref_slice %arg5[%add3A_184, %multiple_of3A_172] : memref<10240x128xf32, #tpu.memory_space<hbm>> -> memref<128x64xf32, #tpu.memory_space<hbm>>
      %dma_wait3A_197 = tpu.memref_slice %arg5[%add3A_184, %multiple_of3A_172] : memref<10240x128xf32, #tpu.memory_space<hbm>> -> memref<128x64xf32, #tpu.memory_space<hbm>>
      tpu.wait_dma2 semaphore(%run_scoped3A_193 : memref<!tpu.dma_semaphore, #tpu.memory_space<semaphore_mem>>) src(%arg9 : memref<128x64xf32, #tpu.memory_space<vmem>>) dst(%dma_wait3A_197 : memref<128x64xf32, #tpu.memory_space<hbm>>)
      tpu.yield
    }) : () -> ()
    %add3A_185 = arith.constant 384 : i32
    %add3A_186 = arith.addi %multiple_of3A, %add3A_185 : i32
    "tpu.region"() ({
      %run_scoped3A_193 = tpu.sem_alloc : memref<!tpu.dma_semaphore, #tpu.memory_space<semaphore_mem>>
      %dma_start3A_194 = arith.constant 0 : i32
      %dma_start3A_195 = tpu.memref_slice %arg15[%add3A_186, %dma_start3A_194] : memref<10240x64xf32, #tpu.memory_space<vmem_shared>> -> memref<128x64xf32, #tpu.memory_space<vmem_shared>>
      %dma_start3A_196 = arith.constant 0 : i32
      %dma_start3A_197 = tpu.memref_slice %arg15[%add3A_186, %dma_start3A_196] : memref<10240x64xf32, #tpu.memory_space<vmem_shared>> -> memref<128x64xf32, #tpu.memory_space<vmem_shared>>
      tpu.enqueue_dma source(%dma_start3A_197 : memref<128x64xf32, #tpu.memory_space<vmem_shared>>) target(%arg9 : memref<128x64xf32, #tpu.memory_space<vmem>>) target_semaphore(%run_scoped3A_193 : memref<!tpu.dma_semaphore, #tpu.memory_space<semaphore_mem>>)
      %dma_wait3A_198 = arith.constant 0 : i32
      %dma_wait3A_199 = tpu.memref_slice %arg15[%add3A_186, %dma_wait3A_198] : memref<10240x64xf32, #tpu.memory_space<vmem_shared>> -> memref<128x64xf32, #tpu.memory_space<vmem_shared>>
      %dma_wait3A_200 = arith.constant 0 : i32
      %dma_wait3A_201 = tpu.memref_slice %arg15[%add3A_186, %dma_wait3A_200] : memref<10240x64xf32, #tpu.memory_space<vmem_shared>> -> memref<128x64xf32, #tpu.memory_space<vmem_shared>>
      tpu.wait_dma2 semaphore(%run_scoped3A_193 : memref<!tpu.dma_semaphore, #tpu.memory_space<semaphore_mem>>) src(%dma_wait3A_201 : memref<128x64xf32, #tpu.memory_space<vmem_shared>>) dst(%arg9 : memref<128x64xf32, #tpu.memory_space<vmem>>)
      tpu.yield
    }) : () -> ()
    %add3A_187 = arith.constant 384 : i32
    %add3A_188 = arith.addi %multiple_of3A, %add3A_187 : i32
    "tpu.region"() ({
      %run_scoped3A_193 = tpu.sem_alloc : memref<!tpu.dma_semaphore, #tpu.memory_space<semaphore_mem>>
      %dma_start3A_194 = tpu.memref_slice %arg5[%add3A_188, %multiple_of3A_172] : memref<10240x128xf32, #tpu.memory_space<hbm>> -> memref<128x64xf32, #tpu.memory_space<hbm>>
      %dma_start3A_195 = tpu.memref_slice %arg5[%add3A_188, %multiple_of3A_172] : memref<10240x128xf32, #tpu.memory_space<hbm>> -> memref<128x64xf32, #tpu.memory_space<hbm>>
      tpu.enqueue_dma source(%arg9 : memref<128x64xf32, #tpu.memory_space<vmem>>) target(%dma_start3A_195 : memref<128x64xf32, #tpu.memory_space<hbm>>) target_semaphore(%run_scoped3A_193 : memref<!tpu.dma_semaphore, #tpu.memory_space<semaphore_mem>>)
      %dma_wait3A_196 = tpu.memref_slice %arg5[%add3A_188, %multiple_of3A_172] : memref<10240x128xf32, #tpu.memory_space<hbm>> -> memref<128x64xf32, #tpu.memory_space<hbm>>
      %dma_wait3A_197 = tpu.memref_slice %arg5[%add3A_188, %multiple_of3A_172] : memref<10240x128xf32, #tpu.memory_space<hbm>> -> memref<128x64xf32, #tpu.memory_space<hbm>>
      tpu.wait_dma2 semaphore(%run_scoped3A_193 : memref<!tpu.dma_semaphore, #tpu.memory_space<semaphore_mem>>) src(%arg9 : memref<128x64xf32, #tpu.memory_space<vmem>>) dst(%dma_wait3A_197 : memref<128x64xf32, #tpu.memory_space<hbm>>)
      tpu.yield
    }) : () -> ()
    %add3A_189 = arith.constant 512 : i32
    %add3A_190 = arith.addi %multiple_of3A, %add3A_189 : i32
    "tpu.region"() ({
      %run_scoped3A_193 = tpu.sem_alloc : memref<!tpu.dma_semaphore, #tpu.memory_space<semaphore_mem>>
      %dma_start3A_194 = arith.constant 0 : i32
      %dma_start3A_195 = tpu.memref_slice %arg15[%add3A_190, %dma_start3A_194] : memref<10240x64xf32, #tpu.memory_space<vmem_shared>> -> memref<128x64xf32, #tpu.memory_space<vmem_shared>>
      %dma_start3A_196 = arith.constant 0 : i32
      %dma_start3A_197 = tpu.memref_slice %arg15[%add3A_190, %dma_start3A_196] : memref<10240x64xf32, #tpu.memory_space<vmem_shared>> -> memref<128x64xf32, #tpu.memory_space<vmem_shared>>
      tpu.enqueue_dma source(%dma_start3A_197 : memref<128x64xf32, #tpu.memory_space<vmem_shared>>) target(%arg9 : memref<128x64xf32, #tpu.memory_space<vmem>>) target_semaphore(%run_scoped3A_193 : memref<!tpu.dma_semaphore, #tpu.memory_space<semaphore_mem>>)
      %dma_wait3A_198 = arith.constant 0 : i32
      %dma_wait3A_199 = tpu.memref_slice %arg15[%add3A_190, %dma_wait3A_198] : memref<10240x64xf32, #tpu.memory_space<vmem_shared>> -> memref<128x64xf32, #tpu.memory_space<vmem_shared>>
      %dma_wait3A_200 = arith.constant 0 : i32
      %dma_wait3A_201 = tpu.memref_slice %arg15[%add3A_190, %dma_wait3A_200] : memref<10240x64xf32, #tpu.memory_space<vmem_shared>> -> memref<128x64xf32, #tpu.memory_space<vmem_shared>>
      tpu.wait_dma2 semaphore(%run_scoped3A_193 : memref<!tpu.dma_semaphore, #tpu.memory_space<semaphore_mem>>) src(%dma_wait3A_201 : memref<128x64xf32, #tpu.memory_space<vmem_shared>>) dst(%arg9 : memref<128x64xf32, #tpu.memory_space<vmem>>)
      tpu.yield
    }) : () -> ()
    %add3A_191 = arith.constant 512 : i32
    %add3A_192 = arith.addi %multiple_of3A, %add3A_191 : i32
    "tpu.region"() ({
      %run_scoped3A_193 = tpu.sem_alloc : memref<!tpu.dma_semaphore, #tpu.memory_space<semaphore_mem>>
      %dma_start3A_194 = tpu.memref_slice %arg5[%add3A_192, %multiple_of3A_172] : memref<10240x128xf32, #tpu.memory_space<hbm>> -> memref<128x64xf32, #tpu.memory_space<hbm>>
      %dma_start3A_195 = tpu.memref_slice %arg5[%add3A_192, %multiple_of3A_172] : memref<10240x128xf32, #tpu.memory_space<hbm>> -> memref<128x64xf32, #tpu.memory_space<hbm>>
      tpu.enqueue_dma source(%arg9 : memref<128x64xf32, #tpu.memory_space<vmem>>) target(%dma_start3A_195 : memref<128x64xf32, #tpu.memory_space<hbm>>) target_semaphore(%run_scoped3A_193 : memref<!tpu.dma_semaphore, #tpu.memory_space<semaphore_mem>>)
      %dma_wait3A_196 = tpu.memref_slice %arg5[%add3A_192, %multiple_of3A_172] : memref<10240x128xf32, #tpu.memory_space<hbm>> -> memref<128x64xf32, #tpu.memory_space<hbm>>
      %dma_wait3A_197 = tpu.memref_slice %arg5[%add3A_192, %multiple_of3A_172] : memref<10240x128xf32, #tpu.memory_space<hbm>> -> memref<128x64xf32, #tpu.memory_space<hbm>>
      tpu.wait_dma2 semaphore(%run_scoped3A_193 : memref<!tpu.dma_semaphore, #tpu.memory_space<semaphore_mem>>) src(%arg9 : memref<128x64xf32, #tpu.memory_space<vmem>>) dst(%dma_wait3A_197 : memref<128x64xf32, #tpu.memory_space<hbm>>)
      tpu.yield
    }) : () -> ()
    "tpu.region"() ({
      %run_scoped3A_193 = tpu.sem_alloc : memref<!tpu.dma_semaphore, #tpu.memory_space<semaphore_mem>>
      %dma_start3A_194 = tpu.memref_slice %arg16[%multiple_of3A] : memref<10240xf32, #tpu.memory_space<vmem_shared>> -> memref<640xf32, #tpu.memory_space<vmem_shared>>
      %dma_start3A_195 = tpu.memref_slice %arg16[%multiple_of3A] : memref<10240xf32, #tpu.memory_space<vmem_shared>> -> memref<640xf32, #tpu.memory_space<vmem_shared>>
      tpu.enqueue_dma source(%dma_start3A_195 : memref<640xf32, #tpu.memory_space<vmem_shared>>) target(%arg14 : memref<640xf32, #tpu.memory_space<vmem>>) target_semaphore(%run_scoped3A_193 : memref<!tpu.dma_semaphore, #tpu.memory_space<semaphore_mem>>)
      %dma_wait3A_196 = tpu.memref_slice %arg16[%multiple_of3A] : memref<10240xf32, #tpu.memory_space<vmem_shared>> -> memref<640xf32, #tpu.memory_space<vmem_shared>>
      %dma_wait3A_197 = tpu.memref_slice %arg16[%multiple_of3A] : memref<10240xf32, #tpu.memory_space<vmem_shared>> -> memref<640xf32, #tpu.memory_space<vmem_shared>>
      tpu.wait_dma2 semaphore(%run_scoped3A_193 : memref<!tpu.dma_semaphore, #tpu.memory_space<semaphore_mem>>) src(%dma_wait3A_197 : memref<640xf32, #tpu.memory_space<vmem_shared>>) dst(%arg14 : memref<640xf32, #tpu.memory_space<vmem>>)
      tpu.yield
    }) : () -> ()
    "tpu.region"() ({
      %run_scoped3A_193 = tpu.sem_alloc : memref<!tpu.dma_semaphore, #tpu.memory_space<semaphore_mem>>
      %dma_start3A_194 = tpu.memref_slice %arg6[%arg0, %multiple_of3A] : memref<2x10240xf32, #tpu.memory_space<hbm>> -> memref<1x640xf32, #tpu.memory_space<hbm>>
      %dma_start3A_195 = tpu.memref_squeeze %dma_start3A_194 : memref<1x640xf32, #tpu.memory_space<hbm>> -> memref<640xf32, #tpu.memory_space<hbm>>
      %dma_start3A_196 = tpu.memref_slice %arg6[%arg0, %multiple_of3A] : memref<2x10240xf32, #tpu.memory_space<hbm>> -> memref<1x640xf32, #tpu.memory_space<hbm>>
      %dma_start3A_197 = tpu.memref_squeeze %dma_start3A_196 : memref<1x640xf32, #tpu.memory_space<hbm>> -> memref<640xf32, #tpu.memory_space<hbm>>
      tpu.enqueue_dma source(%arg14 : memref<640xf32, #tpu.memory_space<vmem>>) target(%dma_start3A_197 : memref<640xf32, #tpu.memory_space<hbm>>) target_semaphore(%run_scoped3A_193 : memref<!tpu.dma_semaphore, #tpu.memory_space<semaphore_mem>>)
      %dma_wait3A_198 = tpu.memref_slice %arg6[%arg0, %multiple_of3A] : memref<2x10240xf32, #tpu.memory_space<hbm>> -> memref<1x640xf32, #tpu.memory_space<hbm>>
      %dma_wait3A_199 = tpu.memref_squeeze %dma_wait3A_198 : memref<1x640xf32, #tpu.memory_space<hbm>> -> memref<640xf32, #tpu.memory_space<hbm>>
      %dma_wait3A_200 = tpu.memref_slice %arg6[%arg0, %multiple_of3A] : memref<2x10240xf32, #tpu.memory_space<hbm>> -> memref<1x640xf32, #tpu.memory_space<hbm>>
      %dma_wait3A_201 = tpu.memref_squeeze %dma_wait3A_200 : memref<1x640xf32, #tpu.memory_space<hbm>> -> memref<640xf32, #tpu.memory_space<hbm>>
      tpu.wait_dma2 semaphore(%run_scoped3A_193 : memref<!tpu.dma_semaphore, #tpu.memory_space<semaphore_mem>>) src(%arg14 : memref<640xf32, #tpu.memory_space<vmem>>) dst(%dma_wait3A_201 : memref<640xf32, #tpu.memory_space<hbm>>)
      tpu.yield
    }) : () -> ()
    return
  }
}

#map = affine_map<(d0, d1) -> (0, 0)>
#map1 = affine_map<(d0, d1) -> (0, 0, 0)>
module attributes {stable_mosaic.version = 14 : i64} {
  func.func @body(%arg0: i32, %arg1: i32, %arg2: memref<20000x64xf32, #tpu.memory_space<hbm>>, %arg3: memref<16x160x128xi32, #tpu.memory_space<hbm>>, %arg4: memref<16x160x128xi32, #tpu.memory_space<hbm>>, %arg5: memref<10240x128xf32, #tpu.memory_space<hbm>>, %arg6: memref<160x128xi32, #tpu.memory_space<vmem>>, %arg7: memref<160x128xi32, #tpu.memory_space<vmem>>, %arg8: memref<128x64xf32, #tpu.memory_space<vmem>>, %arg9: memref<128x64xf32, #tpu.memory_space<vmem>>, %arg10: memref<128x64xf32, #tpu.memory_space<vmem>>, %arg11: memref<128x64xf32, #tpu.memory_space<vmem>>, %arg12: memref<128xf32, #tpu.memory_space<vmem>>, %arg13: memref<640xf32, #tpu.memory_space<vmem>>, %arg14: memref<10240x64xf32, #tpu.memory_space<vmem_shared>>, %arg15: memref<10240xf32, #tpu.memory_space<vmem_shared>>, %arg16: memref<!tpu.dma_semaphore, #tpu.memory_space<semaphore_mem>>, %arg17: memref<!tpu.dma_semaphore, #tpu.memory_space<semaphore_mem>>, %arg18: memref<!tpu.dma_semaphore, #tpu.memory_space<semaphore_mem>>, %arg19: memref<!tpu.dma_semaphore, #tpu.memory_space<semaphore_mem>>) attributes {dimension_semantics = [#tpu.dimension_semantics<core_parallel>, #tpu.dimension_semantics<subcore_parallel>], iteration_bounds = array<i64: 2, 16>, scalar_prefetch = 0 : i64, scratch_operands = 14 : i64, tpu.core_type = #tpu.core_type<sc_vector_subcore>, window_params = [{transform_indices = #map}, {transform_indices = #map1}, {transform_indices = #map1}, {transform_indices = #map}]} {
    %broadcast_in_dim3A = arith.constant 0.000000e+00 : f32
    %broadcast_in_dim3A_0 = vector.broadcast %broadcast_in_dim3A : f32 to vector<16xf32>
    %scan3A = arith.constant 0 : i32
    %scan3A_1 = arith.constant 0 : i32
    %scan3A_2 = arith.constant 128 : i32
    %scan3A_3 = arith.addi %scan3A_1, %scan3A_2 : i32
    %scan3A_4 = arith.constant 1 : i32
    %scan3A_5 = scf.for %scan3A_166 = %scan3A_1 to %scan3A_3 step %scan3A_4 iter_args(%scan3A_167 = %scan3A) -> (i32)  : i32 {
      %swap3A_168 = arith.index_cast %scan3A_166 : i32 to index
      %swap3A_169 = arith.constant 0 : index
      %swap3A_170 = tpu.vector_load %arg8[%swap3A_168, %swap3A_169] {strides = array<i32>} : memref<128x64xf32, #tpu.memory_space<vmem>>, vector<1x16xf32>,
      %swap3A_171 = vector.shape_cast %swap3A_170 : vector<1x16xf32> to vector<16xf32>
      %swap3A_172 = vector.shape_cast %broadcast_in_dim3A_0 : vector<16xf32> to vector<1x16xf32>
      tpu.vector_store %arg8[%swap3A_168, %swap3A_169], %swap3A_172 {strides = array<i32>} : memref<128x64xf32, #tpu.memory_space<vmem>>, vector<1x16xf32>,
      %swap3A_173 = arith.index_cast %scan3A_166 : i32 to index
      %swap3A_174 = arith.constant 16 : index
      %swap3A_175 = tpu.vector_load %arg8[%swap3A_173, %swap3A_174] {strides = array<i32>} : memref<128x64xf32, #tpu.memory_space<vmem>>, vector<1x16xf32>,
      %swap3A_176 = vector.shape_cast %swap3A_175 : vector<1x16xf32> to vector<16xf32>
      %swap3A_177 = vector.shape_cast %broadcast_in_dim3A_0 : vector<16xf32> to vector<1x16xf32>
      tpu.vector_store %arg8[%swap3A_173, %swap3A_174], %swap3A_177 {strides = array<i32>} : memref<128x64xf32, #tpu.memory_space<vmem>>, vector<1x16xf32>,
      %swap3A_178 = arith.index_cast %scan3A_166 : i32 to index
      %swap3A_179 = arith.constant 32 : index
      %swap3A_180 = tpu.vector_load %arg8[%swap3A_178, %swap3A_179] {strides = array<i32>} : memref<128x64xf32, #tpu.memory_space<vmem>>, vector<1x16xf32>,
      %swap3A_181 = vector.shape_cast %swap3A_180 : vector<1x16xf32> to vector<16xf32>
      %swap3A_182 = vector.shape_cast %broadcast_in_dim3A_0 : vector<16xf32> to vector<1x16xf32>
      tpu.vector_store %arg8[%swap3A_178, %swap3A_179], %swap3A_182 {strides = array<i32>} : memref<128x64xf32, #tpu.memory_space<vmem>>, vector<1x16xf32>,
      %swap3A_183 = arith.index_cast %scan3A_166 : i32 to index
      %swap3A_184 = arith.constant 48 : index
      %swap3A_185 = tpu.vector_load %arg8[%swap3A_183, %swap3A_184] {strides = array<i32>} : memref<128x64xf32, #tpu.memory_space<vmem>>, vector<1x16xf32>,
      %swap3A_186 = vector.shape_cast %swap3A_185 : vector<1x16xf32> to vector<16xf32>
      %swap3A_187 = vector.shape_cast %broadcast_in_dim3A_0 : vector<16xf32> to vector<1x16xf32>
      tpu.vector_store %arg8[%swap3A_183, %swap3A_184], %swap3A_187 {strides = array<i32>} : memref<128x64xf32, #tpu.memory_space<vmem>>, vector<1x16xf32>,
      %scan3A_188 = arith.constant 0 : i32
      scf.yield %scan3A_188 : i32
    }
    %scan3A_6 = arith.constant 128 : i32
    %scan3A_7 = arith.constant 0 : i32
    %scan3A_8 = arith.constant 0 : i32
    %scan3A_9 = arith.constant 40 : i32
    %scan3A_10 = arith.addi %scan3A_8, %scan3A_9 : i32
    %scan3A_11 = arith.constant 1 : i32
    %scan3A_12 = scf.for %scan3A_166 = %scan3A_8 to %scan3A_10 step %scan3A_11 iter_args(%scan3A_167 = %scan3A_7) -> (i32)  : i32 {
      %mul3A_168 = arith.constant 16 : i32
      %mul3A_169 = arith.muli %scan3A_166, %mul3A_168 : i32
      %swap3A_170 = arith.index_cast %mul3A_169 : i32 to index
      %swap3A_171 = tpu.vector_load %arg13[%swap3A_170] {strides = array<i32>} : memref<640xf32, #tpu.memory_space<vmem>>, vector<16xf32>,
      %swap3A_172 = vector.shape_cast %swap3A_171 : vector<16xf32> to vector<16xf32>
      %swap3A_173 = vector.shape_cast %broadcast_in_dim3A_0 : vector<16xf32> to vector<16xf32>
      tpu.vector_store %arg13[%swap3A_170], %swap3A_173 {strides = array<i32>} : memref<640xf32, #tpu.memory_space<vmem>>, vector<16xf32>,
      %scan3A_174 = arith.constant 0 : i32
      scf.yield %scan3A_174 : i32
    }
    %scan3A_13 = arith.constant 40 : i32
    %broadcast_in_dim3A_14 = arith.constant 1.000000e+00 : f32
    %broadcast_in_dim3A_15 = vector.broadcast %broadcast_in_dim3A_14 : f32 to vector<16xf32>
    %swap3A = arith.constant 0 : index
    %swap3A_16 = tpu.vector_load %arg12[%swap3A] {strides = array<i32>} : memref<128xf32, #tpu.memory_space<vmem>>, vector<16xf32>,
    %swap3A_17 = vector.shape_cast %swap3A_16 : vector<16xf32> to vector<16xf32>
    %swap3A_18 = vector.shape_cast %broadcast_in_dim3A_15 : vector<16xf32> to vector<16xf32>
    tpu.vector_store %arg12[%swap3A], %swap3A_18 {strides = array<i32>} : memref<128xf32, #tpu.memory_space<vmem>>, vector<16xf32>,
    %broadcast_in_dim3A_19 = arith.constant 1.000000e+00 : f32
    %broadcast_in_dim3A_20 = vector.broadcast %broadcast_in_dim3A_19 : f32 to vector<16xf32>
    %swap3A_21 = arith.constant 16 : index
    %swap3A_22 = tpu.vector_load %arg12[%swap3A_21] {strides = array<i32>} : memref<128xf32, #tpu.memory_space<vmem>>, vector<16xf32>,
    %swap3A_23 = vector.shape_cast %swap3A_22 : vector<16xf32> to vector<16xf32>
    %swap3A_24 = vector.shape_cast %broadcast_in_dim3A_20 : vector<16xf32> to vector<16xf32>
    tpu.vector_store %arg12[%swap3A_21], %swap3A_24 {strides = array<i32>} : memref<128xf32, #tpu.memory_space<vmem>>, vector<16xf32>,
    %broadcast_in_dim3A_25 = arith.constant 1.000000e+00 : f32
    %broadcast_in_dim3A_26 = vector.broadcast %broadcast_in_dim3A_25 : f32 to vector<16xf32>
    %swap3A_27 = arith.constant 32 : index
    %swap3A_28 = tpu.vector_load %arg12[%swap3A_27] {strides = array<i32>} : memref<128xf32, #tpu.memory_space<vmem>>, vector<16xf32>,
    %swap3A_29 = vector.shape_cast %swap3A_28 : vector<16xf32> to vector<16xf32>
    %swap3A_30 = vector.shape_cast %broadcast_in_dim3A_26 : vector<16xf32> to vector<16xf32>
    tpu.vector_store %arg12[%swap3A_27], %swap3A_30 {strides = array<i32>} : memref<128xf32, #tpu.memory_space<vmem>>, vector<16xf32>,
    %broadcast_in_dim3A_31 = arith.constant 1.000000e+00 : f32
    %broadcast_in_dim3A_32 = vector.broadcast %broadcast_in_dim3A_31 : f32 to vector<16xf32>
    %swap3A_33 = arith.constant 48 : index
    %swap3A_34 = tpu.vector_load %arg12[%swap3A_33] {strides = array<i32>} : memref<128xf32, #tpu.memory_space<vmem>>, vector<16xf32>,
    %swap3A_35 = vector.shape_cast %swap3A_34 : vector<16xf32> to vector<16xf32>
    %swap3A_36 = vector.shape_cast %broadcast_in_dim3A_32 : vector<16xf32> to vector<16xf32>
    tpu.vector_store %arg12[%swap3A_33], %swap3A_36 {strides = array<i32>} : memref<128xf32, #tpu.memory_space<vmem>>, vector<16xf32>,
    %broadcast_in_dim3A_37 = arith.constant 1.000000e+00 : f32
    %broadcast_in_dim3A_38 = vector.broadcast %broadcast_in_dim3A_37 : f32 to vector<16xf32>
    %swap3A_39 = arith.constant 64 : index
    %swap3A_40 = tpu.vector_load %arg12[%swap3A_39] {strides = array<i32>} : memref<128xf32, #tpu.memory_space<vmem>>, vector<16xf32>,
    %swap3A_41 = vector.shape_cast %swap3A_40 : vector<16xf32> to vector<16xf32>
    %swap3A_42 = vector.shape_cast %broadcast_in_dim3A_38 : vector<16xf32> to vector<16xf32>
    tpu.vector_store %arg12[%swap3A_39], %swap3A_42 {strides = array<i32>} : memref<128xf32, #tpu.memory_space<vmem>>, vector<16xf32>,
    %broadcast_in_dim3A_43 = arith.constant 1.000000e+00 : f32
    %broadcast_in_dim3A_44 = vector.broadcast %broadcast_in_dim3A_43 : f32 to vector<16xf32>
    %swap3A_45 = arith.constant 80 : index
    %swap3A_46 = tpu.vector_load %arg12[%swap3A_45] {strides = array<i32>} : memref<128xf32, #tpu.memory_space<vmem>>, vector<16xf32>,
    %swap3A_47 = vector.shape_cast %swap3A_46 : vector<16xf32> to vector<16xf32>
    %swap3A_48 = vector.shape_cast %broadcast_in_dim3A_44 : vector<16xf32> to vector<16xf32>
    tpu.vector_store %arg12[%swap3A_45], %swap3A_48 {strides = array<i32>} : memref<128xf32, #tpu.memory_space<vmem>>, vector<16xf32>,
    %broadcast_in_dim3A_49 = arith.constant 1.000000e+00 : f32
    %broadcast_in_dim3A_50 = vector.broadcast %broadcast_in_dim3A_49 : f32 to vector<16xf32>
    %swap3A_51 = arith.constant 96 : index
    %swap3A_52 = tpu.vector_load %arg12[%swap3A_51] {strides = array<i32>} : memref<128xf32, #tpu.memory_space<vmem>>, vector<16xf32>,
    %swap3A_53 = vector.shape_cast %swap3A_52 : vector<16xf32> to vector<16xf32>
    %swap3A_54 = vector.shape_cast %broadcast_in_dim3A_50 : vector<16xf32> to vector<16xf32>
    tpu.vector_store %arg12[%swap3A_51], %swap3A_54 {strides = array<i32>} : memref<128xf32, #tpu.memory_space<vmem>>, vector<16xf32>,
    %broadcast_in_dim3A_55 = arith.constant 1.000000e+00 : f32
    %broadcast_in_dim3A_56 = vector.broadcast %broadcast_in_dim3A_55 : f32 to vector<16xf32>
    %swap3A_57 = arith.constant 112 : index
    %swap3A_58 = tpu.vector_load %arg12[%swap3A_57] {strides = array<i32>} : memref<128xf32, #tpu.memory_space<vmem>>, vector<16xf32>,
    %swap3A_59 = vector.shape_cast %swap3A_58 : vector<16xf32> to vector<16xf32>
    %swap3A_60 = vector.shape_cast %broadcast_in_dim3A_56 : vector<16xf32> to vector<16xf32>
    tpu.vector_store %arg12[%swap3A_57], %swap3A_60 {strides = array<i32>} : memref<128xf32, #tpu.memory_space<vmem>>, vector<16xf32>,
    %mul3A = arith.constant 640 : i32
    %mul3A_61 = arith.muli %arg1, %mul3A : i32
    %multiple_of3A = tpu.assume_multiple %mul3A_61, 640 : i32
    %add3A = arith.constant 0 : i32
    %add3A_62 = arith.addi %multiple_of3A, %add3A : i32
    "tpu.region"() ({
      %run_scoped3A_166 = tpu.sem_alloc : memref<!tpu.dma_semaphore, #tpu.memory_space<semaphore_mem>>
      %dma_start3A_167 = arith.constant 0 : i32
      %dma_start3A_168 = tpu.memref_slice %arg14[%add3A_62, %dma_start3A_167] : memref<10240x64xf32, #tpu.memory_space<vmem_shared>> -> memref<128x64xf32, #tpu.memory_space<vmem_shared>>
      %dma_start3A_169 = arith.constant 0 : i32
      %dma_start3A_170 = tpu.memref_slice %arg14[%add3A_62, %dma_start3A_169] : memref<10240x64xf32, #tpu.memory_space<vmem_shared>> -> memref<128x64xf32, #tpu.memory_space<vmem_shared>>
      tpu.enqueue_dma source(%arg8 : memref<128x64xf32, #tpu.memory_space<vmem>>) target(%dma_start3A_170 : memref<128x64xf32, #tpu.memory_space<vmem_shared>>) target_semaphore(%run_scoped3A_166 : memref<!tpu.dma_semaphore, #tpu.memory_space<semaphore_mem>>)
      %dma_wait3A_171 = arith.constant 0 : i32
      %dma_wait3A_172 = tpu.memref_slice %arg14[%add3A_62, %dma_wait3A_171] : memref<10240x64xf32, #tpu.memory_space<vmem_shared>> -> memref<128x64xf32, #tpu.memory_space<vmem_shared>>
      %dma_wait3A_173 = arith.constant 0 : i32
      %dma_wait3A_174 = tpu.memref_slice %arg14[%add3A_62, %dma_wait3A_173] : memref<10240x64xf32, #tpu.memory_space<vmem_shared>> -> memref<128x64xf32, #tpu.memory_space<vmem_shared>>
      tpu.wait_dma2 semaphore(%run_scoped3A_166 : memref<!tpu.dma_semaphore, #tpu.memory_space<semaphore_mem>>) src(%arg8 : memref<128x64xf32, #tpu.memory_space<vmem>>) dst(%dma_wait3A_174 : memref<128x64xf32, #tpu.memory_space<vmem_shared>>)
      tpu.yield
    }) : () -> ()
    %add3A_63 = arith.constant 128 : i32
    %add3A_64 = arith.addi %multiple_of3A, %add3A_63 : i32
    "tpu.region"() ({
      %run_scoped3A_166 = tpu.sem_alloc : memref<!tpu.dma_semaphore, #tpu.memory_space<semaphore_mem>>
      %dma_start3A_167 = arith.constant 0 : i32
      %dma_start3A_168 = tpu.memref_slice %arg14[%add3A_64, %dma_start3A_167] : memref<10240x64xf32, #tpu.memory_space<vmem_shared>> -> memref<128x64xf32, #tpu.memory_space<vmem_shared>>
      %dma_start3A_169 = arith.constant 0 : i32
      %dma_start3A_170 = tpu.memref_slice %arg14[%add3A_64, %dma_start3A_169] : memref<10240x64xf32, #tpu.memory_space<vmem_shared>> -> memref<128x64xf32, #tpu.memory_space<vmem_shared>>
      tpu.enqueue_dma source(%arg8 : memref<128x64xf32, #tpu.memory_space<vmem>>) target(%dma_start3A_170 : memref<128x64xf32, #tpu.memory_space<vmem_shared>>) target_semaphore(%run_scoped3A_166 : memref<!tpu.dma_semaphore, #tpu.memory_space<semaphore_mem>>)
      %dma_wait3A_171 = arith.constant 0 : i32
      %dma_wait3A_172 = tpu.memref_slice %arg14[%add3A_64, %dma_wait3A_171] : memref<10240x64xf32, #tpu.memory_space<vmem_shared>> -> memref<128x64xf32, #tpu.memory_space<vmem_shared>>
      %dma_wait3A_173 = arith.constant 0 : i32
      %dma_wait3A_174 = tpu.memref_slice %arg14[%add3A_64, %dma_wait3A_173] : memref<10240x64xf32, #tpu.memory_space<vmem_shared>> -> memref<128x64xf32, #tpu.memory_space<vmem_shared>>
      tpu.wait_dma2 semaphore(%run_scoped3A_166 : memref<!tpu.dma_semaphore, #tpu.memory_space<semaphore_mem>>) src(%arg8 : memref<128x64xf32, #tpu.memory_space<vmem>>) dst(%dma_wait3A_174 : memref<128x64xf32, #tpu.memory_space<vmem_shared>>)
      tpu.yield
    }) : () -> ()
    %add3A_65 = arith.constant 256 : i32
    %add3A_66 = arith.addi %multiple_of3A, %add3A_65 : i32
    "tpu.region"() ({
      %run_scoped3A_166 = tpu.sem_alloc : memref<!tpu.dma_semaphore, #tpu.memory_space<semaphore_mem>>
      %dma_start3A_167 = arith.constant 0 : i32
      %dma_start3A_168 = tpu.memref_slice %arg14[%add3A_66, %dma_start3A_167] : memref<10240x64xf32, #tpu.memory_space<vmem_shared>> -> memref<128x64xf32, #tpu.memory_space<vmem_shared>>
      %dma_start3A_169 = arith.constant 0 : i32
      %dma_start3A_170 = tpu.memref_slice %arg14[%add3A_66, %dma_start3A_169] : memref<10240x64xf32, #tpu.memory_space<vmem_shared>> -> memref<128x64xf32, #tpu.memory_space<vmem_shared>>
      tpu.enqueue_dma source(%arg8 : memref<128x64xf32, #tpu.memory_space<vmem>>) target(%dma_start3A_170 : memref<128x64xf32, #tpu.memory_space<vmem_shared>>) target_semaphore(%run_scoped3A_166 : memref<!tpu.dma_semaphore, #tpu.memory_space<semaphore_mem>>)
      %dma_wait3A_171 = arith.constant 0 : i32
      %dma_wait3A_172 = tpu.memref_slice %arg14[%add3A_66, %dma_wait3A_171] : memref<10240x64xf32, #tpu.memory_space<vmem_shared>> -> memref<128x64xf32, #tpu.memory_space<vmem_shared>>
      %dma_wait3A_173 = arith.constant 0 : i32
      %dma_wait3A_174 = tpu.memref_slice %arg14[%add3A_66, %dma_wait3A_173] : memref<10240x64xf32, #tpu.memory_space<vmem_shared>> -> memref<128x64xf32, #tpu.memory_space<vmem_shared>>
      tpu.wait_dma2 semaphore(%run_scoped3A_166 : memref<!tpu.dma_semaphore, #tpu.memory_space<semaphore_mem>>) src(%arg8 : memref<128x64xf32, #tpu.memory_space<vmem>>) dst(%dma_wait3A_174 : memref<128x64xf32, #tpu.memory_space<vmem_shared>>)
      tpu.yield
    }) : () -> ()
    %add3A_67 = arith.constant 384 : i32
    %add3A_68 = arith.addi %multiple_of3A, %add3A_67 : i32
    "tpu.region"() ({
      %run_scoped3A_166 = tpu.sem_alloc : memref<!tpu.dma_semaphore, #tpu.memory_space<semaphore_mem>>
      %dma_start3A_167 = arith.constant 0 : i32
      %dma_start3A_168 = tpu.memref_slice %arg14[%add3A_68, %dma_start3A_167] : memref<10240x64xf32, #tpu.memory_space<vmem_shared>> -> memref<128x64xf32, #tpu.memory_space<vmem_shared>>
      %dma_start3A_169 = arith.constant 0 : i32
      %dma_start3A_170 = tpu.memref_slice %arg14[%add3A_68, %dma_start3A_169] : memref<10240x64xf32, #tpu.memory_space<vmem_shared>> -> memref<128x64xf32, #tpu.memory_space<vmem_shared>>
      tpu.enqueue_dma source(%arg8 : memref<128x64xf32, #tpu.memory_space<vmem>>) target(%dma_start3A_170 : memref<128x64xf32, #tpu.memory_space<vmem_shared>>) target_semaphore(%run_scoped3A_166 : memref<!tpu.dma_semaphore, #tpu.memory_space<semaphore_mem>>)
      %dma_wait3A_171 = arith.constant 0 : i32
      %dma_wait3A_172 = tpu.memref_slice %arg14[%add3A_68, %dma_wait3A_171] : memref<10240x64xf32, #tpu.memory_space<vmem_shared>> -> memref<128x64xf32, #tpu.memory_space<vmem_shared>>
      %dma_wait3A_173 = arith.constant 0 : i32
      %dma_wait3A_174 = tpu.memref_slice %arg14[%add3A_68, %dma_wait3A_173] : memref<10240x64xf32, #tpu.memory_space<vmem_shared>> -> memref<128x64xf32, #tpu.memory_space<vmem_shared>>
      tpu.wait_dma2 semaphore(%run_scoped3A_166 : memref<!tpu.dma_semaphore, #tpu.memory_space<semaphore_mem>>) src(%arg8 : memref<128x64xf32, #tpu.memory_space<vmem>>) dst(%dma_wait3A_174 : memref<128x64xf32, #tpu.memory_space<vmem_shared>>)
      tpu.yield
    }) : () -> ()
    %add3A_69 = arith.constant 512 : i32
    %add3A_70 = arith.addi %multiple_of3A, %add3A_69 : i32
    "tpu.region"() ({
      %run_scoped3A_166 = tpu.sem_alloc : memref<!tpu.dma_semaphore, #tpu.memory_space<semaphore_mem>>
      %dma_start3A_167 = arith.constant 0 : i32
      %dma_start3A_168 = tpu.memref_slice %arg14[%add3A_70, %dma_start3A_167] : memref<10240x64xf32, #tpu.memory_space<vmem_shared>> -> memref<128x64xf32, #tpu.memory_space<vmem_shared>>
      %dma_start3A_169 = arith.constant 0 : i32
      %dma_start3A_170 = tpu.memref_slice %arg14[%add3A_70, %dma_start3A_169] : memref<10240x64xf32, #tpu.memory_space<vmem_shared>> -> memref<128x64xf32, #tpu.memory_space<vmem_shared>>
      tpu.enqueue_dma source(%arg8 : memref<128x64xf32, #tpu.memory_space<vmem>>) target(%dma_start3A_170 : memref<128x64xf32, #tpu.memory_space<vmem_shared>>) target_semaphore(%run_scoped3A_166 : memref<!tpu.dma_semaphore, #tpu.memory_space<semaphore_mem>>)
      %dma_wait3A_171 = arith.constant 0 : i32
      %dma_wait3A_172 = tpu.memref_slice %arg14[%add3A_70, %dma_wait3A_171] : memref<10240x64xf32, #tpu.memory_space<vmem_shared>> -> memref<128x64xf32, #tpu.memory_space<vmem_shared>>
      %dma_wait3A_173 = arith.constant 0 : i32
      %dma_wait3A_174 = tpu.memref_slice %arg14[%add3A_70, %dma_wait3A_173] : memref<10240x64xf32, #tpu.memory_space<vmem_shared>> -> memref<128x64xf32, #tpu.memory_space<vmem_shared>>
      tpu.wait_dma2 semaphore(%run_scoped3A_166 : memref<!tpu.dma_semaphore, #tpu.memory_space<semaphore_mem>>) src(%arg8 : memref<128x64xf32, #tpu.memory_space<vmem>>) dst(%dma_wait3A_174 : memref<128x64xf32, #tpu.memory_space<vmem_shared>>)
      tpu.yield
    }) : () -> ()
    %barrier3A = arith.constant 0 : index
    tpu.barrier barrier_id(%barrier3A)
    "tpu.region"() ({
      %run_scoped3A_166 = tpu.sem_alloc : memref<!tpu.dma_semaphore, #tpu.memory_space<semaphore_mem>>
      %dma_start3A_167 = arith.constant 0 : i32
      %dma_start3A_168 = arith.constant 0 : i32
      %dma_start3A_169 = tpu.memref_slice %arg3[%arg1, %dma_start3A_167, %dma_start3A_168] : memref<16x160x128xi32, #tpu.memory_space<hbm>> -> memref<1x160x128xi32, #tpu.memory_space<hbm>>
      %dma_start3A_170 = tpu.memref_squeeze %dma_start3A_169 : memref<1x160x128xi32, #tpu.memory_space<hbm>> -> memref<160x128xi32, #tpu.memory_space<hbm>>
      %dma_start3A_171 = arith.constant 0 : i32
      %dma_start3A_172 = arith.constant 0 : i32
      %dma_start3A_173 = tpu.memref_slice %arg3[%arg1, %dma_start3A_171, %dma_start3A_172] : memref<16x160x128xi32, #tpu.memory_space<hbm>> -> memref<1x160x128xi32, #tpu.memory_space<hbm>>
      %dma_start3A_174 = tpu.memref_squeeze %dma_start3A_173 : memref<1x160x128xi32, #tpu.memory_space<hbm>> -> memref<160x128xi32, #tpu.memory_space<hbm>>
      tpu.enqueue_dma source(%dma_start3A_174 : memref<160x128xi32, #tpu.memory_space<hbm>>) target(%arg6 : memref<160x128xi32, #tpu.memory_space<vmem>>) target_semaphore(%run_scoped3A_166 : memref<!tpu.dma_semaphore, #tpu.memory_space<semaphore_mem>>)
      %dma_wait3A_175 = arith.constant 0 : i32
      %dma_wait3A_176 = arith.constant 0 : i32
      %dma_wait3A_177 = tpu.memref_slice %arg3[%arg1, %dma_wait3A_175, %dma_wait3A_176] : memref<16x160x128xi32, #tpu.memory_space<hbm>> -> memref<1x160x128xi32, #tpu.memory_space<hbm>>
      %dma_wait3A_178 = tpu.memref_squeeze %dma_wait3A_177 : memref<1x160x128xi32, #tpu.memory_space<hbm>> -> memref<160x128xi32, #tpu.memory_space<hbm>>
      %dma_wait3A_179 = arith.constant 0 : i32
      %dma_wait3A_180 = arith.constant 0 : i32
      %dma_wait3A_181 = tpu.memref_slice %arg3[%arg1, %dma_wait3A_179, %dma_wait3A_180] : memref<16x160x128xi32, #tpu.memory_space<hbm>> -> memref<1x160x128xi32, #tpu.memory_space<hbm>>
      %dma_wait3A_182 = tpu.memref_squeeze %dma_wait3A_181 : memref<1x160x128xi32, #tpu.memory_space<hbm>> -> memref<160x128xi32, #tpu.memory_space<hbm>>
      tpu.wait_dma2 semaphore(%run_scoped3A_166 : memref<!tpu.dma_semaphore, #tpu.memory_space<semaphore_mem>>) src(%dma_wait3A_182 : memref<160x128xi32, #tpu.memory_space<hbm>>) dst(%arg6 : memref<160x128xi32, #tpu.memory_space<vmem>>)
      tpu.yield
    }) : () -> ()
    "tpu.region"() ({
      %run_scoped3A_166 = tpu.sem_alloc : memref<!tpu.dma_semaphore, #tpu.memory_space<semaphore_mem>>
      %dma_start3A_167 = arith.constant 0 : i32
      %dma_start3A_168 = arith.constant 0 : i32
      %dma_start3A_169 = tpu.memref_slice %arg4[%arg1, %dma_start3A_167, %dma_start3A_168] : memref<16x160x128xi32, #tpu.memory_space<hbm>> -> memref<1x160x128xi32, #tpu.memory_space<hbm>>
      %dma_start3A_170 = tpu.memref_squeeze %dma_start3A_169 : memref<1x160x128xi32, #tpu.memory_space<hbm>> -> memref<160x128xi32, #tpu.memory_space<hbm>>
      %dma_start3A_171 = arith.constant 0 : i32
      %dma_start3A_172 = arith.constant 0 : i32
      %dma_start3A_173 = tpu.memref_slice %arg4[%arg1, %dma_start3A_171, %dma_start3A_172] : memref<16x160x128xi32, #tpu.memory_space<hbm>> -> memref<1x160x128xi32, #tpu.memory_space<hbm>>
      %dma_start3A_174 = tpu.memref_squeeze %dma_start3A_173 : memref<1x160x128xi32, #tpu.memory_space<hbm>> -> memref<160x128xi32, #tpu.memory_space<hbm>>
      tpu.enqueue_dma source(%dma_start3A_174 : memref<160x128xi32, #tpu.memory_space<hbm>>) target(%arg7 : memref<160x128xi32, #tpu.memory_space<vmem>>) target_semaphore(%run_scoped3A_166 : memref<!tpu.dma_semaphore, #tpu.memory_space<semaphore_mem>>)
      %dma_wait3A_175 = arith.constant 0 : i32
      %dma_wait3A_176 = arith.constant 0 : i32
      %dma_wait3A_177 = tpu.memref_slice %arg4[%arg1, %dma_wait3A_175, %dma_wait3A_176] : memref<16x160x128xi32, #tpu.memory_space<hbm>> -> memref<1x160x128xi32, #tpu.memory_space<hbm>>
      %dma_wait3A_178 = tpu.memref_squeeze %dma_wait3A_177 : memref<1x160x128xi32, #tpu.memory_space<hbm>> -> memref<160x128xi32, #tpu.memory_space<hbm>>
      %dma_wait3A_179 = arith.constant 0 : i32
      %dma_wait3A_180 = arith.constant 0 : i32
      %dma_wait3A_181 = tpu.memref_slice %arg4[%arg1, %dma_wait3A_179, %dma_wait3A_180] : memref<16x160x128xi32, #tpu.memory_space<hbm>> -> memref<1x160x128xi32, #tpu.memory_space<hbm>>
      %dma_wait3A_182 = tpu.memref_squeeze %dma_wait3A_181 : memref<1x160x128xi32, #tpu.memory_space<hbm>> -> memref<160x128xi32, #tpu.memory_space<hbm>>
      tpu.wait_dma2 semaphore(%run_scoped3A_166 : memref<!tpu.dma_semaphore, #tpu.memory_space<semaphore_mem>>) src(%dma_wait3A_182 : memref<160x128xi32, #tpu.memory_space<hbm>>) dst(%arg7 : memref<160x128xi32, #tpu.memory_space<vmem>>)
      tpu.yield
    }) : () -> ()
    %scan3A_71 = arith.constant 0 : i32
    %scan3A_72 = arith.constant 0 : i32
    %scan3A_73 = arith.constant 160 : i32
    %scan3A_74 = arith.addi %scan3A_72, %scan3A_73 : i32
    %scan3A_75 = arith.constant 1 : i32
    %scan3A_76 = scf.for %scan3A_166 = %scan3A_72 to %scan3A_74 step %scan3A_75 iter_args(%scan3A_167 = %scan3A_71) -> (i32)  : i32 {
      %get3A = arith.index_cast %scan3A_166 : i32 to index
      %get3A_168 = arith.constant 0 : index
      %get3A_169 = tpu.vector_load %arg6[%get3A, %get3A_168] {strides = array<i32>} : memref<160x128xi32, #tpu.memory_space<vmem>>, vector<1x16xi32>,
      %get3A_170 = vector.shape_cast %get3A_169 : vector<1x16xi32> to vector<16xi32>
      %mul3A_171 = arith.constant 2 : i32
      %mul3A_172 = vector.broadcast %mul3A_171 : i32 to vector<16xi32>
      %mul3A_173 = arith.muli %get3A_170, %mul3A_172 : vector<16xi32>
      %add3A_174 = vector.broadcast %arg0 : i32 to vector<16xi32>
      %add3A_175 = arith.addi %mul3A_173, %add3A_174 : vector<16xi32>
      %swap3A_176 = arith.index_cast %scan3A_166 : i32 to index
      %swap3A_177 = arith.constant 0 : index
      %swap3A_178 = tpu.vector_load %arg6[%swap3A_176, %swap3A_177] {strides = array<i32>} : memref<160x128xi32, #tpu.memory_space<vmem>>, vector<1x16xi32>,
      %swap3A_179 = vector.shape_cast %swap3A_178 : vector<1x16xi32> to vector<16xi32>
      %swap3A_180 = vector.shape_cast %add3A_175 : vector<16xi32> to vector<1x16xi32>
      tpu.vector_store %arg6[%swap3A_176, %swap3A_177], %swap3A_180 {strides = array<i32>} : memref<160x128xi32, #tpu.memory_space<vmem>>, vector<1x16xi32>,
      %get3A_181 = arith.index_cast %scan3A_166 : i32 to index
      %get3A_182 = arith.constant 16 : index
      %get3A_183 = tpu.vector_load %arg6[%get3A_181, %get3A_182] {strides = array<i32>} : memref<160x128xi32, #tpu.memory_space<vmem>>, vector<1x16xi32>,
      %get3A_184 = vector.shape_cast %get3A_183 : vector<1x16xi32> to vector<16xi32>
      %mul3A_185 = arith.constant 2 : i32
      %mul3A_186 = vector.broadcast %mul3A_185 : i32 to vector<16xi32>
      %mul3A_187 = arith.muli %get3A_184, %mul3A_186 : vector<16xi32>
      %add3A_188 = vector.broadcast %arg0 : i32 to vector<16xi32>
      %add3A_189 = arith.addi %mul3A_187, %add3A_188 : vector<16xi32>
      %swap3A_190 = arith.index_cast %scan3A_166 : i32 to index
      %swap3A_191 = arith.constant 16 : index
      %swap3A_192 = tpu.vector_load %arg6[%swap3A_190, %swap3A_191] {strides = array<i32>} : memref<160x128xi32, #tpu.memory_space<vmem>>, vector<1x16xi32>,
      %swap3A_193 = vector.shape_cast %swap3A_192 : vector<1x16xi32> to vector<16xi32>
      %swap3A_194 = vector.shape_cast %add3A_189 : vector<16xi32> to vector<1x16xi32>
      tpu.vector_store %arg6[%swap3A_190, %swap3A_191], %swap3A_194 {strides = array<i32>} : memref<160x128xi32, #tpu.memory_space<vmem>>, vector<1x16xi32>,
      %get3A_195 = arith.index_cast %scan3A_166 : i32 to index
      %get3A_196 = arith.constant 32 : index
      %get3A_197 = tpu.vector_load %arg6[%get3A_195, %get3A_196] {strides = array<i32>} : memref<160x128xi32, #tpu.memory_space<vmem>>, vector<1x16xi32>,
      %get3A_198 = vector.shape_cast %get3A_197 : vector<1x16xi32> to vector<16xi32>
      %mul3A_199 = arith.constant 2 : i32
      %mul3A_200 = vector.broadcast %mul3A_199 : i32 to vector<16xi32>
      %mul3A_201 = arith.muli %get3A_198, %mul3A_200 : vector<16xi32>
      %add3A_202 = vector.broadcast %arg0 : i32 to vector<16xi32>
      %add3A_203 = arith.addi %mul3A_201, %add3A_202 : vector<16xi32>
      %swap3A_204 = arith.index_cast %scan3A_166 : i32 to index
      %swap3A_205 = arith.constant 32 : index
      %swap3A_206 = tpu.vector_load %arg6[%swap3A_204, %swap3A_205] {strides = array<i32>} : memref<160x128xi32, #tpu.memory_space<vmem>>, vector<1x16xi32>,
      %swap3A_207 = vector.shape_cast %swap3A_206 : vector<1x16xi32> to vector<16xi32>
      %swap3A_208 = vector.shape_cast %add3A_203 : vector<16xi32> to vector<1x16xi32>
      tpu.vector_store %arg6[%swap3A_204, %swap3A_205], %swap3A_208 {strides = array<i32>} : memref<160x128xi32, #tpu.memory_space<vmem>>, vector<1x16xi32>,
      %get3A_209 = arith.index_cast %scan3A_166 : i32 to index
      %get3A_210 = arith.constant 48 : index
      %get3A_211 = tpu.vector_load %arg6[%get3A_209, %get3A_210] {strides = array<i32>} : memref<160x128xi32, #tpu.memory_space<vmem>>, vector<1x16xi32>,
      %get3A_212 = vector.shape_cast %get3A_211 : vector<1x16xi32> to vector<16xi32>
      %mul3A_213 = arith.constant 2 : i32
      %mul3A_214 = vector.broadcast %mul3A_213 : i32 to vector<16xi32>
      %mul3A_215 = arith.muli %get3A_212, %mul3A_214 : vector<16xi32>
      %add3A_216 = vector.broadcast %arg0 : i32 to vector<16xi32>
      %add3A_217 = arith.addi %mul3A_215, %add3A_216 : vector<16xi32>
      %swap3A_218 = arith.index_cast %scan3A_166 : i32 to index
      %swap3A_219 = arith.constant 48 : index
      %swap3A_220 = tpu.vector_load %arg6[%swap3A_218, %swap3A_219] {strides = array<i32>} : memref<160x128xi32, #tpu.memory_space<vmem>>, vector<1x16xi32>,
      %swap3A_221 = vector.shape_cast %swap3A_220 : vector<1x16xi32> to vector<16xi32>
      %swap3A_222 = vector.shape_cast %add3A_217 : vector<16xi32> to vector<1x16xi32>
      tpu.vector_store %arg6[%swap3A_218, %swap3A_219], %swap3A_222 {strides = array<i32>} : memref<160x128xi32, #tpu.memory_space<vmem>>, vector<1x16xi32>,
      %get3A_223 = arith.index_cast %scan3A_166 : i32 to index
      %get3A_224 = arith.constant 64 : index
      %get3A_225 = tpu.vector_load %arg6[%get3A_223, %get3A_224] {strides = array<i32>} : memref<160x128xi32, #tpu.memory_space<vmem>>, vector<1x16xi32>,
      %get3A_226 = vector.shape_cast %get3A_225 : vector<1x16xi32> to vector<16xi32>
      %mul3A_227 = arith.constant 2 : i32
      %mul3A_228 = vector.broadcast %mul3A_227 : i32 to vector<16xi32>
      %mul3A_229 = arith.muli %get3A_226, %mul3A_228 : vector<16xi32>
      %add3A_230 = vector.broadcast %arg0 : i32 to vector<16xi32>
      %add3A_231 = arith.addi %mul3A_229, %add3A_230 : vector<16xi32>
      %swap3A_232 = arith.index_cast %scan3A_166 : i32 to index
      %swap3A_233 = arith.constant 64 : index
      %swap3A_234 = tpu.vector_load %arg6[%swap3A_232, %swap3A_233] {strides = array<i32>} : memref<160x128xi32, #tpu.memory_space<vmem>>, vector<1x16xi32>,
      %swap3A_235 = vector.shape_cast %swap3A_234 : vector<1x16xi32> to vector<16xi32>
      %swap3A_236 = vector.shape_cast %add3A_231 : vector<16xi32> to vector<1x16xi32>
      tpu.vector_store %arg6[%swap3A_232, %swap3A_233], %swap3A_236 {strides = array<i32>} : memref<160x128xi32, #tpu.memory_space<vmem>>, vector<1x16xi32>,
      %get3A_237 = arith.index_cast %scan3A_166 : i32 to index
      %get3A_238 = arith.constant 80 : index
      %get3A_239 = tpu.vector_load %arg6[%get3A_237, %get3A_238] {strides = array<i32>} : memref<160x128xi32, #tpu.memory_space<vmem>>, vector<1x16xi32>,
      %get3A_240 = vector.shape_cast %get3A_239 : vector<1x16xi32> to vector<16xi32>
      %mul3A_241 = arith.constant 2 : i32
      %mul3A_242 = vector.broadcast %mul3A_241 : i32 to vector<16xi32>
      %mul3A_243 = arith.muli %get3A_240, %mul3A_242 : vector<16xi32>
      %add3A_244 = vector.broadcast %arg0 : i32 to vector<16xi32>
      %add3A_245 = arith.addi %mul3A_243, %add3A_244 : vector<16xi32>
      %swap3A_246 = arith.index_cast %scan3A_166 : i32 to index
      %swap3A_247 = arith.constant 80 : index
      %swap3A_248 = tpu.vector_load %arg6[%swap3A_246, %swap3A_247] {strides = array<i32>} : memref<160x128xi32, #tpu.memory_space<vmem>>, vector<1x16xi32>,
      %swap3A_249 = vector.shape_cast %swap3A_248 : vector<1x16xi32> to vector<16xi32>
      %swap3A_250 = vector.shape_cast %add3A_245 : vector<16xi32> to vector<1x16xi32>
      tpu.vector_store %arg6[%swap3A_246, %swap3A_247], %swap3A_250 {strides = array<i32>} : memref<160x128xi32, #tpu.memory_space<vmem>>, vector<1x16xi32>,
      %get3A_251 = arith.index_cast %scan3A_166 : i32 to index
      %get3A_252 = arith.constant 96 : index
      %get3A_253 = tpu.vector_load %arg6[%get3A_251, %get3A_252] {strides = array<i32>} : memref<160x128xi32, #tpu.memory_space<vmem>>, vector<1x16xi32>,
      %get3A_254 = vector.shape_cast %get3A_253 : vector<1x16xi32> to vector<16xi32>
      %mul3A_255 = arith.constant 2 : i32
      %mul3A_256 = vector.broadcast %mul3A_255 : i32 to vector<16xi32>
      %mul3A_257 = arith.muli %get3A_254, %mul3A_256 : vector<16xi32>
      %add3A_258 = vector.broadcast %arg0 : i32 to vector<16xi32>
      %add3A_259 = arith.addi %mul3A_257, %add3A_258 : vector<16xi32>
      %swap3A_260 = arith.index_cast %scan3A_166 : i32 to index
      %swap3A_261 = arith.constant 96 : index
      %swap3A_262 = tpu.vector_load %arg6[%swap3A_260, %swap3A_261] {strides = array<i32>} : memref<160x128xi32, #tpu.memory_space<vmem>>, vector<1x16xi32>,
      %swap3A_263 = vector.shape_cast %swap3A_262 : vector<1x16xi32> to vector<16xi32>
      %swap3A_264 = vector.shape_cast %add3A_259 : vector<16xi32> to vector<1x16xi32>
      tpu.vector_store %arg6[%swap3A_260, %swap3A_261], %swap3A_264 {strides = array<i32>} : memref<160x128xi32, #tpu.memory_space<vmem>>, vector<1x16xi32>,
      %get3A_265 = arith.index_cast %scan3A_166 : i32 to index
      %get3A_266 = arith.constant 112 : index
      %get3A_267 = tpu.vector_load %arg6[%get3A_265, %get3A_266] {strides = array<i32>} : memref<160x128xi32, #tpu.memory_space<vmem>>, vector<1x16xi32>,
      %get3A_268 = vector.shape_cast %get3A_267 : vector<1x16xi32> to vector<16xi32>
      %mul3A_269 = arith.constant 2 : i32
      %mul3A_270 = vector.broadcast %mul3A_269 : i32 to vector<16xi32>
      %mul3A_271 = arith.muli %get3A_268, %mul3A_270 : vector<16xi32>
      %add3A_272 = vector.broadcast %arg0 : i32 to vector<16xi32>
      %add3A_273 = arith.addi %mul3A_271, %add3A_272 : vector<16xi32>
      %swap3A_274 = arith.index_cast %scan3A_166 : i32 to index
      %swap3A_275 = arith.constant 112 : index
      %swap3A_276 = tpu.vector_load %arg6[%swap3A_274, %swap3A_275] {strides = array<i32>} : memref<160x128xi32, #tpu.memory_space<vmem>>, vector<1x16xi32>,
      %swap3A_277 = vector.shape_cast %swap3A_276 : vector<1x16xi32> to vector<16xi32>
      %swap3A_278 = vector.shape_cast %add3A_273 : vector<16xi32> to vector<1x16xi32>
      tpu.vector_store %arg6[%swap3A_274, %swap3A_275], %swap3A_278 {strides = array<i32>} : memref<160x128xi32, #tpu.memory_space<vmem>>, vector<1x16xi32>,
      %scan3A_279 = arith.constant 0 : i32
      scf.yield %scan3A_279 : i32
    }
    %scan3A_77 = arith.constant 160 : i32
    %dma_start3A = arith.constant 0 : i32
    %dma_start3A_78 = arith.constant 0 : i32
    %dma_start3A_79 = tpu.memref_slice %arg6[%dma_start3A, %dma_start3A_78] : memref<160x128xi32, #tpu.memory_space<vmem>> -> memref<1x128xi32, #tpu.memory_space<vmem>>
    %dma_start3A_80 = tpu.memref_squeeze %dma_start3A_79 : memref<1x128xi32, #tpu.memory_space<vmem>> -> memref<128xi32, #tpu.memory_space<vmem>>
    %dma_start3A_81 = arith.constant 0 : i32
    %dma_start3A_82 = arith.constant 0 : i32
    %dma_start3A_83 = tpu.memref_slice %arg2[%dma_start3A_81, %dma_start3A_82] : memref<20000x64xf32, #tpu.memory_space<hbm>> -> memref<20000x64xf32, #tpu.memory_space<hbm>>
    tpu.enqueue_indirect_dma source(%dma_start3A_83 : memref<20000x64xf32, #tpu.memory_space<hbm>>) target(%arg8 : memref<128x64xf32, #tpu.memory_space<vmem>>) offsets(%dma_start3A_80 : memref<128xi32, #tpu.memory_space<vmem>>) semaphore(%arg16 : memref<!tpu.dma_semaphore, #tpu.memory_space<semaphore_mem>>)
    %dma_start3A_84 = arith.constant 1 : i32
    %dma_start3A_85 = arith.constant 0 : i32
    %dma_start3A_86 = tpu.memref_slice %arg6[%dma_start3A_84, %dma_start3A_85] : memref<160x128xi32, #tpu.memory_space<vmem>> -> memref<1x128xi32, #tpu.memory_space<vmem>>
    %dma_start3A_87 = tpu.memref_squeeze %dma_start3A_86 : memref<1x128xi32, #tpu.memory_space<vmem>> -> memref<128xi32, #tpu.memory_space<vmem>>
    %dma_start3A_88 = arith.constant 0 : i32
    %dma_start3A_89 = arith.constant 0 : i32
    %dma_start3A_90 = tpu.memref_slice %arg2[%dma_start3A_88, %dma_start3A_89] : memref<20000x64xf32, #tpu.memory_space<hbm>> -> memref<20000x64xf32, #tpu.memory_space<hbm>>
    tpu.enqueue_indirect_dma source(%dma_start3A_90 : memref<20000x64xf32, #tpu.memory_space<hbm>>) target(%arg9 : memref<128x64xf32, #tpu.memory_space<vmem>>) offsets(%dma_start3A_87 : memref<128xi32, #tpu.memory_space<vmem>>) semaphore(%arg17 : memref<!tpu.dma_semaphore, #tpu.memory_space<semaphore_mem>>)
    %dma_start3A_91 = arith.constant 2 : i32
    %dma_start3A_92 = arith.constant 0 : i32
    %dma_start3A_93 = tpu.memref_slice %arg6[%dma_start3A_91, %dma_start3A_92] : memref<160x128xi32, #tpu.memory_space<vmem>> -> memref<1x128xi32, #tpu.memory_space<vmem>>
    %dma_start3A_94 = tpu.memref_squeeze %dma_start3A_93 : memref<1x128xi32, #tpu.memory_space<vmem>> -> memref<128xi32, #tpu.memory_space<vmem>>
    %dma_start3A_95 = arith.constant 0 : i32
    %dma_start3A_96 = arith.constant 0 : i32
    %dma_start3A_97 = tpu.memref_slice %arg2[%dma_start3A_95, %dma_start3A_96] : memref<20000x64xf32, #tpu.memory_space<hbm>> -> memref<20000x64xf32, #tpu.memory_space<hbm>>
    tpu.enqueue_indirect_dma source(%dma_start3A_97 : memref<20000x64xf32, #tpu.memory_space<hbm>>) target(%arg10 : memref<128x64xf32, #tpu.memory_space<vmem>>) offsets(%dma_start3A_94 : memref<128xi32, #tpu.memory_space<vmem>>) semaphore(%arg18 : memref<!tpu.dma_semaphore, #tpu.memory_space<semaphore_mem>>)
    %dma_start3A_98 = arith.constant 3 : i32
    %dma_start3A_99 = arith.constant 0 : i32
    %dma_start3A_100 = tpu.memref_slice %arg6[%dma_start3A_98, %dma_start3A_99] : memref<160x128xi32, #tpu.memory_space<vmem>> -> memref<1x128xi32, #tpu.memory_space<vmem>>
    %dma_start3A_101 = tpu.memref_squeeze %dma_start3A_100 : memref<1x128xi32, #tpu.memory_space<vmem>> -> memref<128xi32, #tpu.memory_space<vmem>>
    %dma_start3A_102 = arith.constant 0 : i32
    %dma_start3A_103 = arith.constant 0 : i32
    %dma_start3A_104 = tpu.memref_slice %arg2[%dma_start3A_102, %dma_start3A_103] : memref<20000x64xf32, #tpu.memory_space<hbm>> -> memref<20000x64xf32, #tpu.memory_space<hbm>>
    tpu.enqueue_indirect_dma source(%dma_start3A_104 : memref<20000x64xf32, #tpu.memory_space<hbm>>) target(%arg11 : memref<128x64xf32, #tpu.memory_space<vmem>>) offsets(%dma_start3A_101 : memref<128xi32, #tpu.memory_space<vmem>>) semaphore(%arg19 : memref<!tpu.dma_semaphore, #tpu.memory_space<semaphore_mem>>)
    %scan3A_105 = arith.constant 0 : i32
    %scan3A_106 = arith.constant 0 : i32
    %scan3A_107 = arith.constant 39 : i32
    %scan3A_108 = arith.addi %scan3A_106, %scan3A_107 : i32
    %scan3A_109 = arith.constant 1 : i32
    %scan3A_110 = scf.for %scan3A_166 = %scan3A_106 to %scan3A_108 step %scan3A_109 iter_args(%scan3A_167 = %scan3A_105) -> (i32)  : i32 {
      %mul3A_168 = arith.constant 4 : i32
      %mul3A_169 = arith.muli %mul3A_168, %scan3A_166 : i32
      %add3A_170 = arith.constant 0 : i32
      %add3A_171 = arith.addi %mul3A_169, %add3A_170 : i32
      %dma_wait3A_172 = arith.constant 0 : i32
      %dma_wait3A_173 = tpu.memref_slice %arg6[%add3A_171, %dma_wait3A_172] : memref<160x128xi32, #tpu.memory_space<vmem>> -> memref<1x128xi32, #tpu.memory_space<vmem>>
      %dma_wait3A_174 = tpu.memref_squeeze %dma_wait3A_173 : memref<1x128xi32, #tpu.memory_space<vmem>> -> memref<128xi32, #tpu.memory_space<vmem>>
      %dma_wait3A_175 = arith.constant 0 : i32
      %dma_wait3A_176 = arith.constant 0 : i32
      %dma_wait3A_177 = tpu.memref_slice %arg2[%dma_wait3A_175, %dma_wait3A_176] : memref<20000x64xf32, #tpu.memory_space<hbm>> -> memref<20000x64xf32, #tpu.memory_space<hbm>>
      tpu.wait_indirect_dma semaphore(%arg16 : memref<!tpu.dma_semaphore, #tpu.memory_space<semaphore_mem>>) src(%dma_wait3A_177 : memref<20000x64xf32, #tpu.memory_space<hbm>>) dst(%arg8 : memref<128x64xf32, #tpu.memory_space<vmem>>)
      %add3A_178 = arith.constant 0 : i32
      %add3A_179 = arith.addi %mul3A_169, %add3A_178 : i32
      "tpu.region"() ({
        %run_scoped3A_251 = tpu.sem_alloc : memref<!tpu.dma_semaphore, #tpu.memory_space<semaphore_mem>>
        %dma_start3A_252 = arith.constant 0 : i32
        %dma_start3A_253 = tpu.memref_slice %arg7[%add3A_179, %dma_start3A_252] : memref<160x128xi32, #tpu.memory_space<vmem>> -> memref<1x128xi32, #tpu.memory_space<vmem>>
        %dma_start3A_254 = tpu.memref_squeeze %dma_start3A_253 : memref<1x128xi32, #tpu.memory_space<vmem>> -> memref<128xi32, #tpu.memory_space<vmem>>
        %dma_start3A_255 = arith.constant 0 : i32
        %dma_start3A_256 = arith.constant 0 : i32
        %dma_start3A_257 = tpu.memref_slice %arg14[%dma_start3A_255, %dma_start3A_256] : memref<10240x64xf32, #tpu.memory_space<vmem_shared>> -> memref<10240x64xf32, #tpu.memory_space<vmem_shared>>
        tpu.enqueue_indirect_dma source(%arg8 : memref<128x64xf32, #tpu.memory_space<vmem>>) target(%dma_start3A_257 : memref<10240x64xf32, #tpu.memory_space<vmem_shared>>) offsets(%dma_start3A_254 : memref<128xi32, #tpu.memory_space<vmem>>) semaphore(%run_scoped3A_251 : memref<!tpu.dma_semaphore, #tpu.memory_space<semaphore_mem>>) {add = true}
        %dma_wait3A_258 = arith.constant 0 : i32
        %dma_wait3A_259 = tpu.memref_slice %arg7[%add3A_179, %dma_wait3A_258] : memref<160x128xi32, #tpu.memory_space<vmem>> -> memref<1x128xi32, #tpu.memory_space<vmem>>
        %dma_wait3A_260 = tpu.memref_squeeze %dma_wait3A_259 : memref<1x128xi32, #tpu.memory_space<vmem>> -> memref<128xi32, #tpu.memory_space<vmem>>
        %dma_wait3A_261 = arith.constant 0 : i32
        %dma_wait3A_262 = arith.constant 0 : i32
        %dma_wait3A_263 = tpu.memref_slice %arg14[%dma_wait3A_261, %dma_wait3A_262] : memref<10240x64xf32, #tpu.memory_space<vmem_shared>> -> memref<10240x64xf32, #tpu.memory_space<vmem_shared>>
        tpu.wait_indirect_dma semaphore(%run_scoped3A_251 : memref<!tpu.dma_semaphore, #tpu.memory_space<semaphore_mem>>) src(%arg8 : memref<128x64xf32, #tpu.memory_space<vmem>>) dst(%dma_wait3A_263 : memref<10240x64xf32, #tpu.memory_space<vmem_shared>>)
        tpu.yield
      }) : () -> ()
      %add3A_180 = arith.constant 0 : i32
      %add3A_181 = arith.addi %mul3A_169, %add3A_180 : i32
      %add3A_182 = arith.constant 4 : i32
      %add3A_183 = arith.addi %add3A_181, %add3A_182 : i32
      %dma_start3A_184 = arith.constant 0 : i32
      %dma_start3A_185 = tpu.memref_slice %arg6[%add3A_183, %dma_start3A_184] : memref<160x128xi32, #tpu.memory_space<vmem>> -> memref<1x128xi32, #tpu.memory_space<vmem>>
      %dma_start3A_186 = tpu.memref_squeeze %dma_start3A_185 : memref<1x128xi32, #tpu.memory_space<vmem>> -> memref<128xi32, #tpu.memory_space<vmem>>
      %dma_start3A_187 = arith.constant 0 : i32
      %dma_start3A_188 = arith.constant 0 : i32
      %dma_start3A_189 = tpu.memref_slice %arg2[%dma_start3A_187, %dma_start3A_188] : memref<20000x64xf32, #tpu.memory_space<hbm>> -> memref<20000x64xf32, #tpu.memory_space<hbm>>
      tpu.enqueue_indirect_dma source(%dma_start3A_189 : memref<20000x64xf32, #tpu.memory_space<hbm>>) target(%arg8 : memref<128x64xf32, #tpu.memory_space<vmem>>) offsets(%dma_start3A_186 : memref<128xi32, #tpu.memory_space<vmem>>) semaphore(%arg16 : memref<!tpu.dma_semaphore, #tpu.memory_space<semaphore_mem>>)
      %add3A_190 = arith.constant 1 : i32
      %add3A_191 = arith.addi %mul3A_169, %add3A_190 : i32
      %dma_wait3A_192 = arith.constant 0 : i32
      %dma_wait3A_193 = tpu.memref_slice %arg6[%add3A_191, %dma_wait3A_192] : memref<160x128xi32, #tpu.memory_space<vmem>> -> memref<1x128xi32, #tpu.memory_space<vmem>>
      %dma_wait3A_194 = tpu.memref_squeeze %dma_wait3A_193 : memref<1x128xi32, #tpu.memory_space<vmem>> -> memref<128xi32, #tpu.memory_space<vmem>>
      %dma_wait3A_195 = arith.constant 0 : i32
      %dma_wait3A_196 = arith.constant 0 : i32
      %dma_wait3A_197 = tpu.memref_slice %arg2[%dma_wait3A_195, %dma_wait3A_196] : memref<20000x64xf32, #tpu.memory_space<hbm>> -> memref<20000x64xf32, #tpu.memory_space<hbm>>
      tpu.wait_indirect_dma semaphore(%arg17 : memref<!tpu.dma_semaphore, #tpu.memory_space<semaphore_mem>>) src(%dma_wait3A_197 : memref<20000x64xf32, #tpu.memory_space<hbm>>) dst(%arg9 : memref<128x64xf32, #tpu.memory_space<vmem>>)
      %add3A_198 = arith.constant 1 : i32
      %add3A_199 = arith.addi %mul3A_169, %add3A_198 : i32
      "tpu.region"() ({
        %run_scoped3A_251 = tpu.sem_alloc : memref<!tpu.dma_semaphore, #tpu.memory_space<semaphore_mem>>
        %dma_start3A_252 = arith.constant 0 : i32
        %dma_start3A_253 = tpu.memref_slice %arg7[%add3A_199, %dma_start3A_252] : memref<160x128xi32, #tpu.memory_space<vmem>> -> memref<1x128xi32, #tpu.memory_space<vmem>>
        %dma_start3A_254 = tpu.memref_squeeze %dma_start3A_253 : memref<1x128xi32, #tpu.memory_space<vmem>> -> memref<128xi32, #tpu.memory_space<vmem>>
        %dma_start3A_255 = arith.constant 0 : i32
        %dma_start3A_256 = arith.constant 0 : i32
        %dma_start3A_257 = tpu.memref_slice %arg14[%dma_start3A_255, %dma_start3A_256] : memref<10240x64xf32, #tpu.memory_space<vmem_shared>> -> memref<10240x64xf32, #tpu.memory_space<vmem_shared>>
        tpu.enqueue_indirect_dma source(%arg9 : memref<128x64xf32, #tpu.memory_space<vmem>>) target(%dma_start3A_257 : memref<10240x64xf32, #tpu.memory_space<vmem_shared>>) offsets(%dma_start3A_254 : memref<128xi32, #tpu.memory_space<vmem>>) semaphore(%run_scoped3A_251 : memref<!tpu.dma_semaphore, #tpu.memory_space<semaphore_mem>>) {add = true}
        %dma_wait3A_258 = arith.constant 0 : i32
        %dma_wait3A_259 = tpu.memref_slice %arg7[%add3A_199, %dma_wait3A_258] : memref<160x128xi32, #tpu.memory_space<vmem>> -> memref<1x128xi32, #tpu.memory_space<vmem>>
        %dma_wait3A_260 = tpu.memref_squeeze %dma_wait3A_259 : memref<1x128xi32, #tpu.memory_space<vmem>> -> memref<128xi32, #tpu.memory_space<vmem>>
        %dma_wait3A_261 = arith.constant 0 : i32
        %dma_wait3A_262 = arith.constant 0 : i32
        %dma_wait3A_263 = tpu.memref_slice %arg14[%dma_wait3A_261, %dma_wait3A_262] : memref<10240x64xf32, #tpu.memory_space<vmem_shared>> -> memref<10240x64xf32, #tpu.memory_space<vmem_shared>>
        tpu.wait_indirect_dma semaphore(%run_scoped3A_251 : memref<!tpu.dma_semaphore, #tpu.memory_space<semaphore_mem>>) src(%arg9 : memref<128x64xf32, #tpu.memory_space<vmem>>) dst(%dma_wait3A_263 : memref<10240x64xf32, #tpu.memory_space<vmem_shared>>)
        tpu.yield
      }) : () -> ()
      %add3A_200 = arith.constant 1 : i32
      %add3A_201 = arith.addi %mul3A_169, %add3A_200 : i32
      %add3A_202 = arith.constant 4 : i32
      %add3A_203 = arith.addi %add3A_201, %add3A_202 : i32
      %dma_start3A_204 = arith.constant 0 : i32
      %dma_start3A_205 = tpu.memref_slice %arg6[%add3A_203, %dma_start3A_204] : memref<160x128xi32, #tpu.memory_space<vmem>> -> memref<1x128xi32, #tpu.memory_space<vmem>>
      %dma_start3A_206 = tpu.memref_squeeze %dma_start3A_205 : memref<1x128xi32, #tpu.memory_space<vmem>> -> memref<128xi32, #tpu.memory_space<vmem>>
      %dma_start3A_207 = arith.constant 0 : i32
      %dma_start3A_208 = arith.constant 0 : i32
      %dma_start3A_209 = tpu.memref_slice %arg2[%dma_start3A_207, %dma_start3A_208] : memref<20000x64xf32, #tpu.memory_space<hbm>> -> memref<20000x64xf32, #tpu.memory_space<hbm>>
      tpu.enqueue_indirect_dma source(%dma_start3A_209 : memref<20000x64xf32, #tpu.memory_space<hbm>>) target(%arg9 : memref<128x64xf32, #tpu.memory_space<vmem>>) offsets(%dma_start3A_206 : memref<128xi32, #tpu.memory_space<vmem>>) semaphore(%arg17 : memref<!tpu.dma_semaphore, #tpu.memory_space<semaphore_mem>>)
      %add3A_210 = arith.constant 2 : i32
      %add3A_211 = arith.addi %mul3A_169, %add3A_210 : i32
      %dma_wait3A_212 = arith.constant 0 : i32
      %dma_wait3A_213 = tpu.memref_slice %arg6[%add3A_211, %dma_wait3A_212] : memref<160x128xi32, #tpu.memory_space<vmem>> -> memref<1x128xi32, #tpu.memory_space<vmem>>
      %dma_wait3A_214 = tpu.memref_squeeze %dma_wait3A_213 : memref<1x128xi32, #tpu.memory_space<vmem>> -> memref<128xi32, #tpu.memory_space<vmem>>
      %dma_wait3A_215 = arith.constant 0 : i32
      %dma_wait3A_216 = arith.constant 0 : i32
      %dma_wait3A_217 = tpu.memref_slice %arg2[%dma_wait3A_215, %dma_wait3A_216] : memref<20000x64xf32, #tpu.memory_space<hbm>> -> memref<20000x64xf32, #tpu.memory_space<hbm>>
      tpu.wait_indirect_dma semaphore(%arg18 : memref<!tpu.dma_semaphore, #tpu.memory_space<semaphore_mem>>) src(%dma_wait3A_217 : memref<20000x64xf32, #tpu.memory_space<hbm>>) dst(%arg10 : memref<128x64xf32, #tpu.memory_space<vmem>>)
      %add3A_218 = arith.constant 2 : i32
      %add3A_219 = arith.addi %mul3A_169, %add3A_218 : i32
      "tpu.region"() ({
        %run_scoped3A_251 = tpu.sem_alloc : memref<!tpu.dma_semaphore, #tpu.memory_space<semaphore_mem>>
        %dma_start3A_252 = arith.constant 0 : i32
        %dma_start3A_253 = tpu.memref_slice %arg7[%add3A_219, %dma_start3A_252] : memref<160x128xi32, #tpu.memory_space<vmem>> -> memref<1x128xi32, #tpu.memory_space<vmem>>
        %dma_start3A_254 = tpu.memref_squeeze %dma_start3A_253 : memref<1x128xi32, #tpu.memory_space<vmem>> -> memref<128xi32, #tpu.memory_space<vmem>>
        %dma_start3A_255 = arith.constant 0 : i32
        %dma_start3A_256 = arith.constant 0 : i32
        %dma_start3A_257 = tpu.memref_slice %arg14[%dma_start3A_255, %dma_start3A_256] : memref<10240x64xf32, #tpu.memory_space<vmem_shared>> -> memref<10240x64xf32, #tpu.memory_space<vmem_shared>>
        tpu.enqueue_indirect_dma source(%arg10 : memref<128x64xf32, #tpu.memory_space<vmem>>) target(%dma_start3A_257 : memref<10240x64xf32, #tpu.memory_space<vmem_shared>>) offsets(%dma_start3A_254 : memref<128xi32, #tpu.memory_space<vmem>>) semaphore(%run_scoped3A_251 : memref<!tpu.dma_semaphore, #tpu.memory_space<semaphore_mem>>) {add = true}
        %dma_wait3A_258 = arith.constant 0 : i32
        %dma_wait3A_259 = tpu.memref_slice %arg7[%add3A_219, %dma_wait3A_258] : memref<160x128xi32, #tpu.memory_space<vmem>> -> memref<1x128xi32, #tpu.memory_space<vmem>>
        %dma_wait3A_260 = tpu.memref_squeeze %dma_wait3A_259 : memref<1x128xi32, #tpu.memory_space<vmem>> -> memref<128xi32, #tpu.memory_space<vmem>>
        %dma_wait3A_261 = arith.constant 0 : i32
        %dma_wait3A_262 = arith.constant 0 : i32
        %dma_wait3A_263 = tpu.memref_slice %arg14[%dma_wait3A_261, %dma_wait3A_262] : memref<10240x64xf32, #tpu.memory_space<vmem_shared>> -> memref<10240x64xf32, #tpu.memory_space<vmem_shared>>
        tpu.wait_indirect_dma semaphore(%run_scoped3A_251 : memref<!tpu.dma_semaphore, #tpu.memory_space<semaphore_mem>>) src(%arg10 : memref<128x64xf32, #tpu.memory_space<vmem>>) dst(%dma_wait3A_263 : memref<10240x64xf32, #tpu.memory_space<vmem_shared>>)
        tpu.yield
      }) : () -> ()
      %add3A_220 = arith.constant 2 : i32
      %add3A_221 = arith.addi %mul3A_169, %add3A_220 : i32
      %add3A_222 = arith.constant 4 : i32
      %add3A_223 = arith.addi %add3A_221, %add3A_222 : i32
      %dma_start3A_224 = arith.constant 0 : i32
      %dma_start3A_225 = tpu.memref_slice %arg6[%add3A_223, %dma_start3A_224] : memref<160x128xi32, #tpu.memory_space<vmem>> -> memref<1x128xi32, #tpu.memory_space<vmem>>
      %dma_start3A_226 = tpu.memref_squeeze %dma_start3A_225 : memref<1x128xi32, #tpu.memory_space<vmem>> -> memref<128xi32, #tpu.memory_space<vmem>>
      %dma_start3A_227 = arith.constant 0 : i32
      %dma_start3A_228 = arith.constant 0 : i32
      %dma_start3A_229 = tpu.memref_slice %arg2[%dma_start3A_227, %dma_start3A_228] : memref<20000x64xf32, #tpu.memory_space<hbm>> -> memref<20000x64xf32, #tpu.memory_space<hbm>>
      tpu.enqueue_indirect_dma source(%dma_start3A_229 : memref<20000x64xf32, #tpu.memory_space<hbm>>) target(%arg10 : memref<128x64xf32, #tpu.memory_space<vmem>>) offsets(%dma_start3A_226 : memref<128xi32, #tpu.memory_space<vmem>>) semaphore(%arg18 : memref<!tpu.dma_semaphore, #tpu.memory_space<semaphore_mem>>)
      %add3A_230 = arith.constant 3 : i32
      %add3A_231 = arith.addi %mul3A_169, %add3A_230 : i32
      %dma_wait3A_232 = arith.constant 0 : i32
      %dma_wait3A_233 = tpu.memref_slice %arg6[%add3A_231, %dma_wait3A_232] : memref<160x128xi32, #tpu.memory_space<vmem>> -> memref<1x128xi32, #tpu.memory_space<vmem>>
      %dma_wait3A_234 = tpu.memref_squeeze %dma_wait3A_233 : memref<1x128xi32, #tpu.memory_space<vmem>> -> memref<128xi32, #tpu.memory_space<vmem>>
      %dma_wait3A_235 = arith.constant 0 : i32
      %dma_wait3A_236 = arith.constant 0 : i32
      %dma_wait3A_237 = tpu.memref_slice %arg2[%dma_wait3A_235, %dma_wait3A_236] : memref<20000x64xf32, #tpu.memory_space<hbm>> -> memref<20000x64xf32, #tpu.memory_space<hbm>>
      tpu.wait_indirect_dma semaphore(%arg19 : memref<!tpu.dma_semaphore, #tpu.memory_space<semaphore_mem>>) src(%dma_wait3A_237 : memref<20000x64xf32, #tpu.memory_space<hbm>>) dst(%arg11 : memref<128x64xf32, #tpu.memory_space<vmem>>)
      %add3A_238 = arith.constant 3 : i32
      %add3A_239 = arith.addi %mul3A_169, %add3A_238 : i32
      "tpu.region"() ({
        %run_scoped3A_251 = tpu.sem_alloc : memref<!tpu.dma_semaphore, #tpu.memory_space<semaphore_mem>>
        %dma_start3A_252 = arith.constant 0 : i32
        %dma_start3A_253 = tpu.memref_slice %arg7[%add3A_239, %dma_start3A_252] : memref<160x128xi32, #tpu.memory_space<vmem>> -> memref<1x128xi32, #tpu.memory_space<vmem>>
        %dma_start3A_254 = tpu.memref_squeeze %dma_start3A_253 : memref<1x128xi32, #tpu.memory_space<vmem>> -> memref<128xi32, #tpu.memory_space<vmem>>
        %dma_start3A_255 = arith.constant 0 : i32
        %dma_start3A_256 = arith.constant 0 : i32
        %dma_start3A_257 = tpu.memref_slice %arg14[%dma_start3A_255, %dma_start3A_256] : memref<10240x64xf32, #tpu.memory_space<vmem_shared>> -> memref<10240x64xf32, #tpu.memory_space<vmem_shared>>
        tpu.enqueue_indirect_dma source(%arg11 : memref<128x64xf32, #tpu.memory_space<vmem>>) target(%dma_start3A_257 : memref<10240x64xf32, #tpu.memory_space<vmem_shared>>) offsets(%dma_start3A_254 : memref<128xi32, #tpu.memory_space<vmem>>) semaphore(%run_scoped3A_251 : memref<!tpu.dma_semaphore, #tpu.memory_space<semaphore_mem>>) {add = true}
        %dma_wait3A_258 = arith.constant 0 : i32
        %dma_wait3A_259 = tpu.memref_slice %arg7[%add3A_239, %dma_wait3A_258] : memref<160x128xi32, #tpu.memory_space<vmem>> -> memref<1x128xi32, #tpu.memory_space<vmem>>
        %dma_wait3A_260 = tpu.memref_squeeze %dma_wait3A_259 : memref<1x128xi32, #tpu.memory_space<vmem>> -> memref<128xi32, #tpu.memory_space<vmem>>
        %dma_wait3A_261 = arith.constant 0 : i32
        %dma_wait3A_262 = arith.constant 0 : i32
        %dma_wait3A_263 = tpu.memref_slice %arg14[%dma_wait3A_261, %dma_wait3A_262] : memref<10240x64xf32, #tpu.memory_space<vmem_shared>> -> memref<10240x64xf32, #tpu.memory_space<vmem_shared>>
        tpu.wait_indirect_dma semaphore(%run_scoped3A_251 : memref<!tpu.dma_semaphore, #tpu.memory_space<semaphore_mem>>) src(%arg11 : memref<128x64xf32, #tpu.memory_space<vmem>>) dst(%dma_wait3A_263 : memref<10240x64xf32, #tpu.memory_space<vmem_shared>>)
        tpu.yield
      }) : () -> ()
      %add3A_240 = arith.constant 3 : i32
      %add3A_241 = arith.addi %mul3A_169, %add3A_240 : i32
      %add3A_242 = arith.constant 4 : i32
      %add3A_243 = arith.addi %add3A_241, %add3A_242 : i32
      %dma_start3A_244 = arith.constant 0 : i32
      %dma_start3A_245 = tpu.memref_slice %arg6[%add3A_243, %dma_start3A_244] : memref<160x128xi32, #tpu.memory_space<vmem>> -> memref<1x128xi32, #tpu.memory_space<vmem>>
      %dma_start3A_246 = tpu.memref_squeeze %dma_start3A_245 : memref<1x128xi32, #tpu.memory_space<vmem>> -> memref<128xi32, #tpu.memory_space<vmem>>
      %dma_start3A_247 = arith.constant 0 : i32
      %dma_start3A_248 = arith.constant 0 : i32
      %dma_start3A_249 = tpu.memref_slice %arg2[%dma_start3A_247, %dma_start3A_248] : memref<20000x64xf32, #tpu.memory_space<hbm>> -> memref<20000x64xf32, #tpu.memory_space<hbm>>
      tpu.enqueue_indirect_dma source(%dma_start3A_249 : memref<20000x64xf32, #tpu.memory_space<hbm>>) target(%arg11 : memref<128x64xf32, #tpu.memory_space<vmem>>) offsets(%dma_start3A_246 : memref<128xi32, #tpu.memory_space<vmem>>) semaphore(%arg19 : memref<!tpu.dma_semaphore, #tpu.memory_space<semaphore_mem>>)
      %scan3A_250 = arith.constant 0 : i32
      scf.yield %scan3A_250 : i32
    }
    %scan3A_111 = arith.constant 39 : i32
    %dma_wait3A = arith.constant 156 : i32
    %dma_wait3A_112 = arith.constant 0 : i32
    %dma_wait3A_113 = tpu.memref_slice %arg6[%dma_wait3A, %dma_wait3A_112] : memref<160x128xi32, #tpu.memory_space<vmem>> -> memref<1x128xi32, #tpu.memory_space<vmem>>
    %dma_wait3A_114 = tpu.memref_squeeze %dma_wait3A_113 : memref<1x128xi32, #tpu.memory_space<vmem>> -> memref<128xi32, #tpu.memory_space<vmem>>
    %dma_wait3A_115 = arith.constant 0 : i32
    %dma_wait3A_116 = arith.constant 0 : i32
    %dma_wait3A_117 = tpu.memref_slice %arg2[%dma_wait3A_115, %dma_wait3A_116] : memref<20000x64xf32, #tpu.memory_space<hbm>> -> memref<20000x64xf32, #tpu.memory_space<hbm>>
    tpu.wait_indirect_dma semaphore(%arg16 : memref<!tpu.dma_semaphore, #tpu.memory_space<semaphore_mem>>) src(%dma_wait3A_117 : memref<20000x64xf32, #tpu.memory_space<hbm>>) dst(%arg8 : memref<128x64xf32, #tpu.memory_space<vmem>>)
    %run_scoped3A = arith.constant 156 : i32
    "tpu.region"() ({
      %run_scoped3A_166 = tpu.sem_alloc : memref<!tpu.dma_semaphore, #tpu.memory_space<semaphore_mem>>
      %dma_start3A_167 = arith.constant 0 : i32
      %dma_start3A_168 = tpu.memref_slice %arg7[%run_scoped3A, %dma_start3A_167] : memref<160x128xi32, #tpu.memory_space<vmem>> -> memref<1x128xi32, #tpu.memory_space<vmem>>
      %dma_start3A_169 = tpu.memref_squeeze %dma_start3A_168 : memref<1x128xi32, #tpu.memory_space<vmem>> -> memref<128xi32, #tpu.memory_space<vmem>>
      %dma_start3A_170 = arith.constant 0 : i32
      %dma_start3A_171 = arith.constant 0 : i32
      %dma_start3A_172 = tpu.memref_slice %arg14[%dma_start3A_170, %dma_start3A_171] : memref<10240x64xf32, #tpu.memory_space<vmem_shared>> -> memref<10240x64xf32, #tpu.memory_space<vmem_shared>>
      tpu.enqueue_indirect_dma source(%arg8 : memref<128x64xf32, #tpu.memory_space<vmem>>) target(%dma_start3A_172 : memref<10240x64xf32, #tpu.memory_space<vmem_shared>>) offsets(%dma_start3A_169 : memref<128xi32, #tpu.memory_space<vmem>>) semaphore(%run_scoped3A_166 : memref<!tpu.dma_semaphore, #tpu.memory_space<semaphore_mem>>) {add = true}
      %dma_wait3A_173 = arith.constant 0 : i32
      %dma_wait3A_174 = tpu.memref_slice %arg7[%run_scoped3A, %dma_wait3A_173] : memref<160x128xi32, #tpu.memory_space<vmem>> -> memref<1x128xi32, #tpu.memory_space<vmem>>
      %dma_wait3A_175 = tpu.memref_squeeze %dma_wait3A_174 : memref<1x128xi32, #tpu.memory_space<vmem>> -> memref<128xi32, #tpu.memory_space<vmem>>
      %dma_wait3A_176 = arith.constant 0 : i32
      %dma_wait3A_177 = arith.constant 0 : i32
      %dma_wait3A_178 = tpu.memref_slice %arg14[%dma_wait3A_176, %dma_wait3A_177] : memref<10240x64xf32, #tpu.memory_space<vmem_shared>> -> memref<10240x64xf32, #tpu.memory_space<vmem_shared>>
      tpu.wait_indirect_dma semaphore(%run_scoped3A_166 : memref<!tpu.dma_semaphore, #tpu.memory_space<semaphore_mem>>) src(%arg8 : memref<128x64xf32, #tpu.memory_space<vmem>>) dst(%dma_wait3A_178 : memref<10240x64xf32, #tpu.memory_space<vmem_shared>>)
      tpu.yield
    }) : () -> ()
    %dma_wait3A_118 = arith.constant 157 : i32
    %dma_wait3A_119 = arith.constant 0 : i32
    %dma_wait3A_120 = tpu.memref_slice %arg6[%dma_wait3A_118, %dma_wait3A_119] : memref<160x128xi32, #tpu.memory_space<vmem>> -> memref<1x128xi32, #tpu.memory_space<vmem>>
    %dma_wait3A_121 = tpu.memref_squeeze %dma_wait3A_120 : memref<1x128xi32, #tpu.memory_space<vmem>> -> memref<128xi32, #tpu.memory_space<vmem>>
    %dma_wait3A_122 = arith.constant 0 : i32
    %dma_wait3A_123 = arith.constant 0 : i32
    %dma_wait3A_124 = tpu.memref_slice %arg2[%dma_wait3A_122, %dma_wait3A_123] : memref<20000x64xf32, #tpu.memory_space<hbm>> -> memref<20000x64xf32, #tpu.memory_space<hbm>>
    tpu.wait_indirect_dma semaphore(%arg17 : memref<!tpu.dma_semaphore, #tpu.memory_space<semaphore_mem>>) src(%dma_wait3A_124 : memref<20000x64xf32, #tpu.memory_space<hbm>>) dst(%arg9 : memref<128x64xf32, #tpu.memory_space<vmem>>)
    %run_scoped3A_125 = arith.constant 157 : i32
    "tpu.region"() ({
      %run_scoped3A_166 = tpu.sem_alloc : memref<!tpu.dma_semaphore, #tpu.memory_space<semaphore_mem>>
      %dma_start3A_167 = arith.constant 0 : i32
      %dma_start3A_168 = tpu.memref_slice %arg7[%run_scoped3A_125, %dma_start3A_167] : memref<160x128xi32, #tpu.memory_space<vmem>> -> memref<1x128xi32, #tpu.memory_space<vmem>>
      %dma_start3A_169 = tpu.memref_squeeze %dma_start3A_168 : memref<1x128xi32, #tpu.memory_space<vmem>> -> memref<128xi32, #tpu.memory_space<vmem>>
      %dma_start3A_170 = arith.constant 0 : i32
      %dma_start3A_171 = arith.constant 0 : i32
      %dma_start3A_172 = tpu.memref_slice %arg14[%dma_start3A_170, %dma_start3A_171] : memref<10240x64xf32, #tpu.memory_space<vmem_shared>> -> memref<10240x64xf32, #tpu.memory_space<vmem_shared>>
      tpu.enqueue_indirect_dma source(%arg9 : memref<128x64xf32, #tpu.memory_space<vmem>>) target(%dma_start3A_172 : memref<10240x64xf32, #tpu.memory_space<vmem_shared>>) offsets(%dma_start3A_169 : memref<128xi32, #tpu.memory_space<vmem>>) semaphore(%run_scoped3A_166 : memref<!tpu.dma_semaphore, #tpu.memory_space<semaphore_mem>>) {add = true}
      %dma_wait3A_173 = arith.constant 0 : i32
      %dma_wait3A_174 = tpu.memref_slice %arg7[%run_scoped3A_125, %dma_wait3A_173] : memref<160x128xi32, #tpu.memory_space<vmem>> -> memref<1x128xi32, #tpu.memory_space<vmem>>
      %dma_wait3A_175 = tpu.memref_squeeze %dma_wait3A_174 : memref<1x128xi32, #tpu.memory_space<vmem>> -> memref<128xi32, #tpu.memory_space<vmem>>
      %dma_wait3A_176 = arith.constant 0 : i32
      %dma_wait3A_177 = arith.constant 0 : i32
      %dma_wait3A_178 = tpu.memref_slice %arg14[%dma_wait3A_176, %dma_wait3A_177] : memref<10240x64xf32, #tpu.memory_space<vmem_shared>> -> memref<10240x64xf32, #tpu.memory_space<vmem_shared>>
      tpu.wait_indirect_dma semaphore(%run_scoped3A_166 : memref<!tpu.dma_semaphore, #tpu.memory_space<semaphore_mem>>) src(%arg9 : memref<128x64xf32, #tpu.memory_space<vmem>>) dst(%dma_wait3A_178 : memref<10240x64xf32, #tpu.memory_space<vmem_shared>>)
      tpu.yield
    }) : () -> ()
    %dma_wait3A_126 = arith.constant 158 : i32
    %dma_wait3A_127 = arith.constant 0 : i32
    %dma_wait3A_128 = tpu.memref_slice %arg6[%dma_wait3A_126, %dma_wait3A_127] : memref<160x128xi32, #tpu.memory_space<vmem>> -> memref<1x128xi32, #tpu.memory_space<vmem>>
    %dma_wait3A_129 = tpu.memref_squeeze %dma_wait3A_128 : memref<1x128xi32, #tpu.memory_space<vmem>> -> memref<128xi32, #tpu.memory_space<vmem>>
    %dma_wait3A_130 = arith.constant 0 : i32
    %dma_wait3A_131 = arith.constant 0 : i32
    %dma_wait3A_132 = tpu.memref_slice %arg2[%dma_wait3A_130, %dma_wait3A_131] : memref<20000x64xf32, #tpu.memory_space<hbm>> -> memref<20000x64xf32, #tpu.memory_space<hbm>>
    tpu.wait_indirect_dma semaphore(%arg18 : memref<!tpu.dma_semaphore, #tpu.memory_space<semaphore_mem>>) src(%dma_wait3A_132 : memref<20000x64xf32, #tpu.memory_space<hbm>>) dst(%arg10 : memref<128x64xf32, #tpu.memory_space<vmem>>)
    %run_scoped3A_133 = arith.constant 158 : i32
    "tpu.region"() ({
      %run_scoped3A_166 = tpu.sem_alloc : memref<!tpu.dma_semaphore, #tpu.memory_space<semaphore_mem>>
      %dma_start3A_167 = arith.constant 0 : i32
      %dma_start3A_168 = tpu.memref_slice %arg7[%run_scoped3A_133, %dma_start3A_167] : memref<160x128xi32, #tpu.memory_space<vmem>> -> memref<1x128xi32, #tpu.memory_space<vmem>>
      %dma_start3A_169 = tpu.memref_squeeze %dma_start3A_168 : memref<1x128xi32, #tpu.memory_space<vmem>> -> memref<128xi32, #tpu.memory_space<vmem>>
      %dma_start3A_170 = arith.constant 0 : i32
      %dma_start3A_171 = arith.constant 0 : i32
      %dma_start3A_172 = tpu.memref_slice %arg14[%dma_start3A_170, %dma_start3A_171] : memref<10240x64xf32, #tpu.memory_space<vmem_shared>> -> memref<10240x64xf32, #tpu.memory_space<vmem_shared>>
      tpu.enqueue_indirect_dma source(%arg10 : memref<128x64xf32, #tpu.memory_space<vmem>>) target(%dma_start3A_172 : memref<10240x64xf32, #tpu.memory_space<vmem_shared>>) offsets(%dma_start3A_169 : memref<128xi32, #tpu.memory_space<vmem>>) semaphore(%run_scoped3A_166 : memref<!tpu.dma_semaphore, #tpu.memory_space<semaphore_mem>>) {add = true}
      %dma_wait3A_173 = arith.constant 0 : i32
      %dma_wait3A_174 = tpu.memref_slice %arg7[%run_scoped3A_133, %dma_wait3A_173] : memref<160x128xi32, #tpu.memory_space<vmem>> -> memref<1x128xi32, #tpu.memory_space<vmem>>
      %dma_wait3A_175 = tpu.memref_squeeze %dma_wait3A_174 : memref<1x128xi32, #tpu.memory_space<vmem>> -> memref<128xi32, #tpu.memory_space<vmem>>
      %dma_wait3A_176 = arith.constant 0 : i32
      %dma_wait3A_177 = arith.constant 0 : i32
      %dma_wait3A_178 = tpu.memref_slice %arg14[%dma_wait3A_176, %dma_wait3A_177] : memref<10240x64xf32, #tpu.memory_space<vmem_shared>> -> memref<10240x64xf32, #tpu.memory_space<vmem_shared>>
      tpu.wait_indirect_dma semaphore(%run_scoped3A_166 : memref<!tpu.dma_semaphore, #tpu.memory_space<semaphore_mem>>) src(%arg10 : memref<128x64xf32, #tpu.memory_space<vmem>>) dst(%dma_wait3A_178 : memref<10240x64xf32, #tpu.memory_space<vmem_shared>>)
      tpu.yield
    }) : () -> ()
    %dma_wait3A_134 = arith.constant 159 : i32
    %dma_wait3A_135 = arith.constant 0 : i32
    %dma_wait3A_136 = tpu.memref_slice %arg6[%dma_wait3A_134, %dma_wait3A_135] : memref<160x128xi32, #tpu.memory_space<vmem>> -> memref<1x128xi32, #tpu.memory_space<vmem>>
    %dma_wait3A_137 = tpu.memref_squeeze %dma_wait3A_136 : memref<1x128xi32, #tpu.memory_space<vmem>> -> memref<128xi32, #tpu.memory_space<vmem>>
    %dma_wait3A_138 = arith.constant 0 : i32
    %dma_wait3A_139 = arith.constant 0 : i32
    %dma_wait3A_140 = tpu.memref_slice %arg2[%dma_wait3A_138, %dma_wait3A_139] : memref<20000x64xf32, #tpu.memory_space<hbm>> -> memref<20000x64xf32, #tpu.memory_space<hbm>>
    tpu.wait_indirect_dma semaphore(%arg19 : memref<!tpu.dma_semaphore, #tpu.memory_space<semaphore_mem>>) src(%dma_wait3A_140 : memref<20000x64xf32, #tpu.memory_space<hbm>>) dst(%arg11 : memref<128x64xf32, #tpu.memory_space<vmem>>)
    %run_scoped3A_141 = arith.constant 159 : i32
    "tpu.region"() ({
      %run_scoped3A_166 = tpu.sem_alloc : memref<!tpu.dma_semaphore, #tpu.memory_space<semaphore_mem>>
      %dma_start3A_167 = arith.constant 0 : i32
      %dma_start3A_168 = tpu.memref_slice %arg7[%run_scoped3A_141, %dma_start3A_167] : memref<160x128xi32, #tpu.memory_space<vmem>> -> memref<1x128xi32, #tpu.memory_space<vmem>>
      %dma_start3A_169 = tpu.memref_squeeze %dma_start3A_168 : memref<1x128xi32, #tpu.memory_space<vmem>> -> memref<128xi32, #tpu.memory_space<vmem>>
      %dma_start3A_170 = arith.constant 0 : i32
      %dma_start3A_171 = arith.constant 0 : i32
      %dma_start3A_172 = tpu.memref_slice %arg14[%dma_start3A_170, %dma_start3A_171] : memref<10240x64xf32, #tpu.memory_space<vmem_shared>> -> memref<10240x64xf32, #tpu.memory_space<vmem_shared>>
      tpu.enqueue_indirect_dma source(%arg11 : memref<128x64xf32, #tpu.memory_space<vmem>>) target(%dma_start3A_172 : memref<10240x64xf32, #tpu.memory_space<vmem_shared>>) offsets(%dma_start3A_169 : memref<128xi32, #tpu.memory_space<vmem>>) semaphore(%run_scoped3A_166 : memref<!tpu.dma_semaphore, #tpu.memory_space<semaphore_mem>>) {add = true}
      %dma_wait3A_173 = arith.constant 0 : i32
      %dma_wait3A_174 = tpu.memref_slice %arg7[%run_scoped3A_141, %dma_wait3A_173] : memref<160x128xi32, #tpu.memory_space<vmem>> -> memref<1x128xi32, #tpu.memory_space<vmem>>
      %dma_wait3A_175 = tpu.memref_squeeze %dma_wait3A_174 : memref<1x128xi32, #tpu.memory_space<vmem>> -> memref<128xi32, #tpu.memory_space<vmem>>
      %dma_wait3A_176 = arith.constant 0 : i32
      %dma_wait3A_177 = arith.constant 0 : i32
      %dma_wait3A_178 = tpu.memref_slice %arg14[%dma_wait3A_176, %dma_wait3A_177] : memref<10240x64xf32, #tpu.memory_space<vmem_shared>> -> memref<10240x64xf32, #tpu.memory_space<vmem_shared>>
      tpu.wait_indirect_dma semaphore(%run_scoped3A_166 : memref<!tpu.dma_semaphore, #tpu.memory_space<semaphore_mem>>) src(%arg11 : memref<128x64xf32, #tpu.memory_space<vmem>>) dst(%dma_wait3A_178 : memref<10240x64xf32, #tpu.memory_space<vmem_shared>>)
      tpu.yield
    }) : () -> ()
    %barrier3A_142 = arith.constant 0 : index
    tpu.barrier barrier_id(%barrier3A_142)
    %mul3A_143 = arith.constant 64 : i32
    %mul3A_144 = arith.muli %arg0, %mul3A_143 : i32
    %multiple_of3A_145 = tpu.assume_multiple %mul3A_144, 64 : i32
    %add3A_146 = arith.constant 0 : i32
    %add3A_147 = arith.addi %multiple_of3A, %add3A_146 : i32
    "tpu.region"() ({
      %run_scoped3A_166 = tpu.sem_alloc : memref<!tpu.dma_semaphore, #tpu.memory_space<semaphore_mem>>
      %dma_start3A_167 = arith.constant 0 : i32
      %dma_start3A_168 = tpu.memref_slice %arg14[%add3A_147, %dma_start3A_167] : memref<10240x64xf32, #tpu.memory_space<vmem_shared>> -> memref<128x64xf32, #tpu.memory_space<vmem_shared>>
      %dma_start3A_169 = arith.constant 0 : i32
      %dma_start3A_170 = tpu.memref_slice %arg14[%add3A_147, %dma_start3A_169] : memref<10240x64xf32, #tpu.memory_space<vmem_shared>> -> memref<128x64xf32, #tpu.memory_space<vmem_shared>>
      tpu.enqueue_dma source(%dma_start3A_170 : memref<128x64xf32, #tpu.memory_space<vmem_shared>>) target(%arg8 : memref<128x64xf32, #tpu.memory_space<vmem>>) target_semaphore(%run_scoped3A_166 : memref<!tpu.dma_semaphore, #tpu.memory_space<semaphore_mem>>)
      %dma_wait3A_171 = arith.constant 0 : i32
      %dma_wait3A_172 = tpu.memref_slice %arg14[%add3A_147, %dma_wait3A_171] : memref<10240x64xf32, #tpu.memory_space<vmem_shared>> -> memref<128x64xf32, #tpu.memory_space<vmem_shared>>
      %dma_wait3A_173 = arith.constant 0 : i32
      %dma_wait3A_174 = tpu.memref_slice %arg14[%add3A_147, %dma_wait3A_173] : memref<10240x64xf32, #tpu.memory_space<vmem_shared>> -> memref<128x64xf32, #tpu.memory_space<vmem_shared>>
      tpu.wait_dma2 semaphore(%run_scoped3A_166 : memref<!tpu.dma_semaphore, #tpu.memory_space<semaphore_mem>>) src(%dma_wait3A_174 : memref<128x64xf32, #tpu.memory_space<vmem_shared>>) dst(%arg8 : memref<128x64xf32, #tpu.memory_space<vmem>>)
      tpu.yield
    }) : () -> ()
    %add3A_148 = arith.constant 0 : i32
    %add3A_149 = arith.addi %multiple_of3A, %add3A_148 : i32
    "tpu.region"() ({
      %run_scoped3A_166 = tpu.sem_alloc : memref<!tpu.dma_semaphore, #tpu.memory_space<semaphore_mem>>
      %dma_start3A_167 = tpu.memref_slice %arg5[%add3A_149, %multiple_of3A_145] : memref<10240x128xf32, #tpu.memory_space<hbm>> -> memref<128x64xf32, #tpu.memory_space<hbm>>
      %dma_start3A_168 = tpu.memref_slice %arg5[%add3A_149, %multiple_of3A_145] : memref<10240x128xf32, #tpu.memory_space<hbm>> -> memref<128x64xf32, #tpu.memory_space<hbm>>
      tpu.enqueue_dma source(%arg8 : memref<128x64xf32, #tpu.memory_space<vmem>>) target(%dma_start3A_168 : memref<128x64xf32, #tpu.memory_space<hbm>>) target_semaphore(%run_scoped3A_166 : memref<!tpu.dma_semaphore, #tpu.memory_space<semaphore_mem>>)
      %dma_wait3A_169 = tpu.memref_slice %arg5[%add3A_149, %multiple_of3A_145] : memref<10240x128xf32, #tpu.memory_space<hbm>> -> memref<128x64xf32, #tpu.memory_space<hbm>>
      %dma_wait3A_170 = tpu.memref_slice %arg5[%add3A_149, %multiple_of3A_145] : memref<10240x128xf32, #tpu.memory_space<hbm>> -> memref<128x64xf32, #tpu.memory_space<hbm>>
      tpu.wait_dma2 semaphore(%run_scoped3A_166 : memref<!tpu.dma_semaphore, #tpu.memory_space<semaphore_mem>>) src(%arg8 : memref<128x64xf32, #tpu.memory_space<vmem>>) dst(%dma_wait3A_170 : memref<128x64xf32, #tpu.memory_space<hbm>>)
      tpu.yield
    }) : () -> ()
    %add3A_150 = arith.constant 128 : i32
    %add3A_151 = arith.addi %multiple_of3A, %add3A_150 : i32
    "tpu.region"() ({
      %run_scoped3A_166 = tpu.sem_alloc : memref<!tpu.dma_semaphore, #tpu.memory_space<semaphore_mem>>
      %dma_start3A_167 = arith.constant 0 : i32
      %dma_start3A_168 = tpu.memref_slice %arg14[%add3A_151, %dma_start3A_167] : memref<10240x64xf32, #tpu.memory_space<vmem_shared>> -> memref<128x64xf32, #tpu.memory_space<vmem_shared>>
      %dma_start3A_169 = arith.constant 0 : i32
      %dma_start3A_170 = tpu.memref_slice %arg14[%add3A_151, %dma_start3A_169] : memref<10240x64xf32, #tpu.memory_space<vmem_shared>> -> memref<128x64xf32, #tpu.memory_space<vmem_shared>>
      tpu.enqueue_dma source(%dma_start3A_170 : memref<128x64xf32, #tpu.memory_space<vmem_shared>>) target(%arg8 : memref<128x64xf32, #tpu.memory_space<vmem>>) target_semaphore(%run_scoped3A_166 : memref<!tpu.dma_semaphore, #tpu.memory_space<semaphore_mem>>)
      %dma_wait3A_171 = arith.constant 0 : i32
      %dma_wait3A_172 = tpu.memref_slice %arg14[%add3A_151, %dma_wait3A_171] : memref<10240x64xf32, #tpu.memory_space<vmem_shared>> -> memref<128x64xf32, #tpu.memory_space<vmem_shared>>
      %dma_wait3A_173 = arith.constant 0 : i32
      %dma_wait3A_174 = tpu.memref_slice %arg14[%add3A_151, %dma_wait3A_173] : memref<10240x64xf32, #tpu.memory_space<vmem_shared>> -> memref<128x64xf32, #tpu.memory_space<vmem_shared>>
      tpu.wait_dma2 semaphore(%run_scoped3A_166 : memref<!tpu.dma_semaphore, #tpu.memory_space<semaphore_mem>>) src(%dma_wait3A_174 : memref<128x64xf32, #tpu.memory_space<vmem_shared>>) dst(%arg8 : memref<128x64xf32, #tpu.memory_space<vmem>>)
      tpu.yield
    }) : () -> ()
    %add3A_152 = arith.constant 128 : i32
    %add3A_153 = arith.addi %multiple_of3A, %add3A_152 : i32
    "tpu.region"() ({
      %run_scoped3A_166 = tpu.sem_alloc : memref<!tpu.dma_semaphore, #tpu.memory_space<semaphore_mem>>
      %dma_start3A_167 = tpu.memref_slice %arg5[%add3A_153, %multiple_of3A_145] : memref<10240x128xf32, #tpu.memory_space<hbm>> -> memref<128x64xf32, #tpu.memory_space<hbm>>
      %dma_start3A_168 = tpu.memref_slice %arg5[%add3A_153, %multiple_of3A_145] : memref<10240x128xf32, #tpu.memory_space<hbm>> -> memref<128x64xf32, #tpu.memory_space<hbm>>
      tpu.enqueue_dma source(%arg8 : memref<128x64xf32, #tpu.memory_space<vmem>>) target(%dma_start3A_168 : memref<128x64xf32, #tpu.memory_space<hbm>>) target_semaphore(%run_scoped3A_166 : memref<!tpu.dma_semaphore, #tpu.memory_space<semaphore_mem>>)
      %dma_wait3A_169 = tpu.memref_slice %arg5[%add3A_153, %multiple_of3A_145] : memref<10240x128xf32, #tpu.memory_space<hbm>> -> memref<128x64xf32, #tpu.memory_space<hbm>>
      %dma_wait3A_170 = tpu.memref_slice %arg5[%add3A_153, %multiple_of3A_145] : memref<10240x128xf32, #tpu.memory_space<hbm>> -> memref<128x64xf32, #tpu.memory_space<hbm>>
      tpu.wait_dma2 semaphore(%run_scoped3A_166 : memref<!tpu.dma_semaphore, #tpu.memory_space<semaphore_mem>>) src(%arg8 : memref<128x64xf32, #tpu.memory_space<vmem>>) dst(%dma_wait3A_170 : memref<128x64xf32, #tpu.memory_space<hbm>>)
      tpu.yield
    }) : () -> ()
    %add3A_154 = arith.constant 256 : i32
    %add3A_155 = arith.addi %multiple_of3A, %add3A_154 : i32
    "tpu.region"() ({
      %run_scoped3A_166 = tpu.sem_alloc : memref<!tpu.dma_semaphore, #tpu.memory_space<semaphore_mem>>
      %dma_start3A_167 = arith.constant 0 : i32
      %dma_start3A_168 = tpu.memref_slice %arg14[%add3A_155, %dma_start3A_167] : memref<10240x64xf32, #tpu.memory_space<vmem_shared>> -> memref<128x64xf32, #tpu.memory_space<vmem_shared>>
      %dma_start3A_169 = arith.constant 0 : i32
      %dma_start3A_170 = tpu.memref_slice %arg14[%add3A_155, %dma_start3A_169] : memref<10240x64xf32, #tpu.memory_space<vmem_shared>> -> memref<128x64xf32, #tpu.memory_space<vmem_shared>>
      tpu.enqueue_dma source(%dma_start3A_170 : memref<128x64xf32, #tpu.memory_space<vmem_shared>>) target(%arg8 : memref<128x64xf32, #tpu.memory_space<vmem>>) target_semaphore(%run_scoped3A_166 : memref<!tpu.dma_semaphore, #tpu.memory_space<semaphore_mem>>)
      %dma_wait3A_171 = arith.constant 0 : i32
      %dma_wait3A_172 = tpu.memref_slice %arg14[%add3A_155, %dma_wait3A_171] : memref<10240x64xf32, #tpu.memory_space<vmem_shared>> -> memref<128x64xf32, #tpu.memory_space<vmem_shared>>
      %dma_wait3A_173 = arith.constant 0 : i32
      %dma_wait3A_174 = tpu.memref_slice %arg14[%add3A_155, %dma_wait3A_173] : memref<10240x64xf32, #tpu.memory_space<vmem_shared>> -> memref<128x64xf32, #tpu.memory_space<vmem_shared>>
      tpu.wait_dma2 semaphore(%run_scoped3A_166 : memref<!tpu.dma_semaphore, #tpu.memory_space<semaphore_mem>>) src(%dma_wait3A_174 : memref<128x64xf32, #tpu.memory_space<vmem_shared>>) dst(%arg8 : memref<128x64xf32, #tpu.memory_space<vmem>>)
      tpu.yield
    }) : () -> ()
    %add3A_156 = arith.constant 256 : i32
    %add3A_157 = arith.addi %multiple_of3A, %add3A_156 : i32
    "tpu.region"() ({
      %run_scoped3A_166 = tpu.sem_alloc : memref<!tpu.dma_semaphore, #tpu.memory_space<semaphore_mem>>
      %dma_start3A_167 = tpu.memref_slice %arg5[%add3A_157, %multiple_of3A_145] : memref<10240x128xf32, #tpu.memory_space<hbm>> -> memref<128x64xf32, #tpu.memory_space<hbm>>
      %dma_start3A_168 = tpu.memref_slice %arg5[%add3A_157, %multiple_of3A_145] : memref<10240x128xf32, #tpu.memory_space<hbm>> -> memref<128x64xf32, #tpu.memory_space<hbm>>
      tpu.enqueue_dma source(%arg8 : memref<128x64xf32, #tpu.memory_space<vmem>>) target(%dma_start3A_168 : memref<128x64xf32, #tpu.memory_space<hbm>>) target_semaphore(%run_scoped3A_166 : memref<!tpu.dma_semaphore, #tpu.memory_space<semaphore_mem>>)
      %dma_wait3A_169 = tpu.memref_slice %arg5[%add3A_157, %multiple_of3A_145] : memref<10240x128xf32, #tpu.memory_space<hbm>> -> memref<128x64xf32, #tpu.memory_space<hbm>>
      %dma_wait3A_170 = tpu.memref_slice %arg5[%add3A_157, %multiple_of3A_145] : memref<10240x128xf32, #tpu.memory_space<hbm>> -> memref<128x64xf32, #tpu.memory_space<hbm>>
      tpu.wait_dma2 semaphore(%run_scoped3A_166 : memref<!tpu.dma_semaphore, #tpu.memory_space<semaphore_mem>>) src(%arg8 : memref<128x64xf32, #tpu.memory_space<vmem>>) dst(%dma_wait3A_170 : memref<128x64xf32, #tpu.memory_space<hbm>>)
      tpu.yield
    }) : () -> ()
    %add3A_158 = arith.constant 384 : i32
    %add3A_159 = arith.addi %multiple_of3A, %add3A_158 : i32
    "tpu.region"() ({
      %run_scoped3A_166 = tpu.sem_alloc : memref<!tpu.dma_semaphore, #tpu.memory_space<semaphore_mem>>
      %dma_start3A_167 = arith.constant 0 : i32
      %dma_start3A_168 = tpu.memref_slice %arg14[%add3A_159, %dma_start3A_167] : memref<10240x64xf32, #tpu.memory_space<vmem_shared>> -> memref<128x64xf32, #tpu.memory_space<vmem_shared>>
      %dma_start3A_169 = arith.constant 0 : i32
      %dma_start3A_170 = tpu.memref_slice %arg14[%add3A_159, %dma_start3A_169] : memref<10240x64xf32, #tpu.memory_space<vmem_shared>> -> memref<128x64xf32, #tpu.memory_space<vmem_shared>>
      tpu.enqueue_dma source(%dma_start3A_170 : memref<128x64xf32, #tpu.memory_space<vmem_shared>>) target(%arg8 : memref<128x64xf32, #tpu.memory_space<vmem>>) target_semaphore(%run_scoped3A_166 : memref<!tpu.dma_semaphore, #tpu.memory_space<semaphore_mem>>)
      %dma_wait3A_171 = arith.constant 0 : i32
      %dma_wait3A_172 = tpu.memref_slice %arg14[%add3A_159, %dma_wait3A_171] : memref<10240x64xf32, #tpu.memory_space<vmem_shared>> -> memref<128x64xf32, #tpu.memory_space<vmem_shared>>
      %dma_wait3A_173 = arith.constant 0 : i32
      %dma_wait3A_174 = tpu.memref_slice %arg14[%add3A_159, %dma_wait3A_173] : memref<10240x64xf32, #tpu.memory_space<vmem_shared>> -> memref<128x64xf32, #tpu.memory_space<vmem_shared>>
      tpu.wait_dma2 semaphore(%run_scoped3A_166 : memref<!tpu.dma_semaphore, #tpu.memory_space<semaphore_mem>>) src(%dma_wait3A_174 : memref<128x64xf32, #tpu.memory_space<vmem_shared>>) dst(%arg8 : memref<128x64xf32, #tpu.memory_space<vmem>>)
      tpu.yield
    }) : () -> ()
    %add3A_160 = arith.constant 384 : i32
    %add3A_161 = arith.addi %multiple_of3A, %add3A_160 : i32
    "tpu.region"() ({
      %run_scoped3A_166 = tpu.sem_alloc : memref<!tpu.dma_semaphore, #tpu.memory_space<semaphore_mem>>
      %dma_start3A_167 = tpu.memref_slice %arg5[%add3A_161, %multiple_of3A_145] : memref<10240x128xf32, #tpu.memory_space<hbm>> -> memref<128x64xf32, #tpu.memory_space<hbm>>
      %dma_start3A_168 = tpu.memref_slice %arg5[%add3A_161, %multiple_of3A_145] : memref<10240x128xf32, #tpu.memory_space<hbm>> -> memref<128x64xf32, #tpu.memory_space<hbm>>
      tpu.enqueue_dma source(%arg8 : memref<128x64xf32, #tpu.memory_space<vmem>>) target(%dma_start3A_168 : memref<128x64xf32, #tpu.memory_space<hbm>>) target_semaphore(%run_scoped3A_166 : memref<!tpu.dma_semaphore, #tpu.memory_space<semaphore_mem>>)
      %dma_wait3A_169 = tpu.memref_slice %arg5[%add3A_161, %multiple_of3A_145] : memref<10240x128xf32, #tpu.memory_space<hbm>> -> memref<128x64xf32, #tpu.memory_space<hbm>>
      %dma_wait3A_170 = tpu.memref_slice %arg5[%add3A_161, %multiple_of3A_145] : memref<10240x128xf32, #tpu.memory_space<hbm>> -> memref<128x64xf32, #tpu.memory_space<hbm>>
      tpu.wait_dma2 semaphore(%run_scoped3A_166 : memref<!tpu.dma_semaphore, #tpu.memory_space<semaphore_mem>>) src(%arg8 : memref<128x64xf32, #tpu.memory_space<vmem>>) dst(%dma_wait3A_170 : memref<128x64xf32, #tpu.memory_space<hbm>>)
      tpu.yield
    }) : () -> ()
    %add3A_162 = arith.constant 512 : i32
    %add3A_163 = arith.addi %multiple_of3A, %add3A_162 : i32
    "tpu.region"() ({
      %run_scoped3A_166 = tpu.sem_alloc : memref<!tpu.dma_semaphore, #tpu.memory_space<semaphore_mem>>
      %dma_start3A_167 = arith.constant 0 : i32
      %dma_start3A_168 = tpu.memref_slice %arg14[%add3A_163, %dma_start3A_167] : memref<10240x64xf32, #tpu.memory_space<vmem_shared>> -> memref<128x64xf32, #tpu.memory_space<vmem_shared>>
      %dma_start3A_169 = arith.constant 0 : i32
      %dma_start3A_170 = tpu.memref_slice %arg14[%add3A_163, %dma_start3A_169] : memref<10240x64xf32, #tpu.memory_space<vmem_shared>> -> memref<128x64xf32, #tpu.memory_space<vmem_shared>>
      tpu.enqueue_dma source(%dma_start3A_170 : memref<128x64xf32, #tpu.memory_space<vmem_shared>>) target(%arg8 : memref<128x64xf32, #tpu.memory_space<vmem>>) target_semaphore(%run_scoped3A_166 : memref<!tpu.dma_semaphore, #tpu.memory_space<semaphore_mem>>)
      %dma_wait3A_171 = arith.constant 0 : i32
      %dma_wait3A_172 = tpu.memref_slice %arg14[%add3A_163, %dma_wait3A_171] : memref<10240x64xf32, #tpu.memory_space<vmem_shared>> -> memref<128x64xf32, #tpu.memory_space<vmem_shared>>
      %dma_wait3A_173 = arith.constant 0 : i32
      %dma_wait3A_174 = tpu.memref_slice %arg14[%add3A_163, %dma_wait3A_173] : memref<10240x64xf32, #tpu.memory_space<vmem_shared>> -> memref<128x64xf32, #tpu.memory_space<vmem_shared>>
      tpu.wait_dma2 semaphore(%run_scoped3A_166 : memref<!tpu.dma_semaphore, #tpu.memory_space<semaphore_mem>>) src(%dma_wait3A_174 : memref<128x64xf32, #tpu.memory_space<vmem_shared>>) dst(%arg8 : memref<128x64xf32, #tpu.memory_space<vmem>>)
      tpu.yield
    }) : () -> ()
    %add3A_164 = arith.constant 512 : i32
    %add3A_165 = arith.addi %multiple_of3A, %add3A_164 : i32
    "tpu.region"() ({
      %run_scoped3A_166 = tpu.sem_alloc : memref<!tpu.dma_semaphore, #tpu.memory_space<semaphore_mem>>
      %dma_start3A_167 = tpu.memref_slice %arg5[%add3A_165, %multiple_of3A_145] : memref<10240x128xf32, #tpu.memory_space<hbm>> -> memref<128x64xf32, #tpu.memory_space<hbm>>
      %dma_start3A_168 = tpu.memref_slice %arg5[%add3A_165, %multiple_of3A_145] : memref<10240x128xf32, #tpu.memory_space<hbm>> -> memref<128x64xf32, #tpu.memory_space<hbm>>
      tpu.enqueue_dma source(%arg8 : memref<128x64xf32, #tpu.memory_space<vmem>>) target(%dma_start3A_168 : memref<128x64xf32, #tpu.memory_space<hbm>>) target_semaphore(%run_scoped3A_166 : memref<!tpu.dma_semaphore, #tpu.memory_space<semaphore_mem>>)
      %dma_wait3A_169 = tpu.memref_slice %arg5[%add3A_165, %multiple_of3A_145] : memref<10240x128xf32, #tpu.memory_space<hbm>> -> memref<128x64xf32, #tpu.memory_space<hbm>>
      %dma_wait3A_170 = tpu.memref_slice %arg5[%add3A_165, %multiple_of3A_145] : memref<10240x128xf32, #tpu.memory_space<hbm>> -> memref<128x64xf32, #tpu.memory_space<hbm>>
      tpu.wait_dma2 semaphore(%run_scoped3A_166 : memref<!tpu.dma_semaphore, #tpu.memory_space<semaphore_mem>>) src(%arg8 : memref<128x64xf32, #tpu.memory_space<vmem>>) dst(%dma_wait3A_170 : memref<128x64xf32, #tpu.memory_space<hbm>>)
      tpu.yield
    }) : () -> ()
    return
  }
}

module attributes {stable_mosaic.version = 14 : i64} {
  func.func @_tc_root_body(%arg0: i32, %arg1: memref<1000x128xf32, #tpu.memory_space<vmem>>, %arg2: memref<128x128xf32, #tpu.memory_space<vmem>>, %arg3: memref<1x128xf32, #tpu.memory_space<vmem>>, %arg4: memref<1000x128xf32, #tpu.memory_space<vmem>>) attributes {dimension_semantics = [#tpu.dimension_semantics<arbitrary>], iteration_bounds = array<i64: 10>, scalar_prefetch = 0 : i64, scratch_operands = 0 : i64, tpu.core_type = #tpu.core_type<tc>, window_params = [{transform_indices = @transform_0, window_bounds = array<i64: 1000, 128>}, {pipeline_mode = #tpu.pipeline_mode<synchronous>, transform_indices = @transform_1, window_bounds = array<i64: 128, 128>}, {pipeline_mode = #tpu.pipeline_mode<synchronous>, transform_indices = @transform_2, window_bounds = array<i64: 1, 128>}, {transform_indices = @transform_3, window_bounds = array<i64: 1000, 128>}]} {
    %get3A = arith.constant 0 : index
    %get3A_0 = arith.constant 0 : index
    %get3A_1 = vector.load %arg1[%get3A, %get3A_0] : memref<1000x128xf32, #tpu.memory_space<vmem>>, vector<1000x128xf32>
    %get3A_2 = arith.constant 0 : index
    %get3A_3 = arith.constant 0 : index
    %get3A_4 = vector.load %arg2[%get3A_2, %get3A_3] : memref<128x128xf32, #tpu.memory_space<vmem>>, vector<128x128xf32>
    %dot_general3A = arith.constant dense<0.000000e+00> : vector<1000x128xf32>
    %dot_general3A_5 = tpu.matmul %get3A_1, %get3A_4, %dot_general3A {dimension_numbers = #tpu.dot_dimension_numbers<[1], [1], [0], [0], [0, 0, 1, 0], [], []>, transpose_lhs_hint = false} : vector<1000x128xf32>, vector<128x128xf32>, vector<1000x128xf32> -> vector<1000x128xf32>
    %get3A_6 = arith.constant 0 : index
    %get3A_7 = arith.constant 0 : index
    %get3A_8 = vector.load %arg3[%get3A_6, %get3A_7] : memref<1x128xf32, #tpu.memory_space<vmem>>, vector<1x128xf32>
    %add3A = vector.broadcast %get3A_8 : vector<1x128xf32> to vector<1000x128xf32>
    %add3A_9 = arith.addf %dot_general3A_5, %add3A : vector<1000x128xf32>
    %swap3A = arith.constant 0 : index
    %swap3A_10 = arith.constant 0 : index
    %swap3A_11 = vector.load %arg4[%swap3A, %swap3A_10] : memref<1000x128xf32, #tpu.memory_space<vmem>>, vector<1000x128xf32>
    tpu.vector_store %arg4[%swap3A, %swap3A_10], %add3A_9 {strides = array<i32>} : memref<1000x128xf32, #tpu.memory_space<vmem>>, vector<1000x128xf32>,
    return
  }
  func.func @transform_0(%arg0: i32) -> (i32, i32) {
    %c0_i32 = arith.constant 0 : i32
    %c0_i32_0 = arith.constant 0 : i32
    return %arg0, %c0_i32 : i32, i32
  }
  func.func @transform_1(%arg0: i32) -> (i32, i32) {
    %c0_i32 = arith.constant 0 : i32
    %c0_i32_0 = arith.constant 0 : i32
    %c0_i32_1 = arith.constant 0 : i32
    return %c0_i32, %c0_i32_0 : i32, i32
  }
  func.func @transform_2(%arg0: i32) -> (i32, i32) {
    %c0_i32 = arith.constant 0 : i32
    %c0_i32_0 = arith.constant 0 : i32
    %c0_i32_1 = arith.constant 0 : i32
    return %c0_i32, %c0_i32_0 : i32, i32
  }
  func.func @transform_3(%arg0: i32) -> (i32, i32) {
    %c0_i32 = arith.constant 0 : i32
    %c0_i32_0 = arith.constant 0 : i32
    return %arg0, %c0_i32 : i32, i32
  }
}

module attributes {stable_mosaic.version = 14 : i64} {
  func.func @bodyfn(%arg0: i32, %arg1: memref<1000x128xf32, #tpu.memory_space<vmem>>, %arg2: memref<1000x1xf32, #tpu.memory_space<vmem>>, %arg3: memref<1000x128xf32, #tpu.memory_space<vmem>>, %arg4: memref<128x128xf32, #tpu.memory_space<vmem>>, %arg5: memref<1000x128xf32, #tpu.memory_space<vmem>>) attributes {dimension_semantics = [#tpu.dimension_semantics<arbitrary>], iteration_bounds = array<i64: 10>, scalar_prefetch = 0 : i64, scratch_operands = 0 : i64, tpu.core_type = #tpu.core_type<tc>, window_params = [{transform_indices = @transform_0, window_bounds = array<i64: 1000, 128>}, {transform_indices = @transform_1, window_bounds = array<i64: 1000, 1>}, {transform_indices = @transform_2, window_bounds = array<i64: 1000, 128>}, {pipeline_mode = #tpu.pipeline_mode<synchronous>, transform_indices = @transform_3, window_bounds = array<i64: 128, 128>}, {transform_indices = @transform_4, window_bounds = array<i64: 1000, 128>}]} {
    %get3A = arith.constant 0 : index
    %get3A_0 = arith.constant 0 : index
    %get3A_1 = vector.load %arg2[%get3A, %get3A_0] : memref<1000x1xf32, #tpu.memory_space<vmem>>, vector<1000x1xf32>
    %max3A = arith.constant 1.000000e+00 : f32
    %max3A_2 = vector.broadcast %max3A : f32 to vector<1000x1xf32>
    %max3A_3 = arith.maximumf %get3A_1, %max3A_2 : vector<1000x1xf32>
    %div3A = arith.constant 1.000000e+00 : f32
    %div3A_4 = vector.broadcast %div3A : f32 to vector<1000x1xf32>
    %div3A_5 = arith.divf %div3A_4, %max3A_3 : vector<1000x1xf32>
    %get3A_6 = arith.constant 0 : index
    %get3A_7 = arith.constant 0 : index
    %get3A_8 = vector.load %arg1[%get3A_6, %get3A_7] : memref<1000x128xf32, #tpu.memory_space<vmem>>, vector<1000x128xf32>
    %mul3A = vector.broadcast %div3A_5 : vector<1000x1xf32> to vector<1000x128xf32>
    %mul3A_9 = arith.mulf %get3A_8, %mul3A : vector<1000x128xf32>
    %get3A_10 = arith.constant 0 : index
    %get3A_11 = arith.constant 0 : index
    %get3A_12 = vector.load %arg4[%get3A_10, %get3A_11] : memref<128x128xf32, #tpu.memory_space<vmem>>, vector<128x128xf32>
    %dot_general3A = arith.constant dense<0.000000e+00> : vector<1000x128xf32>
    %dot_general3A_13 = tpu.matmul %mul3A_9, %get3A_12, %dot_general3A {dimension_numbers = #tpu.dot_dimension_numbers<[1], [1], [0], [0], [0, 0, 1, 0], [], []>, transpose_lhs_hint = false} : vector<1000x128xf32>, vector<128x128xf32>, vector<1000x128xf32> -> vector<1000x128xf32>
    %get3A_14 = arith.constant 0 : index
    %get3A_15 = arith.constant 0 : index
    %get3A_16 = vector.load %arg3[%get3A_14, %get3A_15] : memref<1000x128xf32, #tpu.memory_space<vmem>>, vector<1000x128xf32>
    %add3A = arith.addf %dot_general3A_13, %get3A_16 : vector<1000x128xf32>
    %swap3A = arith.constant 0 : index
    %swap3A_17 = arith.constant 0 : index
    %swap3A_18 = vector.load %arg5[%swap3A, %swap3A_17] : memref<1000x128xf32, #tpu.memory_space<vmem>>, vector<1000x128xf32>
    tpu.vector_store %arg5[%swap3A, %swap3A_17], %add3A {strides = array<i32>} : memref<1000x128xf32, #tpu.memory_space<vmem>>, vector<1000x128xf32>,
    return
  }
  func.func @transform_0(%arg0: i32) -> (i32, i32) {
    %c0_i32 = arith.constant 0 : i32
    %c0_i32_0 = arith.constant 0 : i32
    return %arg0, %c0_i32 : i32, i32
  }
  func.func @transform_1(%arg0: i32) -> (i32, i32) {
    %c0_i32 = arith.constant 0 : i32
    %c0_i32_0 = arith.constant 0 : i32
    return %arg0, %c0_i32 : i32, i32
  }
  func.func @transform_2(%arg0: i32) -> (i32, i32) {
    %c0_i32 = arith.constant 0 : i32
    %c0_i32_0 = arith.constant 0 : i32
    return %arg0, %c0_i32 : i32, i32
  }
  func.func @transform_3(%arg0: i32) -> (i32, i32) {
    %c0_i32 = arith.constant 0 : i32
    %c0_i32_0 = arith.constant 0 : i32
    %c0_i32_1 = arith.constant 0 : i32
    return %c0_i32, %c0_i32_0 : i32, i32
  }
  func.func @transform_4(%arg0: i32) -> (i32, i32) {
    %c0_i32 = arith.constant 0 : i32
    %c0_i32_0 = arith.constant 0 : i32
    return %arg0, %c0_i32 : i32, i32
  }
}

module attributes {stable_mosaic.version = 14 : i64} {
  func.func @bodyfn(%arg0: i32, %arg1: memref<1000x128xf32, #tpu.memory_space<vmem>>, %arg2: memref<1000x1xf32, #tpu.memory_space<vmem>>, %arg3: memref<1000x128xf32, #tpu.memory_space<vmem>>, %arg4: memref<128x128xf32, #tpu.memory_space<vmem>>, %arg5: memref<1000x128xf32, #tpu.memory_space<vmem>>) attributes {dimension_semantics = [#tpu.dimension_semantics<arbitrary>], iteration_bounds = array<i64: 10>, scalar_prefetch = 0 : i64, scratch_operands = 0 : i64, tpu.core_type = #tpu.core_type<tc>, window_params = [{transform_indices = @transform_0, window_bounds = array<i64: 1000, 128>}, {transform_indices = @transform_1, window_bounds = array<i64: 1000, 1>}, {transform_indices = @transform_2, window_bounds = array<i64: 1000, 128>}, {pipeline_mode = #tpu.pipeline_mode<synchronous>, transform_indices = @transform_3, window_bounds = array<i64: 128, 128>}, {transform_indices = @transform_4, window_bounds = array<i64: 1000, 128>}]} {
    %get3A = arith.constant 0 : index
    %get3A_0 = arith.constant 0 : index
    %get3A_1 = vector.load %arg2[%get3A, %get3A_0] : memref<1000x1xf32, #tpu.memory_space<vmem>>, vector<1000x1xf32>
    %max3A = arith.constant 1.000000e+00 : f32
    %max3A_2 = vector.broadcast %max3A : f32 to vector<1000x1xf32>
    %max3A_3 = arith.maximumf %get3A_1, %max3A_2 : vector<1000x1xf32>
    %div3A = arith.constant 1.000000e+00 : f32
    %div3A_4 = vector.broadcast %div3A : f32 to vector<1000x1xf32>
    %div3A_5 = arith.divf %div3A_4, %max3A_3 : vector<1000x1xf32>
    %get3A_6 = arith.constant 0 : index
    %get3A_7 = arith.constant 0 : index
    %get3A_8 = vector.load %arg1[%get3A_6, %get3A_7] : memref<1000x128xf32, #tpu.memory_space<vmem>>, vector<1000x128xf32>
    %mul3A = vector.broadcast %div3A_5 : vector<1000x1xf32> to vector<1000x128xf32>
    %mul3A_9 = arith.mulf %get3A_8, %mul3A : vector<1000x128xf32>
    %get3A_10 = arith.constant 0 : index
    %get3A_11 = arith.constant 0 : index
    %get3A_12 = vector.load %arg4[%get3A_10, %get3A_11] : memref<128x128xf32, #tpu.memory_space<vmem>>, vector<128x128xf32>
    %dot_general3A = arith.constant dense<0.000000e+00> : vector<1000x128xf32>
    %dot_general3A_13 = tpu.matmul %mul3A_9, %get3A_12, %dot_general3A {dimension_numbers = #tpu.dot_dimension_numbers<[1], [1], [0], [0], [0, 0, 1, 0], [], []>, transpose_lhs_hint = false} : vector<1000x128xf32>, vector<128x128xf32>, vector<1000x128xf32> -> vector<1000x128xf32>
    %get3A_14 = arith.constant 0 : index
    %get3A_15 = arith.constant 0 : index
    %get3A_16 = vector.load %arg3[%get3A_14, %get3A_15] : memref<1000x128xf32, #tpu.memory_space<vmem>>, vector<1000x128xf32>
    %add3A = arith.addf %dot_general3A_13, %get3A_16 : vector<1000x128xf32>
    %swap3A = arith.constant 0 : index
    %swap3A_17 = arith.constant 0 : index
    %swap3A_18 = vector.load %arg5[%swap3A, %swap3A_17] : memref<1000x128xf32, #tpu.memory_space<vmem>>, vector<1000x128xf32>
    tpu.vector_store %arg5[%swap3A, %swap3A_17], %add3A {strides = array<i32>} : memref<1000x128xf32, #tpu.memory_space<vmem>>, vector<1000x128xf32>,
    return
  }
  func.func @transform_0(%arg0: i32) -> (i32, i32) {
    %c0_i32 = arith.constant 0 : i32
    %c0_i32_0 = arith.constant 0 : i32
    return %arg0, %c0_i32 : i32, i32
  }
  func.func @transform_1(%arg0: i32) -> (i32, i32) {
    %c0_i32 = arith.constant 0 : i32
    %c0_i32_0 = arith.constant 0 : i32
    return %arg0, %c0_i32 : i32, i32
  }
  func.func @transform_2(%arg0: i32) -> (i32, i32) {
    %c0_i32 = arith.constant 0 : i32
    %c0_i32_0 = arith.constant 0 : i32
    return %arg0, %c0_i32 : i32, i32
  }
  func.func @transform_3(%arg0: i32) -> (i32, i32) {
    %c0_i32 = arith.constant 0 : i32
    %c0_i32_0 = arith.constant 0 : i32
    %c0_i32_1 = arith.constant 0 : i32
    return %c0_i32, %c0_i32_0 : i32, i32
  }
  func.func @transform_4(%arg0: i32) -> (i32, i32) {
    %c0_i32 = arith.constant 0 : i32
    %c0_i32_0 = arith.constant 0 : i32
    return %arg0, %c0_i32 : i32, i32
  }
}

</mosaic_0001>

<sc_bundles>
// kernel: kernel.11.cloned.1.call-start
scs
__scs_entry_jumppad:
0x0: {  	(pc) =	sbr.rel $0x88, $3  }
0x1: {  	(tag) =	ssettag $0x0;
	lr =	simm.s32 $0x1  }
0x2: {  	[smem:$0x3F99] =	sst lr;
	_ =	strace $0xD0000000  }
0x3: {  	_ = 	snop  }
0x4: {  	_ = 	snop  }
0x5: {  	_ = 	snop  }
0x6: {  	_ = 	snop  }
0x7: {  	_ = 	snop  }
__scs_overlays_trampoline_lowered:
0x8: {  	[smem:$0x3FA8] =	sst s0  }
0x9: {  	[smem:$0x3FA9] =	sst s1  }
0xa: {  	[smem:$0x3FAA] =	sst s2  }
0xb: {  	[smem:$0x3FAB] =	sst s3  }
0xc: {  	[smem:$0x3FAC] =	sst s4  }
0xd: {  	[smem:$0x3FAD] =	sst s5  }
0xe: {  	[smem:$0x3FAE] =	sst s6  }
0xf: {  	[smem:$0x3FAF] =	sst s7  }
0x10: {  	[smem:$0x3FB0] =	sst s8  }
0x11: {  	[smem:$0x3FB1] =	sst s9;
	s0 =	simm.s32 @!p0 $0x0  }
0x12: {  	s1 =	sld [smem:$0x3F97];
	s0 =	simm.s32 @p0 $0x1  }
0x13: {  	[smem:$0x3FB2] =	sst s0;
	s0 =	simm.s32 @!p1 $0x0  }
0x14: {  	s2 =	sld [smem:$0x3F96];
	s0 =	simm.s32 @p1 $0x1  }
0x15: {  	[smem:$0x3FB3] =	sst s0;
	s0 =	simm.s32 @!p2 $0x0  }
0x16: {  	s3 =	sld [smem:$0x3FDB];
	s0 =	simm.s32 @p2 $0x1  }
0x17: {  	s4 =	simm.s32 $0x1BF5;
	[smem:$0x3FB5] =	sst s0  }
0x18: {  	s0 =	sld [smem:$0x3F98];
	_ =	swait.ge [sflag:s4], $0x0  }
0x19: {  	s7 =	sld [smem:$0x3F99]  }
0x1a: {  	s8 =	sadd.s32 $0xFFFFE003, lr  }
0x1b: {  	s9 =	sadd.s32 $0xFFFFFEF7, lr;
	s5 =	simm.s32 $0xFFFFFFFF;
	p2 =	slt.u32 s8, $0xFFFFF086  }
0x1c: {  	p1 =	slt.u32 s9, $0xF7A;
	s5 =	simm.s32 @!p2 $0x0  }
0x1d: {  	s5 =	simm.s32 @p1 $0x1;
	p0 =	seq.s32 s7, s2  }
0x1e: {  	s7 =	smul.u32 @!p0 $0xF7A, s2;
	p2 =	seq.s32 @!p0 s5, $0x0  }
0x1f: {  	s9 =	smul.u32 $0xF7A, s1;
	s8 =	simm.s32 @!p0 $0x1BF5;
	p2 =	por !p2, p0  }
0x20: {  	[sflag:s8] =	ssyncset.s32 @!p0 $0xFFFFF086;
	s6 =	sadd.s32 @!p0 s3, s7;
	s7 =	simm.s32 @!p0 $0x108  }
0x21: {  	s3 =	sadd.s32 s3, s9;
	s6 =	sadd.s32 @!p0 $0x88, s6;
	s7 =	simm.s32 @p2 $0x1082  }
0x22: {  	[simem:s7], [sflag:s8] =	dma.local @!p0 [hbm:s6], $0xF7A  }
0x23: {  	s9 =	sor.u32 $0xD0000000, s2;
	s6 =	simm.s32 $0x108;
	_ =	swait.ge @!p0 [sflag:s8], $0x0  }
0x24: {  	s3 =	sadd.s32 $0x88, s3;
	s6 =	simm.s32 @!p1 $0x1082;
	[sflag:s4] =	ssyncset.s32 $0xFFFFF086  }
0x25: {  	[simem:s6], [sflag:s4] =	dma.local [hbm:s3], $0xF7A  }
0x26: {  	[smem:$0x3F99] =	sst s1;
	(tag) =	ssettag s2;
	_ =	strace s9  }
0x27: {  	s1 =	sld [smem:$0x3FA9]  }
0x28: {  	s2 =	sld [smem:$0x3FAA]  }
0x29: {  	s4 =	sld [smem:$0x3FAC]  }
0x2a: {  	p0 =	seq.s32 s5, $0x0;
	s5 =	sld [smem:$0x3FAD]  }
0x2b: {  	s6 =	sld [smem:$0x3FAE]  }
0x2c: {  	s7 =	sld [smem:$0x3FAF]  }
0x2d: {  	s3 =	simm.s32 $0x108;
	s8 =	sld [smem:$0x3FB0]  }
0x2e: {  	s3 =	simm.s32 @!p0 $0x1082;
	s9 =	sld [smem:$0x3FB1]  }
0x2f: {  	lr =	sadd.s32 s0, s3;
	s0 =	sld [smem:$0x3FA8]  }
0x30: {  	s3 =	sld [smem:$0x3FAB]  }
0x31: {  	[smem:$0x3FB4] =	sst s10  }
0x32: {  	s10 =	sld [smem:$0x3FB2];
	_ =	sdelay $0x3  }
0x33: {  	p0 =	seq.s32 s10, $0x1;
	s10 =	sld [smem:$0x3FB4];
	_ =	sdelay $0x3  }
0x34: {  	[smem:$0x3FB4] =	sst s10  }
0x35: {  	s10 =	sld [smem:$0x3FB3];
	_ =	sdelay $0x3  }
0x36: {  	p1 =	seq.s32 s10, $0x1;
	s10 =	sld [smem:$0x3FB4];
	_ =	sdelay $0x3  }
0x37: {  	[smem:$0x3FB4] =	sst s10  }
0x38: {  	s10 =	sld [smem:$0x3FB5]  }
0x39: {  	_ = 	snop;
	(pc) =	sbr.ind lr, $3  }
0x3a: {  	_ = 	snop  }
0x3b: {  	_ = 	snop  }
0x3c: {  	p2 =	seq.s32 s10, $0x1;
	s10 =	sld [smem:$0x3FB4]  }
0x3d: {  	_ =	shalt  }
0x3e: {  	_ =	shalt  }
0x3f: {  	_ =	shalt  }
0x40: {  	_ =	shalt  }
0x41: {  	_ =	shalt  }
0x42: {  	_ =	shalt  }
0x43: {  	_ =	shalt  }
0x44: {  	_ =	shalt  }
0x45: {  	_ =	shalt  }
0x46: {  	_ =	shalt  }
0x47: {  	_ =	shalt  }
0x48: {  	_ =	shalt  }
0x49: {  	_ =	shalt  }
0x4a: {  	_ =	shalt  }
0x4b: {  	_ =	shalt  }
0x4c: {  	_ =	shalt  }
0x4d: {  	_ =	shalt  }
0x4e: {  	_ =	shalt  }
0x4f: {  	_ =	shalt  }
0x50: {  	_ =	shalt  }
0x51: {  	_ =	shalt  }
0x52: {  	_ =	shalt  }
0x53: {  	_ =	shalt  }
0x54: {  	_ =	shalt  }
0x55: {  	_ =	shalt  }
0x56: {  	_ =	shalt  }
0x57: {  	_ =	shalt  }
0x58: {  	_ =	shalt  }
0x59: {  	_ =	shalt  }
0x5a: {  	_ =	shalt  }
0x5b: {  	_ =	shalt  }
0x5c: {  	_ =	shalt  }
0x5d: {  	_ =	shalt  }
0x5e: {  	_ =	shalt  }
0x5f: {  	_ =	shalt  }
0x60: {  	_ =	shalt  }
0x61: {  	_ =	shalt  }
0x62: {  	_ =	shalt  }
0x63: {  	_ =	shalt  }
0x64: {  	_ =	shalt  }
0x65: {  	_ =	shalt  }
0x66: {  	_ =	shalt  }
0x67: {  	_ =	shalt  }
0x68: {  	_ =	shalt  }
0x69: {  	_ =	shalt  }
0x6a: {  	_ =	shalt  }
0x6b: {  	_ =	shalt  }
0x6c: {  	_ =	shalt  }
0x6d: {  	_ =	shalt  }
0x6e: {  	_ =	shalt  }
0x6f: {  	_ =	shalt  }
0x70: {  	_ =	shalt  }
0x71: {  	_ =	shalt  }
0x72: {  	_ =	shalt  }
0x73: {  	_ =	shalt  }
0x74: {  	_ =	shalt  }
0x75: {  	_ =	shalt  }
0x76: {  	_ =	shalt  }
0x77: {  	_ =	shalt  }
0x78: {  	_ =	shalt  }
0x79: {  	_ =	shalt  }
0x7a: {  	_ =	shalt  }
0x7b: {  	_ =	shalt  }
0x7c: {  	_ =	shalt  }
0x7d: {  	_ =	shalt  }
0x7e: {  	_ =	shalt  }
0x7f: {  	_ =	shalt  }
0x80: {  	_ =	shalt  }
0x81: {  	_ =	shalt  }
0x82: {  	_ =	shalt  }
0x83: {  	_ =	shalt  }
0x84: {  	_ =	shalt  }
0x85: {  	_ =	shalt  }
0x86: {  	_ =	shalt  }
0x87: {  	_ =	shalt  }
.Lfunc_end0:
.L_simem_size_0:
called_computation.1_lowered:
.L_overlay_start_0:
0x88: {  	s2 =	sld [smem:$0x3FD9]  }
0x89: {  	s3 =	sld [smem:$0x3FFE];
	_ =	sdelay $0x1  }
0x8a: {  	s1 =	srdreg.scid  }
0x8b: {  	s0 =	sand.u32 $0x1, s1  }
0x8c: {  	s17 =	sshll.u32 s0, $0xA;
	s2 =	sadd.s32 s3, s2  }
0x8d: {  	s2 =	sadd.s32 s2, s17  }
0x8e: {  	[smem:$0x3FC0] =	sst s2  }
0x8f: {  	_ = 	snop  }
0x90: {  	s2 =	sld [smem:$0x3FD0];
	(tm) =	ssettm $0x1  }
0x91: {  	s18 =	sld [smem:$0x3FFB];
	_ =	sdelay $0x3  }
0x92: {  	_ =	strace s18  }
0x93: {  	s3 =	sld [smem:$0x3FFC];
	_ =	sdelay $0x3  }
0x94: {  	_ =	strace s3  }
0x95: {  	s3 =	sld [smem:$0x3FFD];
	_ =	sdelay $0x3  }
0x96: {  	_ =	strace s3  }
0x97: {  	_ =	strace $0x8FFFFFFF  }
0x98: {  	s19 =	sld [smem:$0x3FDB];
	_ =	sdelay $0x1  }
0x99: {  	s4 =	simm.s32 $_scs_section_size  }
0x9a: {  	s5 =	simm.s32 $_size__tile_overlayer_lowered;
	s6 =	simm.s32 $_tile_overlayer_lowered  }
0x9b: {  	s22 =	simm.s32 $0x1BFF;
	s21 =	sshll.u32 s6, $0x1;
	s3 =	sadd.s32 s4, s19  }
0x9c: {  	s7 =	simm.s32 $0x0;
	s20 =	sshll.u32 s5, $0x1;
	s5 =	sadd.s32 s21, s3  }
0x9d: {  	[timem:s7], [sflag:s22] =	dma.local [hbm:s5], s20  }
0x9e: {  	_ =	swait.ge [sflag:s22], s20  }
0x9f: {  	s4 =	ssub.s32 $0x0, s20;
	[sflag:s22] =	ssyncset.done $0x0  }
0xa0: {  	[sflag:s22] =	ssyncadd.s32 s4;
	_ =	sdelay $0x1  }
0xa1: {  	s23 =	simm.s32 $0x1B8B  }
0xa2: {  	_ =	swait.ge [sflag:s23], $0x1  }
0xa3: {  	[sflag:s23] =	ssyncset.done $0x0  }
0xa4: {  	s25 =	simm.s32 $0x1B8E;
	s24 =	sld [smem:$0x3FFE];
	[sflag:s23] =	ssyncadd.s32 $0xFFFFFFFF  }
0xa5: {  	s26 =	simm.s32 $execute0_lowered;
	[smem:$0x3FD2] =	sst s25  }
0xa6: {  	s5 =	sshll.u32 s26, $0x1;
	_ =	strace $0x80000049;
	[dreg:$0x1] =	wrdreg $0xFFFFFFFF  }
0xa7: {  	s28 =	simm.s32 $_size_execute0_lowered;
	s3 =	sadd.s32 s3, s5;
	[dreg:$0x0] =	wrdreg $0x0  }
0xa8: {  	s5 =	sshll.u32 s28, $0x1;
	[dreg:$0x2] =	wrdreg s3  }
0xa9: {  	[dreg:$0x3] =	wrdreg s5  }
0xaa: {  	[dreg:$0x4] =	wrdreg $0xC0  }
0xab: {  	_ =	task [dreg:s7], $0x5FFFF  }
0xac: {  	[dreg:$0x1] =	wrdreg $0xFFFFFFFF  }
0xad: {  	[dreg:$0x0] =	wrdreg $0x60  }
0xae: {  	[dreg:$0x2] =	wrdreg s2  }
0xaf: {  	[dreg:$0x3] =	wrdreg s24  }
0xb0: {  	[dreg:$0x4] =	wrdreg $0x123000  }
0xb1: {  	[dreg:$0x5] =	wrdreg $0x9  }
0xb2: {  	_ =	task.clear_ibuf [dreg:s7], $0x6FFFF;
	_ =	strace $0x90000049  }
0xb3: {  	s29 =	simm.s32 $0x9;
	_ =	strace $0x8000004B  }
0xb4: {  	_ =	swait.ge [sflag:s29], $0x1  }
0xb5: {  	[sflag:s29] =	ssyncadd.s32 $0xFFFFFFFF  }
0xb6: {  	_ =	strace $0x9000004B  }
0xb7: {  	_ =	sfence  }
0xb8: {  	s30 =	sld [smem:$0x0];
	_ =	sdelay $0x2  }
0xb9: {  	s31 =	sshll.u32 s1, $0xD;
	s1 =	sshrl.u32 s1, $0x2  }
0xba: {  	s3 =	sand.u32 $0x4000, s31;
	s1 =	sadd.s32 s1, s30  }
0xbb: {  	s0 =	sor.u32 s3, s0;
	s1 =	sshll.u32 s1, $0x11  }
0xbc: {  	s0 =	sor.u32 s1, s0  }
0xbd: {  	s0 =	sadd.s32 $0x8F2B, s0  }
0xbe: {  	[sflag:s0] =	ssyncadd.remote.s32 $0x1  }
0xbf: {  	_ =	sfence.sel $0xFFFF  }
0xc0: {  	[dreg:$0x0] =	wrdreg $0xFFFFFFFF;
	(pc) =	sbr.abs _section_cstart, $3  }
0xc1: {  	[dreg:$0x1] =	wrdreg $0xFFFFFFFF  }
0xc2: {  	_ =	task.clear_ibuf [dreg:s7], $0x2FFFF;
	_ =	strace $0x9FFFFFFF  }
0xc3: {  	(tm) =	ssettm $0x7FFFFFFF  }
tec
execute0_lowered:
.L_overlay_start_1:
0x0: {  	(tag) =	ssettag $0x1  }
0x1: {  	s2 =	rddreg [dreg:$0x0]  }
0x2: {  	s0 =	rddreg [dreg:$0x1]  }
0x3: {  	s3 =	rddreg [dreg:$0x2];
	s11 =	stileid.u32  }
0x4: {  	s4 =	simm.s32 $0x0;
	s5 =	srdreg.scid;
	s1 =	smul.u32 $0xA00, s11  }
0x5: {  	s28 =	simm.s32 $0x1;
	s29 =	simm.s32 $0x2;
	s8 =	smul.u32 $0x280, s11  }
0x6: {  	s30 =	simm.s32 $0x3;
	s31 =	simm.s32 $0x4;
	s6 =	smul.u32 $0x28000, s11  }
0x7: {  	[smem:$0x7FF] =	sst s4;
	s20 =	sand.u32 $0x1, s5;
	s11 =	smul.u32 $0x14000, s11  }
0x8: {  	_ =	strace $0x8000004A;
	s5 =	ssub.s32 $0x2, s20;
	s18 =	sshll.u32 s20, $0x6  }
0x9: {  	s1 =	sadd.s32 s1, s0;
	s0 =	sadd.s32 $0x16200, s0;
	s7 =	sshrl.u32 s5, $0x1  }
0xa: {  	s6 =	sshrl.u32 s6, $0x2;
	s10 =	sadd.s32 $0x80, s8;
	s14 =	sadd.s32 $0x100, s8  }
0xb: {  	s15 =	sadd.s32 $0x180, s8;
	s16 =	sadd.s32 $0x200, s8;
	s13 =	sor.u32 s18, s11  }
0xc: {  	s17 =	ssub.s32 s5, s7;
	s5 =	sadd.s32 s6, s3;
	s7 =	sshll.u32 s10, $0x6  }
0xd: {  	s9 =	sshll.u32 s14, $0x6;
	s12 =	sshll.u32 s16, $0x6;
	s11 =	sadd.s32 $0xC200, s1  }
0xe: {  	s13 =	sshrl.u32 s13, $0x3;
	s21 =	sshll.u32 s14, $0x7;
	s22 =	sshll.u32 s15, $0x7  }
0xf: {  	s23 =	sshll.u32 s16, $0x7;
	s6 =	sadd.s32 s7, s3;
	s7 =	sadd.s32 s9, s3  }
0x10: {  	s9 =	sshll.u32 s15, $0x6;
	s24 =	sor.u32 s18, s22;
	s15 =	sor.u32 s18, s23  }
0x11: {  	s17 =	smax.u32 s17, $0x1;
	s22 =	simm.s32 $0xC000;
	s23 =	simm.s32 $0x9F80  }
0x12: {  	s8 =	sadd.s32 s9, s3;
	s9 =	sadd.s32 s12, s3;
	s12 =	sshll.u32 s10, $0x7  }
0x13: {  	s10 =	sadd.s32 $0x2200, s1;
	s1 =	sor.u32 s18, s21;
	s25 =	sshrl.u32 s24, $0x3  }
0x14: {  	s26 =	sshrl.u32 s15, $0x3;
	s21 =	simm.s32 $0x80;
	s24 =	simm.s32 $0xE000  }
0x15: {  	s12 =	sor.u32 s18, s12;
	s1 =	sshrl.u32 s1, $0x3;
	s15 =	sadd.s32 s0, s25  }
0x16: {  	s16 =	sadd.s32 s0, s26;
	s18 =	simm.s32 $0xA000;
	s26 =	simm.s32 $0x10000  }
0x17: {  	s25 =	simm.s32 $0x40;
	s19 =	sshrl.u32 s12, $0x3;
	s12 =	sadd.s32 s0, s13  }
0x18: {  	v1 =	vimm.f32 $0.0e+00;
	v2 =	vimm.f32 $1.000000000e+00;
	v0 =	vmov s20;
	s14 =	sadd.s32 s0, s1;
	s13 =	sadd.s32 s0, s19;
	s19 =	simm.s32 $0x5  }
.LBB2_1:
0x19: {  	s1 =	simm.s32 $0x100;
	s0 =	simm.s32 $0x0  }
.LBB2_2:
0x1a: {  	p0 =	sne.s32 s1, $0x7F00;
	[tilespmem:s0+$0xA030] =	vst v1;
	s20 =	smov.u32 s1;
	s1 =	sadd.s32 $0x100, s1  }
.Ltmp0:
0x1b: {  	[tilespmem:s0+$0xA020] =	vst v1;
	(pc) =	sbr.rel @p0 .LBB2_2-.Ltmp0, $3  }
0x1c: {  	[tilespmem:s0+$0xA000] =	vst v1  }
0x1d: {  	[tilespmem:s0+$0xA010] =	vst v1;
	_ =	sdelay $0x1  }
0x1e: {  	s0 =	sshra.s32 s20, $0x2  }
0x1f: {  	[tilespmem:s0+$0xA030] =	vst v1  }
0x20: {  	[tilespmem:s0+$0xA020] =	vst v1  }
0x21: {  	[tilespmem:s0+$0xA000] =	vst v1  }
0x22: {  	[tilespmem:s0+$0xA010] =	vst v1  }
0x23: {  	[tilespmem:$0x12080] =	vst v1  }
0x24: {  	[tilespmem:$0x12090] =	vst v1  }
0x25: {  	[tilespmem:$0x120A0] =	vst v1  }
0x26: {  	[tilespmem:$0x120B0] =	vst v1  }
0x27: {  	[tilespmem:$0x120C0] =	vst v1  }
0x28: {  	[tilespmem:$0x120D0] =	vst v1  }
0x29: {  	[tilespmem:$0x120E0] =	vst v1  }
0x2a: {  	[tilespmem:$0x120F0] =	vst v1  }
0x2b: {  	[tilespmem:$0x12100] =	vst v1  }
0x2c: {  	[tilespmem:$0x12110] =	vst v1  }
0x2d: {  	[tilespmem:$0x12120] =	vst v1  }
0x2e: {  	[tilespmem:$0x12130] =	vst v1  }
0x2f: {  	[tilespmem:$0x12140] =	vst v1  }
0x30: {  	[tilespmem:$0x12150] =	vst v1  }
0x31: {  	[tilespmem:$0x12160] =	vst v1  }
0x32: {  	[tilespmem:$0x12170] =	vst v1  }
0x33: {  	[tilespmem:$0x12180] =	vst v1  }
0x34: {  	[tilespmem:$0x12190] =	vst v1  }
0x35: {  	[tilespmem:$0x121A0] =	vst v1  }
0x36: {  	[tilespmem:$0x121B0] =	vst v1  }
0x37: {  	[tilespmem:$0x121C0] =	vst v1  }
0x38: {  	[tilespmem:$0x121D0] =	vst v1  }
0x39: {  	[tilespmem:$0x121E0] =	vst v1  }
0x3a: {  	[tilespmem:$0x121F0] =	vst v1  }
0x3b: {  	[tilespmem:$0x12200] =	vst v1  }
0x3c: {  	[tilespmem:$0x12210] =	vst v1  }
0x3d: {  	[tilespmem:$0x12220] =	vst v1  }
0x3e: {  	[tilespmem:$0x12230] =	vst v1  }
0x3f: {  	[tilespmem:$0x12240] =	vst v1  }
0x40: {  	[tilespmem:$0x12250] =	vst v1  }
0x41: {  	[tilespmem:$0x12260] =	vst v1  }
0x42: {  	[tilespmem:$0x12270] =	vst v1  }
0x43: {  	[tilespmem:$0x12280] =	vst v1  }
0x44: {  	[tilespmem:$0x12290] =	vst v1  }
0x45: {  	[tilespmem:$0x122A0] =	vst v1  }
0x46: {  	[tilespmem:$0x122B0] =	vst v1  }
0x47: {  	[tilespmem:$0x122C0] =	vst v1  }
0x48: {  	[tilespmem:$0x122D0] =	vst v1  }
0x49: {  	[tilespmem:$0x122E0] =	vst v1  }
0x4a: {  	[tilespmem:$0x122F0] =	vst v1  }
0x4b: {  	[tilespmem:$0x12000] =	vst v2  }
0x4c: {  	[tilespmem:$0x12010] =	vst v2  }
0x4d: {  	[tilespmem:$0x12020] =	vst v2  }
0x4e: {  	[tilespmem:$0x12030] =	vst v2  }
0x4f: {  	[tilespmem:$0x12040] =	vst v2  }
0x50: {  	[tilespmem:$0x12050] =	vst v2  }
0x51: {  	[tilespmem:$0x12060] =	vst v2  }
0x52: {  	[tilespmem:$0x12070] =	vst v2  }
0x53: {  	[spmem:s5] =	stream.linear.scatter [tilespmem:s18], [sflag:$0x5], $0x2000, $0x38;
	[tilespmem:$0x1C300] =	vst v63  }
0x54: {  	_ =	swait.ge [sflag:s19], $0x2000  }
0x55: {  	[sflag:s19] =	ssyncset.done $0x0  }
0x56: {  	[sflag:s19] =	ssyncadd.s32 $0xFFFFE000  }
0x57: {  	[spmem:s6] =	stream.linear.scatter [tilespmem:s18], [sflag:$0x5], $0x2000, $0x38;
	[tilespmem:$0x1C300] =	vst v63  }
0x58: {  	_ =	swait.ge [sflag:s19], $0x2000  }
0x59: {  	[sflag:s19] =	ssyncset.done $0x0  }
0x5a: {  	[sflag:s19] =	ssyncadd.s32 $0xFFFFE000  }
0x5b: {  	[spmem:s7] =	stream.linear.scatter [tilespmem:s18], [sflag:$0x5], $0x2000, $0x38;
	[tilespmem:$0x1C300] =	vst v63  }
0x5c: {  	_ =	swait.ge [sflag:s19], $0x2000  }
0x5d: {  	[sflag:s19] =	ssyncset.done $0x0  }
0x5e: {  	[sflag:s19] =	ssyncadd.s32 $0xFFFFE000  }
0x5f: {  	[spmem:s8] =	stream.linear.scatter [tilespmem:s18], [sflag:$0x5], $0x2000, $0x38;
	[tilespmem:$0x1C300] =	vst v63  }
0x60: {  	_ =	swait.ge [sflag:s19], $0x2000  }
0x61: {  	[sflag:s19] =	ssyncset.done $0x0  }
0x62: {  	[sflag:s19] =	ssyncadd.s32 $0xFFFFE000  }
0x63: {  	[spmem:s9] =	stream.linear.scatter [tilespmem:s18], [sflag:$0x5], $0x2000, $0x38;
	[tilespmem:$0x1C300] =	vst v63  }
0x64: {  	_ =	swait.ge [sflag:s19], $0x2000  }
0x65: {  	[sflag:s19] =	ssyncset.done $0x0  }
0x66: {  	[sflag:s19] =	ssyncadd.s32 $0xFFFFE000  }
0x67: {  	s20 =	simm.s32 $0x0;
	[bflag:$0x0] =	sbarrier.arrive $0xFFFF  }
0x68: {  	[tilespmem:s20], [sflag:$0x5] =	stream.linear.gather [hbm4b:s10+s20], $0x5000, $0x38;
	[tilespmem:$0x1C300] =	vst v63  }
0x69: {  	_ =	swait.ge [sflag:s19], $0x5000  }
0x6a: {  	[sflag:s19] =	ssyncset.done $0x0  }
0x6b: {  	s1 =	simm.s32 $0x5000;
	[sflag:s19] =	ssyncadd.s32 $0xFFFFB000  }
0x6c: {  	[tilespmem:s1], [sflag:$0x5] =	stream.linear.gather [hbm4b:s11+s20], $0x5000, $0x38;
	[tilespmem:$0x1C300] =	vst v63  }
0x6d: {  	_ =	swait.ge [sflag:s19], $0x5000  }
0x6e: {  	[sflag:s19] =	ssyncset.done $0x0  }
0x6f: {  	s0 =	simm.s32 $0x0;
	[sflag:s19] =	ssyncadd.s32 $0xFFFFB000  }
0x70: {  	v4 =	vld [tilespmem:s0+$0x0]  }
0x71: {  	v5 =	vld [tilespmem:s0+$0x10]  }
0x72: {  	v7 =	vld [tilespmem:s0+$0x20]  }
0x73: {  	v6 =	vld [tilespmem:s0+$0x30]  }
0x74: {  	v3 =	vld [tilespmem:s0+$0x40]  }
0x75: {  	v8 =	vshll.u32 v4, $0x1;
	v4 =	vld [tilespmem:s0+$0x50]  }
0x76: {  	s1 =	simm.s32 $0x200;
	v9 =	vshll.u32 v5, $0x1;
	v5 =	vld [tilespmem:s0+$0x60];
	v8 =	vor.u32 v0, v8  }
.LBB2_4:
0x77: {  	s20 =	sshra.s32 s1, $0x2;
	p0 =	sne.s32 s1, $0x13E00;
	[tilespmem:s0+$0x0] =	vst v8;
	v8 =	vor.u32 v0, v9;
	v7 =	vshll.u32 v7, $0x1;
	v9 =	vld [tilespmem:s0+$0x70]  }
0x78: {  	v10 =	vld [tilespmem:s20+$0x0];
	[tilespmem:s0+$0x10] =	vst v8;
	v7 =	vor.u32 v0, v7;
	v6 =	vshll.u32 v6, $0x1  }
0x79: {  	v11 =	vld [tilespmem:s20+$0x10];
	[tilespmem:s0+$0x20] =	vst v7;
	v6 =	vor.u32 v0, v6;
	v3 =	vshll.u32 v3, $0x1  }
.Ltmp1:
0x7a: {  	v7 =	vld [tilespmem:s20+$0x20];
	[tilespmem:s0+$0x30] =	vst v6;
	v3 =	vor.u32 v0, v3;
	v4 =	vshll.u32 v4, $0x1;
	(pc) =	sbr.rel @p0 .LBB2_4-.Ltmp1, $4  }
0x7b: {  	v6 =	vld [tilespmem:s20+$0x30];
	[tilespmem:s0+$0x40] =	vst v3;
	v4 =	vor.u32 v0, v4;
	v5 =	vshll.u32 v5, $0x1  }
0x7c: {  	v3 =	vld [tilespmem:s20+$0x40];
	[tilespmem:s0+$0x50] =	vst v4;
	v5 =	vor.u32 v0, v5;
	v8 =	vshll.u32 v9, $0x1  }
0x7d: {  	v9 =	vshll.u32 v10, $0x1;
	v4 =	vld [tilespmem:s20+$0x50];
	[tilespmem:s0+$0x60] =	vst v5;
	v10 =	vor.u32 v0, v8  }
0x7e: {  	s1 =	sadd.s32 $0x200, s1;
	v8 =	vor.u32 v0, v9;
	v9 =	vshll.u32 v11, $0x1;
	v5 =	vld [tilespmem:s20+$0x60];
	[tilespmem:s0+$0x70] =	vst v10;
	s0 =	smov.u32 s20  }
0x7f: {  	[tilespmem:s0+$0x0] =	vst v8;
	v60 =	vor.u32 v0, v9;
	v7 =	vshll.u32 v7, $0x1;
	v61 =	vld [tilespmem:s0+$0x70]  }
0x80: {  	[tilespmem:s0+$0x10] =	vst v60;
	v7 =	vor.u32 v0, v7;
	v6 =	vshll.u32 v6, $0x1  }
0x81: {  	[tilespmem:s0+$0x20] =	vst v7;
	v6 =	vor.u32 v0, v6;
	v3 =	vshll.u32 v3, $0x1  }
0x82: {  	[tilespmem:s0+$0x30] =	vst v6;
	v3 =	vor.u32 v0, v3;
	v4 =	vshll.u32 v4, $0x1  }
0x83: {  	[tilespmem:s0+$0x40] =	vst v3;
	v3 =	vor.u32 v0, v4;
	v62 =	vshll.u32 v5, $0x1  }
0x84: {  	[tilespmem:s0+$0x50] =	vst v3;
	v3 =	vor.u32 v0, v62;
	v63 =	vshll.u32 v61, $0x1  }
0x85: {  	[tilespmem:s0+$0x60] =	vst v3;
	v3 =	vor.u32 v0, v63  }
0x86: {  	s1 =	simm.s32 $0x0;
	[tilespmem:s0+$0x70] =	vst v3  }
0x87: {  	[tilespmem:s18], [sflag:$0x1] =	stream.indirect.gather [hbm4b:s2+s21], $0x40, s1, s21, $0xb8;
	[tilespmem:$0x1C300] =	vst v63  }
0x88: {  	_ = 	snop  }
0x89: {  	[tilespmem:s22], [sflag:$0x2] =	stream.indirect.gather [hbm4b:s2+s21], $0x40, s21, s21, $0xb8;
	[tilespmem:$0x1C300] =	vst v63  }
0x8a: {  	s20 =	simm.s32 $0x100  }
0x8b: {  	[tilespmem:s24], [sflag:$0x3] =	stream.indirect.gather [hbm4b:s2+s21], $0x40, s20, s21, $0xb8;
	[tilespmem:$0x1C300] =	vst v63  }
0x8c: {  	s1 =	simm.s32 $0x180  }
0x8d: {  	[tilespmem:s26], [sflag:$0x4] =	stream.indirect.gather [hbm4b:s2+s21], $0x40, s1, s21, $0xb8;
	[tilespmem:$0x1C300] =	vst v63  }
0x8e: {  	_ =	swait.ge [sflag:s28], $0x2000  }
0x8f: {  	[sflag:s28] =	ssyncset.done $0x0  }
0x90: {  	s20 =	simm.s32 $0x5000;
	[sflag:s28] =	ssyncadd.s32 $0xFFFFE000  }
0x91: {  	[spmem:s3] =	stream.indirect.scatter.add.f32 [tilespmem:s18], [sflag:$0x5], $0x40, s20, s21, $0xb8;
	[tilespmem:$0x1C300] =	vst v63  }
0x92: {  	_ =	swait.ge [sflag:s19], $0x2000  }
0x93: {  	[sflag:s19] =	ssyncset.done $0x0  }
0x94: {  	s1 =	simm.s32 $0x200;
	[sflag:s19] =	ssyncadd.s32 $0xFFFFE000  }
0x95: {  	[tilespmem:s18], [sflag:$0x1] =	stream.indirect.gather [hbm4b:s2+s21], $0x40, s1, s21, $0xb8;
	[tilespmem:$0x1C300] =	vst v63  }
0x96: {  	_ =	swait.ge [sflag:s29], $0x2000  }
0x97: {  	[sflag:s29] =	ssyncset.done $0x0  }
0x98: {  	s20 =	simm.s32 $0x5080;
	[sflag:s29] =	ssyncadd.s32 $0xFFFFE000  }
0x99: {  	[spmem:s3] =	stream.indirect.scatter.add.f32 [tilespmem:s22], [sflag:$0x5], $0x40, s20, s21, $0xb8;
	[tilespmem:$0x1C300] =	vst v63  }
0x9a: {  	_ =	swait.ge [sflag:s19], $0x2000  }
0x9b: {  	[sflag:s19] =	ssyncset.done $0x0  }
0x9c: {  	s1 =	simm.s32 $0x280;
	[sflag:s19] =	ssyncadd.s32 $0xFFFFE000  }
0x9d: {  	[tilespmem:s22], [sflag:$0x2] =	stream.indirect.gather [hbm4b:s2+s21], $0x40, s1, s21, $0xb8;
	[tilespmem:$0x1C300] =	vst v63  }
0x9e: {  	_ =	swait.ge [sflag:s30], $0x2000  }
0x9f: {  	[sflag:s30] =	ssyncset.done $0x0  }
0xa0: {  	s20 =	simm.s32 $0x5100;
	[sflag:s30] =	ssyncadd.s32 $0xFFFFE000  }
0xa1: {  	[spmem:s3] =	stream.indirect.scatter.add.f32 [tilespmem:s24], [sflag:$0x5], $0x40, s20, s21, $0xb8;
	[tilespmem:$0x1C300] =	vst v63  }
0xa2: {  	_ =	swait.ge [sflag:s19], $0x2000  }
0xa3: {  	[sflag:s19] =	ssyncset.done $0x0  }
0xa4: {  	s1 =	simm.s32 $0x300;
	[sflag:s19] =	ssyncadd.s32 $0xFFFFE000  }
0xa5: {  	[tilespmem:s24], [sflag:$0x3] =	stream.indirect.gather [hbm4b:s2+s21], $0x40, s1, s21, $0xb8;
	[tilespmem:$0x1C300] =	vst v63  }
0xa6: {  	_ =	swait.ge [sflag:s31], $0x2000  }
0xa7: {  	[sflag:s31] =	ssyncset.done $0x0  }
0xa8: {  	s20 =	simm.s32 $0x5180;
	[sflag:s31] =	ssyncadd.s32 $0xFFFFE000  }
0xa9: {  	[spmem:s3] =	stream.indirect.scatter.add.f32 [tilespmem:s26], [sflag:$0x5], $0x40, s20, s21, $0xb8;
	[tilespmem:$0x1C300] =	vst v63  }
0xaa: {  	_ =	swait.ge [sflag:s19], $0x2000  }
0xab: {  	[sflag:s19] =	ssyncset.done $0x0  }
0xac: {  	s0 =	simm.s32 $0x800;
	s1 =	simm.s32 $0x380;
	[sflag:s19] =	ssyncadd.s32 $0xFFFFE000  }
.LBB2_6:
0xad: {  	[tilespmem:s26], [sflag:$0x4] =	stream.indirect.gather [hbm4b:s2+s21], $0x40, s1, s21, $0xb8;
	[tilespmem:$0x1C300] =	vst v63  }
0xae: {  	s1 =	smov.u32 s0  }
0xaf: {  	p0 =	sne.s32 s0, $0x13000;
	s0 =	sadd.s32 $0x800, s0;
	_ =	swait.ge [sflag:s28], $0x2000  }
0xb0: {  	s1 =	sshra.s32 s1, $0x2;
	[sflag:s28] =	ssyncset.done $0x0  }
0xb1: {  	s20 =	sadd.s32 $0x5000, s1;
	[sflag:s28] =	ssyncadd.s32 $0xFFFFE000  }
0xb2: {  	[spmem:s3] =	stream.indirect.scatter.add.f32 [tilespmem:s18], [sflag:$0x5], $0x40, s20, s21, $0xb8;
	[tilespmem:$0x1C300] =	vst v63  }
0xb3: {  	_ =	swait.ge [sflag:s19], $0x2000  }
0xb4: {  	[sflag:s19] =	ssyncset.done $0x0  }
0xb5: {  	s20 =	sadd.s32 $0x200, s1;
	[sflag:s19] =	ssyncadd.s32 $0xFFFFE000  }
0xb6: {  	[tilespmem:s18], [sflag:$0x1] =	stream.indirect.gather [hbm4b:s2+s21], $0x40, s20, s21, $0xb8;
	[tilespmem:$0x1C300] =	vst v63  }
0xb7: {  	_ =	swait.ge [sflag:s29], $0x2000  }
0xb8: {  	[sflag:s29] =	ssyncset.done $0x0  }
0xb9: {  	s20 =	sadd.s32 $0x5080, s1;
	[sflag:s29] =	ssyncadd.s32 $0xFFFFE000  }
0xba: {  	[spmem:s3] =	stream.indirect.scatter.add.f32 [tilespmem:s22], [sflag:$0x5], $0x40, s20, s21, $0xb8;
	[tilespmem:$0x1C300] =	vst v63  }
0xbb: {  	_ =	swait.ge [sflag:s19], $0x2000  }
0xbc: {  	[sflag:s19] =	ssyncset.done $0x0  }
0xbd: {  	s20 =	sadd.s32 $0x280, s1;
	[sflag:s19] =	ssyncadd.s32 $0xFFFFE000  }
0xbe: {  	[tilespmem:s22], [sflag:$0x2] =	stream.indirect.gather [hbm4b:s2+s21], $0x40, s20, s21, $0xb8;
	[tilespmem:$0x1C300] =	vst v63  }
0xbf: {  	_ =	swait.ge [sflag:s30], $0x2000  }
0xc0: {  	[sflag:s30] =	ssyncset.done $0x0  }
0xc1: {  	s20 =	sadd.s32 $0x5100, s1;
	[sflag:s30] =	ssyncadd.s32 $0xFFFFE000  }
0xc2: {  	[spmem:s3] =	stream.indirect.scatter.add.f32 [tilespmem:s24], [sflag:$0x5], $0x40, s20, s21, $0xb8;
	[tilespmem:$0x1C300] =	vst v63  }
0xc3: {  	_ =	swait.ge [sflag:s19], $0x2000  }
0xc4: {  	[sflag:s19] =	ssyncset.done $0x0  }
0xc5: {  	s20 =	sadd.s32 $0x300, s1;
	[sflag:s19] =	ssyncadd.s32 $0xFFFFE000  }
0xc6: {  	[tilespmem:s24], [sflag:$0x3] =	stream.indirect.gather [hbm4b:s2+s21], $0x40, s20, s21, $0xb8;
	[tilespmem:$0x1C300] =	vst v63  }
0xc7: {  	_ =	swait.ge [sflag:s31], $0x2000  }
0xc8: {  	[sflag:s31] =	ssyncset.done $0x0  }
.Ltmp2:
0xc9: {  	s20 =	sadd.s32 $0x5180, s1;
	[sflag:s31] =	ssyncadd.s32 $0xFFFFE000;
	(pc) =	sbr.rel @p0 .LBB2_6-.Ltmp2, $4  }
0xca: {  	[spmem:s3] =	stream.indirect.scatter.add.f32 [tilespmem:s26], [sflag:$0x5], $0x40, s20, s21, $0xb8;
	[tilespmem:$0x1C300] =	vst v63  }
0xcb: {  	_ =	swait.ge [sflag:s19], $0x2000  }
0xcc: {  	[sflag:s19] =	ssyncset.done $0x0  }
0xcd: {  	s1 =	sadd.s32 $0x380, s1;
	[sflag:s19] =	ssyncadd.s32 $0xFFFFE000  }
0xce: {  	[tilespmem:s26], [sflag:$0x4] =	stream.indirect.gather [hbm4b:s2+s21], $0x40, s1, s21, $0xb8;
	[tilespmem:$0x1C300] =	vst v63  }
0xcf: {  	_ =	swait.ge [sflag:s28], $0x2000  }
0xd0: {  	[sflag:s28] =	ssyncset.done $0x0  }
0xd1: {  	s0 =	simm.s32 $0x9E00;
	[sflag:s28] =	ssyncadd.s32 $0xFFFFE000  }
0xd2: {  	[spmem:s3] =	stream.indirect.scatter.add.f32 [tilespmem:s18], [sflag:$0x5], $0x40, s0, s21, $0xb8;
	[tilespmem:$0x1C300] =	vst v63  }
0xd3: {  	_ =	swait.ge [sflag:s19], $0x2000  }
0xd4: {  	[sflag:s19] =	ssyncset.done $0x0  }
0xd5: {  	[sflag:s19] =	ssyncadd.s32 $0xFFFFE000  }
0xd6: {  	_ =	swait.ge [sflag:s29], $0x2000  }
0xd7: {  	[sflag:s29] =	ssyncset.done $0x0  }
0xd8: {  	s1 =	simm.s32 $0x9E80;
	[sflag:s29] =	ssyncadd.s32 $0xFFFFE000  }
0xd9: {  	[spmem:s3] =	stream.indirect.scatter.add.f32 [tilespmem:s22], [sflag:$0x5], $0x40, s1, s21, $0xb8;
	[tilespmem:$0x1C300] =	vst v63  }
0xda: {  	_ =	swait.ge [sflag:s19], $0x2000  }
0xdb: {  	[sflag:s19] =	ssyncset.done $0x0  }
0xdc: {  	[sflag:s19] =	ssyncadd.s32 $0xFFFFE000  }
0xdd: {  	_ =	swait.ge [sflag:s30], $0x2000  }
0xde: {  	[sflag:s30] =	ssyncset.done $0x0  }
0xdf: {  	s20 =	simm.s32 $0x9F00;
	[sflag:s30] =	ssyncadd.s32 $0xFFFFE000  }
0xe0: {  	[spmem:s3] =	stream.indirect.scatter.add.f32 [tilespmem:s24], [sflag:$0x5], $0x40, s20, s21, $0xb8;
	[tilespmem:$0x1C300] =	vst v63  }
0xe1: {  	_ =	swait.ge [sflag:s19], $0x2000  }
0xe2: {  	[sflag:s19] =	ssyncset.done $0x0  }
0xe3: {  	[sflag:s19] =	ssyncadd.s32 $0xFFFFE000  }
0xe4: {  	_ =	swait.ge [sflag:s31], $0x2000  }
0xe5: {  	[sflag:s31] =	ssyncset.done $0x0  }
0xe6: {  	[sflag:s31] =	ssyncadd.s32 $0xFFFFE000  }
0xe7: {  	[spmem:s3] =	stream.indirect.scatter.add.f32 [tilespmem:s26], [sflag:$0x5], $0x40, s23, s21, $0xb8;
	[tilespmem:$0x1C300] =	vst v63  }
0xe8: {  	_ =	swait.ge [sflag:s19], $0x2000  }
0xe9: {  	[sflag:s19] =	ssyncset.done $0x0  }
0xea: {  	[sflag:s19] =	ssyncadd.s32 $0xFFFFE000  }
0xeb: {  	[bflag:$0x0] =	sbarrier.arrive $0xFFFF  }
0xec: {  	[tilespmem:s18], [sflag:$0x5] =	stream.linear.gather [spmem:s5], $0x2000, $0x38;
	[tilespmem:$0x1C300] =	vst v63  }
0xed: {  	_ =	swait.ge [sflag:s19], $0x2000  }
0xee: {  	[sflag:s19] =	ssyncset.done $0x0  }
0xef: {  	[sflag:s19] =	ssyncadd.s32 $0xFFFFE000  }
0xf0: {  	[hbm4b:s12+s25] =	stream.strided.scatter [tilespmem:s18], [sflag:$0x5], $0x2000, s21, s25, $0x38;
	[tilespmem:$0x1C300] =	vst v63  }
0xf1: {  	_ =	swait.ge [sflag:s19], $0x2000  }
0xf2: {  	[sflag:s19] =	ssyncset.done $0x0  }
0xf3: {  	[sflag:s19] =	ssyncadd.s32 $0xFFFFE000  }
0xf4: {  	[tilespmem:s18], [sflag:$0x5] =	stream.linear.gather [spmem:s6], $0x2000, $0x38;
	[tilespmem:$0x1C300] =	vst v63  }
0xf5: {  	_ =	swait.ge [sflag:s19], $0x2000  }
0xf6: {  	[sflag:s19] =	ssyncset.done $0x0  }
0xf7: {  	[sflag:s19] =	ssyncadd.s32 $0xFFFFE000  }
0xf8: {  	[hbm4b:s13+s25] =	stream.strided.scatter [tilespmem:s18], [sflag:$0x5], $0x2000, s21, s25, $0x38;
	[tilespmem:$0x1C300] =	vst v63  }
0xf9: {  	_ =	swait.ge [sflag:s19], $0x2000  }
0xfa: {  	[sflag:s19] =	ssyncset.done $0x0  }
0xfb: {  	[sflag:s19] =	ssyncadd.s32 $0xFFFFE000  }
0xfc: {  	[tilespmem:s18], [sflag:$0x5] =	stream.linear.gather [spmem:s7], $0x2000, $0x38;
	[tilespmem:$0x1C300] =	vst v63  }
0xfd: {  	_ =	swait.ge [sflag:s19], $0x2000  }
0xfe: {  	[sflag:s19] =	ssyncset.done $0x0  }
0xff: {  	[sflag:s19] =	ssyncadd.s32 $0xFFFFE000  }
0x100: {  	[hbm4b:s14+s25] =	stream.strided.scatter [tilespmem:s18], [sflag:$0x5], $0x2000, s21, s25, $0x38;
	[tilespmem:$0x1C300] =	vst v63  }
0x101: {  	_ =	swait.ge [sflag:s19], $0x2000  }
0x102: {  	[sflag:s19] =	ssyncset.done $0x0  }
0x103: {  	[sflag:s19] =	ssyncadd.s32 $0xFFFFE000  }
0x104: {  	[tilespmem:s18], [sflag:$0x5] =	stream.linear.gather [spmem:s8], $0x2000, $0x38;
	[tilespmem:$0x1C300] =	vst v63  }
0x105: {  	_ =	swait.ge [sflag:s19], $0x2000  }
0x106: {  	[sflag:s19] =	ssyncset.done $0x0  }
0x107: {  	[sflag:s19] =	ssyncadd.s32 $0xFFFFE000  }
0x108: {  	[hbm4b:s15+s25] =	stream.strided.scatter [tilespmem:s18], [sflag:$0x5], $0x2000, s21, s25, $0x38;
	[tilespmem:$0x1C300] =	vst v63  }
0x109: {  	_ =	swait.ge [sflag:s19], $0x2000  }
0x10a: {  	[sflag:s19] =	ssyncset.done $0x0  }
0x10b: {  	[sflag:s19] =	ssyncadd.s32 $0xFFFFE000  }
0x10c: {  	[tilespmem:s18], [sflag:$0x5] =	stream.linear.gather [spmem:s9], $0x2000, $0x38;
	[tilespmem:$0x1C300] =	vst v63  }
0x10d: {  	s4 =	sadd.s32 $0x1, s4;
	_ =	swait.ge [sflag:s19], $0x2000  }
0x10e: {  	p0 =	sne.s32 s4, s17;
	[sflag:s19] =	ssyncset.done $0x0  }
.Ltmp3:
0x10f: {  	[sflag:s19] =	ssyncadd.s32 $0xFFFFE000;
	(pc) =	sbr.rel @p0 .LBB2_1-.Ltmp3, $4  }
0x110: {  	[hbm4b:s16+s25] =	stream.strided.scatter [tilespmem:s18], [sflag:$0x5], $0x2000, s21, s25, $0x38;
	[tilespmem:$0x1C300] =	vst v63  }
0x111: {  	_ =	swait.ge [sflag:s19], $0x2000  }
0x112: {  	[sflag:s19] =	ssyncset.done $0x0  }
0x113: {  	[sflag:s19] =	ssyncadd.s32 $0xFFFFE000  }
0x114: {  	_ =	sfence.sel $0x180000  }
0x115: {  	[bflag:$0x0] =	sbarrier.arrive $0xFFFF  }
0x116: {  	_ =	strace $0x9000004A  }
0x117: {  	s0 =	stileid.u32;
	[bflag:$0x2] =	sbarrier.arrive $0xFFFF  }
0x118: {  	p0 =	sne.s32 s0, $0x0;
	s0 =	rddreg [dreg:$0x3]  }
0x119: {  	s0 =	sadd.s32 @!p0 $0x100000, s0  }
0x11a: {  	[sflag:s0] =	ssyncadd.tile.s32 @!p0 $0x1;
	_ =	shalt  }
.Lfunc_end2:
_tile_overlayer_lowered:
.L_overlay_start_2:
0x11b: {  	(tag) =	ssettag $0x2  }
0x11c: {  	s0 =	rddreg [dreg:$0x0];
	s2 =	stileid.u32  }
0x11d: {  	s1 =	rddreg [dreg:$0x1];
	p0 =	sne.s32 s2, $0x0  }
0x11e: {  	s3 =	rddreg [dreg:$0x2];
	[bflag:$0x3] =	sbarrier.arrive $0xFFFF;
	s2 =	simm.s32 @!p0 $0x1C05  }
0x11f: {  	[timem:s3], [sflag:s2] =	dma.local @!p0 [hbm:s0], s1  }
0x120: {  	s0 =	simm.s32 @!p0 $0x5  }
0x121: {  	_ =	swait.ge @!p0 [sflag:s0], s1  }
0x122: {  	s1 =	ssub.s32 @!p0 $0x0, s1;
	[sflag:s0] =	ssyncset.done @!p0 $0x0  }
0x123: {  	[sflag:s0] =	ssyncadd.s32 @!p0 s1  }
0x124: {  	[bflag:$0x3] =	sbarrier.arrive $0xFFFF  }
0x125: {  	_ =	shalt  }

// kernel: kernel.8.cloned.1.call-start
scs
__scs_entry_jumppad:
0x0: {  	(pc) =	sbr.rel $0x88, $3  }
0x1: {  	(tag) =	ssettag $0x0;
	lr =	simm.s32 $0x1  }
0x2: {  	[smem:$0x3F99] =	sst lr;
	_ =	strace $0xD0000000  }
0x3: {  	_ = 	snop  }
0x4: {  	_ = 	snop  }
0x5: {  	_ = 	snop  }
0x6: {  	_ = 	snop  }
0x7: {  	_ = 	snop  }
__scs_overlays_trampoline_lowered:
0x8: {  	[smem:$0x3FA8] =	sst s0  }
0x9: {  	[smem:$0x3FA9] =	sst s1  }
0xa: {  	[smem:$0x3FAA] =	sst s2  }
0xb: {  	[smem:$0x3FAB] =	sst s3  }
0xc: {  	[smem:$0x3FAC] =	sst s4  }
0xd: {  	[smem:$0x3FAD] =	sst s5  }
0xe: {  	[smem:$0x3FAE] =	sst s6  }
0xf: {  	[smem:$0x3FAF] =	sst s7  }
0x10: {  	[smem:$0x3FB0] =	sst s8  }
0x11: {  	[smem:$0x3FB1] =	sst s9;
	s0 =	simm.s32 @!p0 $0x0  }
0x12: {  	s1 =	sld [smem:$0x3F97];
	s0 =	simm.s32 @p0 $0x1  }
0x13: {  	[smem:$0x3FB2] =	sst s0;
	s0 =	simm.s32 @!p1 $0x0  }
0x14: {  	s2 =	sld [smem:$0x3F96];
	s0 =	simm.s32 @p1 $0x1  }
0x15: {  	[smem:$0x3FB3] =	sst s0;
	s0 =	simm.s32 @!p2 $0x0  }
0x16: {  	s3 =	sld [smem:$0x3FDB];
	s0 =	simm.s32 @p2 $0x1  }
0x17: {  	s4 =	simm.s32 $0x1BF5;
	[smem:$0x3FB5] =	sst s0  }
0x18: {  	s0 =	sld [smem:$0x3F98];
	_ =	swait.ge [sflag:s4], $0x0  }
0x19: {  	s7 =	sld [smem:$0x3F99]  }
0x1a: {  	s8 =	sadd.s32 $0xFFFFE003, lr  }
0x1b: {  	s9 =	sadd.s32 $0xFFFFFEF7, lr;
	s5 =	simm.s32 $0xFFFFFFFF;
	p2 =	slt.u32 s8, $0xFFFFF086  }
0x1c: {  	p1 =	slt.u32 s9, $0xF7A;
	s5 =	simm.s32 @!p2 $0x0  }
0x1d: {  	s5 =	simm.s32 @p1 $0x1;
	p0 =	seq.s32 s7, s2  }
0x1e: {  	s7 =	smul.u32 @!p0 $0xF7A, s2;
	p2 =	seq.s32 @!p0 s5, $0x0  }
0x1f: {  	s9 =	smul.u32 $0xF7A, s1;
	s8 =	simm.s32 @!p0 $0x1BF5;
	p2 =	por !p2, p0  }
0x20: {  	[sflag:s8] =	ssyncset.s32 @!p0 $0xFFFFF086;
	s6 =	sadd.s32 @!p0 s3, s7;
	s7 =	simm.s32 @!p0 $0x108  }
0x21: {  	s3 =	sadd.s32 s3, s9;
	s6 =	sadd.s32 @!p0 $0x88, s6;
	s7 =	simm.s32 @p2 $0x1082  }
0x22: {  	[simem:s7], [sflag:s8] =	dma.local @!p0 [hbm:s6], $0xF7A  }
0x23: {  	s9 =	sor.u32 $0xD0000000, s2;
	s6 =	simm.s32 $0x108;
	_ =	swait.ge @!p0 [sflag:s8], $0x0  }
0x24: {  	s3 =	sadd.s32 $0x88, s3;
	s6 =	simm.s32 @!p1 $0x1082;
	[sflag:s4] =	ssyncset.s32 $0xFFFFF086  }
0x25: {  	[simem:s6], [sflag:s4] =	dma.local [hbm:s3], $0xF7A  }
0x26: {  	[smem:$0x3F99] =	sst s1;
	(tag) =	ssettag s2;
	_ =	strace s9  }
0x27: {  	s1 =	sld [smem:$0x3FA9]  }
0x28: {  	s2 =	sld [smem:$0x3FAA]  }
0x29: {  	s4 =	sld [smem:$0x3FAC]  }
0x2a: {  	p0 =	seq.s32 s5, $0x0;
	s5 =	sld [smem:$0x3FAD]  }
0x2b: {  	s6 =	sld [smem:$0x3FAE]  }
0x2c: {  	s7 =	sld [smem:$0x3FAF]  }
0x2d: {  	s3 =	simm.s32 $0x108;
	s8 =	sld [smem:$0x3FB0]  }
0x2e: {  	s3 =	simm.s32 @!p0 $0x1082;
	s9 =	sld [smem:$0x3FB1]  }
0x2f: {  	lr =	sadd.s32 s0, s3;
	s0 =	sld [smem:$0x3FA8]  }
0x30: {  	s3 =	sld [smem:$0x3FAB]  }
0x31: {  	[smem:$0x3FB4] =	sst s10  }
0x32: {  	s10 =	sld [smem:$0x3FB2];
	_ =	sdelay $0x3  }
0x33: {  	p0 =	seq.s32 s10, $0x1;
	s10 =	sld [smem:$0x3FB4];
	_ =	sdelay $0x3  }
0x34: {  	[smem:$0x3FB4] =	sst s10  }
0x35: {  	s10 =	sld [smem:$0x3FB3];
	_ =	sdelay $0x3  }
0x36: {  	p1 =	seq.s32 s10, $0x1;
	s10 =	sld [smem:$0x3FB4];
	_ =	sdelay $0x3  }
0x37: {  	[smem:$0x3FB4] =	sst s10  }
0x38: {  	s10 =	sld [smem:$0x3FB5]  }
0x39: {  	_ = 	snop;
	(pc) =	sbr.ind lr, $3  }
0x3a: {  	_ = 	snop  }
0x3b: {  	_ = 	snop  }
0x3c: {  	p2 =	seq.s32 s10, $0x1;
	s10 =	sld [smem:$0x3FB4]  }
0x3d: {  	_ =	shalt  }
0x3e: {  	_ =	shalt  }
0x3f: {  	_ =	shalt  }
0x40: {  	_ =	shalt  }
0x41: {  	_ =	shalt  }
0x42: {  	_ =	shalt  }
0x43: {  	_ =	shalt  }
0x44: {  	_ =	shalt  }
0x45: {  	_ =	shalt  }
0x46: {  	_ =	shalt  }
0x47: {  	_ =	shalt  }
0x48: {  	_ =	shalt  }
0x49: {  	_ =	shalt  }
0x4a: {  	_ =	shalt  }
0x4b: {  	_ =	shalt  }
0x4c: {  	_ =	shalt  }
0x4d: {  	_ =	shalt  }
0x4e: {  	_ =	shalt  }
0x4f: {  	_ =	shalt  }
0x50: {  	_ =	shalt  }
0x51: {  	_ =	shalt  }
0x52: {  	_ =	shalt  }
0x53: {  	_ =	shalt  }
0x54: {  	_ =	shalt  }
0x55: {  	_ =	shalt  }
0x56: {  	_ =	shalt  }
0x57: {  	_ =	shalt  }
0x58: {  	_ =	shalt  }
0x59: {  	_ =	shalt  }
0x5a: {  	_ =	shalt  }
0x5b: {  	_ =	shalt  }
0x5c: {  	_ =	shalt  }
0x5d: {  	_ =	shalt  }
0x5e: {  	_ =	shalt  }
0x5f: {  	_ =	shalt  }
0x60: {  	_ =	shalt  }
0x61: {  	_ =	shalt  }
0x62: {  	_ =	shalt  }
0x63: {  	_ =	shalt  }
0x64: {  	_ =	shalt  }
0x65: {  	_ =	shalt  }
0x66: {  	_ =	shalt  }
0x67: {  	_ =	shalt  }
0x68: {  	_ =	shalt  }
0x69: {  	_ =	shalt  }
0x6a: {  	_ =	shalt  }
0x6b: {  	_ =	shalt  }
0x6c: {  	_ =	shalt  }
0x6d: {  	_ =	shalt  }
0x6e: {  	_ =	shalt  }
0x6f: {  	_ =	shalt  }
0x70: {  	_ =	shalt  }
0x71: {  	_ =	shalt  }
0x72: {  	_ =	shalt  }
0x73: {  	_ =	shalt  }
0x74: {  	_ =	shalt  }
0x75: {  	_ =	shalt  }
0x76: {  	_ =	shalt  }
0x77: {  	_ =	shalt  }
0x78: {  	_ =	shalt  }
0x79: {  	_ =	shalt  }
0x7a: {  	_ =	shalt  }
0x7b: {  	_ =	shalt  }
0x7c: {  	_ =	shalt  }
0x7d: {  	_ =	shalt  }
0x7e: {  	_ =	shalt  }
0x7f: {  	_ =	shalt  }
0x80: {  	_ =	shalt  }
0x81: {  	_ =	shalt  }
0x82: {  	_ =	shalt  }
0x83: {  	_ =	shalt  }
0x84: {  	_ =	shalt  }
0x85: {  	_ =	shalt  }
0x86: {  	_ =	shalt  }
0x87: {  	_ =	shalt  }
.Lfunc_end0:
.L_simem_size_0:
called_computation_lowered:
.L_overlay_start_0:
0x88: {  	s2 =	sld [smem:$0x3FD9]  }
0x89: {  	s3 =	sld [smem:$0x3FFE];
	_ =	sdelay $0x1  }
0x8a: {  	s1 =	srdreg.scid  }
0x8b: {  	s0 =	sand.u32 $0x1, s1  }
0x8c: {  	s17 =	sshll.u32 s0, $0xA;
	s2 =	sadd.s32 s3, s2  }
0x8d: {  	s2 =	sadd.s32 s2, s17  }
0x8e: {  	[smem:$0x3FC0] =	sst s2  }
0x8f: {  	_ = 	snop  }
0x90: {  	s2 =	sld [smem:$0x3FC9]  }
0x91: {  	s18 =	sld [smem:$0x3FD0];
	(tm) =	ssettm $0x1  }
0x92: {  	s4 =	sld [smem:$0x3FFB];
	_ =	sdelay $0x3  }
0x93: {  	_ =	strace s4  }
0x94: {  	s4 =	sld [smem:$0x3FFC];
	_ =	sdelay $0x3  }
0x95: {  	_ =	strace s4  }
0x96: {  	s4 =	sld [smem:$0x3FFD];
	_ =	sdelay $0x3  }
0x97: {  	_ =	strace s4  }
0x98: {  	_ =	strace $0x8FFFFFFF  }
0x99: {  	s19 =	sld [smem:$0x3FDB];
	_ =	sdelay $0x1  }
0x9a: {  	s5 =	simm.s32 $_scs_section_size  }
0x9b: {  	s6 =	simm.s32 $_size__tile_overlayer_lowered;
	s7 =	simm.s32 $_tile_overlayer_lowered  }
0x9c: {  	s22 =	simm.s32 $0x1BFF;
	s21 =	sshll.u32 s7, $0x1;
	s4 =	sadd.s32 s5, s19  }
0x9d: {  	s8 =	simm.s32 $0x0;
	s20 =	sshll.u32 s6, $0x1;
	s6 =	sadd.s32 s21, s4  }
0x9e: {  	[timem:s8], [sflag:s22] =	dma.local [hbm:s6], s20  }
0x9f: {  	_ =	swait.ge [sflag:s22], s20  }
0xa0: {  	s5 =	ssub.s32 $0x0, s20;
	[sflag:s22] =	ssyncset.done $0x0  }
0xa1: {  	[sflag:s22] =	ssyncadd.s32 s5;
	_ =	sdelay $0x1  }
0xa2: {  	s23 =	simm.s32 $0x1B8B  }
0xa3: {  	_ =	swait.ge [sflag:s23], $0x1  }
0xa4: {  	[sflag:s23] =	ssyncset.done $0x0  }
0xa5: {  	s25 =	simm.s32 $0x1B8E;
	s24 =	sld [smem:$0x3FFE];
	[sflag:s23] =	ssyncadd.s32 $0xFFFFFFFF  }
0xa6: {  	s26 =	simm.s32 $execute0_lowered;
	[smem:$0x3FD2] =	sst s25  }
0xa7: {  	s6 =	sshll.u32 s26, $0x1;
	_ =	strace $0x80000046;
	[dreg:$0x1] =	wrdreg $0xFFFFFFFF  }
0xa8: {  	s28 =	simm.s32 $_size_execute0_lowered;
	s4 =	sadd.s32 s4, s6;
	[dreg:$0x0] =	wrdreg $0x0  }
0xa9: {  	s6 =	sshll.u32 s28, $0x1;
	[dreg:$0x2] =	wrdreg s4  }
0xaa: {  	[dreg:$0x3] =	wrdreg s6  }
0xab: {  	[dreg:$0x4] =	wrdreg $0xC0  }
0xac: {  	_ =	task [dreg:s8], $0x5FFFF  }
0xad: {  	[dreg:$0x1] =	wrdreg $0xFFFFFFFF  }
0xae: {  	[dreg:$0x0] =	wrdreg $0x60  }
0xaf: {  	[dreg:$0x2] =	wrdreg s2  }
0xb0: {  	[dreg:$0x3] =	wrdreg s24  }
0xb1: {  	[dreg:$0x4] =	wrdreg s18  }
0xb2: {  	[dreg:$0x5] =	wrdreg $0x123000  }
0xb3: {  	[dreg:$0x6] =	wrdreg $0x1C3000  }
0xb4: {  	[dreg:$0x7] =	wrdreg $0x9  }
0xb5: {  	_ =	task.clear_ibuf [dreg:s8], $0x8FFFF;
	_ =	strace $0x90000046  }
0xb6: {  	s29 =	simm.s32 $0x9;
	_ =	strace $0x80000048  }
0xb7: {  	_ =	swait.ge [sflag:s29], $0x1  }
0xb8: {  	[sflag:s29] =	ssyncadd.s32 $0xFFFFFFFF  }
0xb9: {  	_ =	strace $0x90000048  }
0xba: {  	_ =	sfence  }
0xbb: {  	s30 =	sld [smem:$0x0];
	_ =	sdelay $0x2  }
0xbc: {  	s31 =	sshll.u32 s1, $0xD;
	s1 =	sshrl.u32 s1, $0x2  }
0xbd: {  	s3 =	sand.u32 $0x4000, s31;
	s1 =	sadd.s32 s1, s30  }
0xbe: {  	s0 =	sor.u32 s3, s0;
	s1 =	sshll.u32 s1, $0x11  }
0xbf: {  	s0 =	sor.u32 s1, s0  }
0xc0: {  	s0 =	sadd.s32 $0x8F2B, s0  }
0xc1: {  	[sflag:s0] =	ssyncadd.remote.s32 $0x1  }
0xc2: {  	_ =	sfence.sel $0xFFFF  }
0xc3: {  	[dreg:$0x0] =	wrdreg $0xFFFFFFFF;
	(pc) =	sbr.abs _section_cstart, $3  }
0xc4: {  	[dreg:$0x1] =	wrdreg $0xFFFFFFFF  }
0xc5: {  	_ =	task.clear_ibuf [dreg:s8], $0x2FFFF;
	_ =	strace $0x9FFFFFFF  }
0xc6: {  	(tm) =	ssettm $0x7FFFFFFF  }
0xc7: {  	_ =	shalt  }
tec
execute0_lowered:
.L_overlay_start_1:
0x0: {  	(tag) =	ssettag $0x1  }
0x1: {  	s1 =	rddreg [dreg:$0x0]  }
0x2: {  	s0 =	rddreg [dreg:$0x1]  }
0x3: {  	s2 =	rddreg [dreg:$0x2]  }
0x4: {  	s3 =	rddreg [dreg:$0x3];
	s19 =	stileid.u32  }
0x5: {  	s4 =	rddreg [dreg:$0x4];
	s5 =	simm.s32 $0x0;
	s22 =	smul.u32 $0xA00, s19  }
0x6: {  	s6 =	srdreg.scid;
	s29 =	simm.s32 $0xE000;
	s13 =	smul.u32 $0x280, s19  }
0x7: {  	s31 =	simm.s32 $0x10000;
	s30 =	simm.s32 $0x0;
	s23 =	smul.u32 $0x28000, s19  }
0x8: {  	[smem:$0x7FF] =	sst s5;
	s12 =	sand.u32 $0x1, s6;
	s19 =	smul.u32 $0x14000, s19  }
0x9: {  	_ =	strace $0x80000047;
	s7 =	ssub.s32 $0x2, s12;
	p0 =	seq.s32 s12, $0x0  }
0xa: {  	s5 =	sadd.s32 s22, s0;
	s0 =	sadd.s32 $0x16200, s0;
	s14 =	sadd.s32 $0x80, s13  }
0xb: {  	s8 =	sshrl.u32 s7, $0x1;
	s6 =	sshrl.u32 s23, $0x2;
	s16 =	sadd.s32 $0x100, s13  }
0xc: {  	s17 =	sadd.s32 $0x180, s13;
	s18 =	sadd.s32 $0x200, s13;
	s26 =	sadd.s32 s13, s4  }
0xd: {  	s9 =	sshll.u32 s14, $0x6;
	s15 =	ssub.s32 s7, s8;
	s7 =	sadd.s32 s6, s3  }
0xe: {  	s24 =	sshll.u32 s16, $0x6;
	s25 =	sshll.u32 s17, $0x6;
	s10 =	sshll.u32 s18, $0x6  }
0xf: {  	[dreg:$0x7] =	wrdreg s26;
	s14 =	sshll.u32 s14, $0x7;
	s16 =	sshll.u32 s16, $0x7  }
0x10: {  	s17 =	sshll.u32 s17, $0x7;
	s18 =	sshll.u32 s18, $0x7;
	s20 =	sadd.s32 s9, s3  }
0x11: {  	s8 =	sadd.s32 s24, s3;
	s23 =	sadd.s32 s25, s3;
	s28 =	sadd.s32 s10, s3  }
0x12: {  	s9 =	sadd.s32 $0x2200, s5;
	s5 =	sadd.s32 $0xC200, s5;
	s10 =	sshll.u32 s12, $0x6  }
0x13: {  	s26 =	smax.u32 s15, $0x1;
	s15 =	simm.s32 $0x12080;
	[dreg:$0x8] =	wrdreg s9  }
0x14: {  	[dreg:$0x9] =	wrdreg s5;
	s19 =	sor.u32 s10, s19;
	s14 =	sor.u32 s10, s14  }
0x15: {  	s16 =	sor.u32 s10, s16;
	s22 =	sor.u32 s10, s17;
	s5 =	sor.u32 s10, s18  }
0x16: {  	[dreg:$0x10] =	wrdreg s26;
	s26 =	simm.s32 $0xC000;
	s19 =	sshrl.u32 s19, $0x3  }
0x17: {  	[dreg:$0x6] =	wrdreg s28;
	s14 =	sshrl.u32 s14, $0x3;
	s11 =	sadd.s32 s0, s19  }
0x18: {  	s16 =	sshrl.u32 s16, $0x3;
	s14 =	sadd.s32 s0, s14;
	[dreg:$0xa] =	wrdreg s11  }
0x19: {  	s5 =	sshrl.u32 s5, $0x3;
	s21 =	sadd.s32 s0, s16;
	[dreg:$0xb] =	wrdreg s14  }
0x1a: {  	s19 =	smul.u32 $0x2800, s12;
	[dreg:$0xc] =	wrdreg s21;
	s14 =	sshrl.u32 s22, $0x3  }
0x1b: {  	s21 =	simm.s32 $0xA000;
	s22 =	simm.s32 $0x5;
	s24 =	sadd.s32 s0, s14  }
0x1c: {  	s13 =	sadd.s32 s13, s19;
	s0 =	sadd.s32 s0, s5;
	[dreg:$0xd] =	wrdreg s24  }
0x1d: {  	s5 =	simm.s32 $0x4;
	[dreg:$0xe] =	wrdreg s0;
	s25 =	sshrl.u32 s13, $0x3  }
0x1e: {  	s24 =	simm.s32 $0x40;
	s0 =	sadd.s32 s2, s25;
	s25 =	simm.s32 $0x80  }
0x1f: {  	v1 =	vimm.f32 $0.0e+00;
	v2 =	vimm.f32 $1.000000000e+00;
	v0 =	vmov s12;
	s2 =	simm.s32 $0x2;
	[dreg:$0xf] =	wrdreg s0;
	s0 =	simm.s32 $0x1  }
.LBB2_1:
0x20: {  	s13 =	simm.s32 $0x100;
	s12 =	simm.s32 $0x0  }
.LBB2_2:
0x21: {  	p1 =	sne.s32 s13, $0x7F00;
	[tilespmem:s12+$0xA030] =	vst v1;
	s14 =	smov.u32 s13;
	s13 =	sadd.s32 $0x100, s13  }
.Ltmp0:
0x22: {  	[tilespmem:s12+$0xA020] =	vst v1;
	(pc) =	sbr.rel @p1 .LBB2_2-.Ltmp0, $3  }
0x23: {  	[tilespmem:s12+$0xA000] =	vst v1  }
0x24: {  	[tilespmem:s12+$0xA010] =	vst v1;
	_ =	sdelay $0x1  }
0x25: {  	s12 =	sshra.s32 s14, $0x2  }
0x26: {  	[tilespmem:s12+$0xA030] =	vst v1  }
0x27: {  	[tilespmem:s12+$0xA020] =	vst v1  }
0x28: {  	[tilespmem:s12+$0xA000] =	vst v1  }
0x29: {  	[tilespmem:s12+$0xA010] =	vst v1  }
0x2a: {  	[tilespmem:$0x12080] =	vst v1  }
0x2b: {  	[tilespmem:$0x12090] =	vst v1  }
0x2c: {  	[tilespmem:$0x120A0] =	vst v1  }
0x2d: {  	[tilespmem:$0x120B0] =	vst v1  }
0x2e: {  	[tilespmem:$0x120C0] =	vst v1  }
0x2f: {  	[tilespmem:$0x120D0] =	vst v1  }
0x30: {  	[tilespmem:$0x120E0] =	vst v1  }
0x31: {  	[tilespmem:$0x120F0] =	vst v1  }
0x32: {  	[tilespmem:$0x12100] =	vst v1  }
0x33: {  	[tilespmem:$0x12110] =	vst v1  }
0x34: {  	[tilespmem:$0x12120] =	vst v1  }
0x35: {  	[tilespmem:$0x12130] =	vst v1  }
0x36: {  	[tilespmem:$0x12140] =	vst v1  }
0x37: {  	[tilespmem:$0x12150] =	vst v1  }
0x38: {  	[tilespmem:$0x12160] =	vst v1  }
0x39: {  	[tilespmem:$0x12170] =	vst v1  }
0x3a: {  	[tilespmem:$0x12180] =	vst v1  }
0x3b: {  	[tilespmem:$0x12190] =	vst v1  }
0x3c: {  	[tilespmem:$0x121A0] =	vst v1  }
0x3d: {  	[tilespmem:$0x121B0] =	vst v1  }
0x3e: {  	[tilespmem:$0x121C0] =	vst v1  }
0x3f: {  	[tilespmem:$0x121D0] =	vst v1  }
0x40: {  	[tilespmem:$0x121E0] =	vst v1  }
0x41: {  	[tilespmem:$0x121F0] =	vst v1  }
0x42: {  	[tilespmem:$0x12200] =	vst v1  }
0x43: {  	[tilespmem:$0x12210] =	vst v1  }
0x44: {  	[tilespmem:$0x12220] =	vst v1  }
0x45: {  	[tilespmem:$0x12230] =	vst v1  }
0x46: {  	[tilespmem:$0x12240] =	vst v1  }
0x47: {  	[tilespmem:$0x12250] =	vst v1  }
0x48: {  	[tilespmem:$0x12260] =	vst v1  }
0x49: {  	[tilespmem:$0x12270] =	vst v1  }
0x4a: {  	[tilespmem:$0x12280] =	vst v1  }
0x4b: {  	[tilespmem:$0x12290] =	vst v1  }
0x4c: {  	[tilespmem:$0x122A0] =	vst v1  }
0x4d: {  	[tilespmem:$0x122B0] =	vst v1  }
0x4e: {  	[tilespmem:$0x122C0] =	vst v1  }
0x4f: {  	[tilespmem:$0x122D0] =	vst v1  }
0x50: {  	[tilespmem:$0x122E0] =	vst v1  }
0x51: {  	[tilespmem:$0x122F0] =	vst v1  }
0x52: {  	[tilespmem:$0x12000] =	vst v2  }
0x53: {  	[tilespmem:$0x12010] =	vst v2  }
0x54: {  	[tilespmem:$0x12020] =	vst v2  }
0x55: {  	[tilespmem:$0x12030] =	vst v2  }
0x56: {  	[tilespmem:$0x12040] =	vst v2  }
0x57: {  	[tilespmem:$0x12050] =	vst v2  }
0x58: {  	[tilespmem:$0x12060] =	vst v2  }
0x59: {  	[tilespmem:$0x12070] =	vst v2  }
0x5a: {  	[spmem:s7] =	stream.linear.scatter [tilespmem:s21], [sflag:$0x5], $0x2000, $0x38;
	[tilespmem:$0x1C580] =	vst v63  }
0x5b: {  	_ =	swait.ge [sflag:s22], $0x2000  }
0x5c: {  	[sflag:s22] =	ssyncset.done $0x0  }
0x5d: {  	[sflag:s22] =	ssyncadd.s32 $0xFFFFE000  }
0x5e: {  	[spmem:s20] =	stream.linear.scatter [tilespmem:s21], [sflag:$0x5], $0x2000, $0x38;
	[tilespmem:$0x1C580] =	vst v63  }
0x5f: {  	_ =	swait.ge [sflag:s22], $0x2000  }
0x60: {  	[sflag:s22] =	ssyncset.done $0x0  }
0x61: {  	[sflag:s22] =	ssyncadd.s32 $0xFFFFE000  }
0x62: {  	[spmem:s8] =	stream.linear.scatter [tilespmem:s21], [sflag:$0x5], $0x2000, $0x38;
	[tilespmem:$0x1C580] =	vst v63  }
0x63: {  	_ =	swait.ge [sflag:s22], $0x2000  }
0x64: {  	[sflag:s22] =	ssyncset.done $0x0  }
0x65: {  	[sflag:s22] =	ssyncadd.s32 $0xFFFFE000  }
0x66: {  	[spmem:s23] =	stream.linear.scatter [tilespmem:s21], [sflag:$0x5], $0x2000, $0x38;
	[tilespmem:$0x1C580] =	vst v63  }
0x67: {  	_ =	swait.ge [sflag:s22], $0x2000  }
0x68: {  	[sflag:s22] =	ssyncset.done $0x0  }
0x69: {  	[sflag:s22] =	ssyncadd.s32 $0xFFFFE000  }
0x6a: {  	[spmem:s28] =	stream.linear.scatter [tilespmem:s21], [sflag:$0x5], $0x2000, $0x38;
	[tilespmem:$0x1C580] =	vst v63  }
0x6b: {  	_ =	swait.ge [sflag:s22], $0x2000  }
0x6c: {  	[sflag:s22] =	ssyncset.done $0x0  }
0x6d: {  	s6 =	rddreg [dreg:$0x7];
	[sflag:s22] =	ssyncadd.s32 $0xFFFFE000  }
0x6e: {  	[spmem:s6] =	stream.linear.scatter [tilespmem:s15], [sflag:$0x5], $0x280, $0x38;
	[tilespmem:$0x1C580] =	vst v63  }
0x6f: {  	_ =	swait.ge [sflag:s22], $0x280  }
0x70: {  	[sflag:s22] =	ssyncset.done $0x0  }
0x71: {  	[sflag:s22] =	ssyncadd.s32 $0xFFFFFD80  }
0x72: {  	[bflag:$0x0] =	sbarrier.arrive $0xFFFF  }
0x73: {  	s9 =	smov.u32 s20;
	s19 =	simm.s32 $0x0;
	s20 =	rddreg [dreg:$0x8]  }
0x74: {  	[tilespmem:s19], [sflag:$0x5] =	stream.linear.gather [hbm4b:s20+s19], $0x5000, $0x38;
	[tilespmem:$0x1C580] =	vst v63  }
0x75: {  	_ =	swait.ge [sflag:s22], $0x5000  }
0x76: {  	s11 =	smov.u32 s23;
	[sflag:s22] =	ssyncset.done $0x0  }
0x77: {  	s28 =	simm.s32 $0x5000;
	s23 =	rddreg [dreg:$0x9];
	[sflag:s22] =	ssyncadd.s32 $0xFFFFB000  }
0x78: {  	[tilespmem:s28], [sflag:$0x5] =	stream.linear.gather [hbm4b:s23+s19], $0x5000, $0x38;
	[tilespmem:$0x1C580] =	vst v63  }
0x79: {  	_ =	swait.ge [sflag:s22], $0x5000  }
0x7a: {  	[sflag:s22] =	ssyncset.done $0x0  }
0x7b: {  	s12 =	simm.s32 $0x0;
	[sflag:s22] =	ssyncadd.s32 $0xFFFFB000  }
0x7c: {  	v4 =	vld [tilespmem:s12+$0x0]  }
0x7d: {  	v5 =	vld [tilespmem:s12+$0x10]  }
0x7e: {  	v7 =	vld [tilespmem:s12+$0x20]  }
0x7f: {  	v6 =	vld [tilespmem:s12+$0x30]  }
0x80: {  	v3 =	vld [tilespmem:s12+$0x40]  }
0x81: {  	v8 =	vshll.u32 v4, $0x1;
	v4 =	vld [tilespmem:s12+$0x50]  }
0x82: {  	s10 =	smov.u32 s8;
	s13 =	simm.s32 $0x200;
	v9 =	vshll.u32 v5, $0x1;
	v5 =	vld [tilespmem:s12+$0x60];
	v8 =	vor.u32 v0, v8  }
.LBB2_4:
0x83: {  	s14 =	sshra.s32 s13, $0x2;
	p1 =	sne.s32 s13, $0x13E00;
	[tilespmem:s12+$0x0] =	vst v8;
	v8 =	vor.u32 v0, v9;
	v7 =	vshll.u32 v7, $0x1;
	v9 =	vld [tilespmem:s12+$0x70]  }
0x84: {  	v10 =	vld [tilespmem:s14+$0x0];
	[tilespmem:s12+$0x10] =	vst v8;
	v7 =	vor.u32 v0, v7;
	v6 =	vshll.u32 v6, $0x1  }
0x85: {  	v11 =	vld [tilespmem:s14+$0x10];
	[tilespmem:s12+$0x20] =	vst v7;
	v6 =	vor.u32 v0, v6;
	v3 =	vshll.u32 v3, $0x1  }
.Ltmp1:
0x86: {  	v7 =	vld [tilespmem:s14+$0x20];
	[tilespmem:s12+$0x30] =	vst v6;
	v3 =	vor.u32 v0, v3;
	v4 =	vshll.u32 v4, $0x1;
	(pc) =	sbr.rel @p1 .LBB2_4-.Ltmp1, $4  }
0x87: {  	v6 =	vld [tilespmem:s14+$0x30];
	[tilespmem:s12+$0x40] =	vst v3;
	v4 =	vor.u32 v0, v4;
	v5 =	vshll.u32 v5, $0x1  }
0x88: {  	v3 =	vld [tilespmem:s14+$0x40];
	[tilespmem:s12+$0x50] =	vst v4;
	v5 =	vor.u32 v0, v5;
	v8 =	vshll.u32 v9, $0x1  }
0x89: {  	v9 =	vshll.u32 v10, $0x1;
	v4 =	vld [tilespmem:s14+$0x50];
	[tilespmem:s12+$0x60] =	vst v5;
	v10 =	vor.u32 v0, v8  }
0x8a: {  	s13 =	sadd.s32 $0x200, s13;
	v8 =	vor.u32 v0, v9;
	v9 =	vshll.u32 v11, $0x1;
	v5 =	vld [tilespmem:s14+$0x60];
	[tilespmem:s12+$0x70] =	vst v10;
	s12 =	smov.u32 s14  }
0x8b: {  	[tilespmem:s12+$0x0] =	vst v8;
	v60 =	vor.u32 v0, v9;
	v7 =	vshll.u32 v7, $0x1;
	v61 =	vld [tilespmem:s12+$0x70]  }
0x8c: {  	[tilespmem:s12+$0x10] =	vst v60;
	v7 =	vor.u32 v0, v7;
	v6 =	vshll.u32 v6, $0x1  }
0x8d: {  	[tilespmem:s12+$0x20] =	vst v7;
	v6 =	vor.u32 v0, v6;
	v3 =	vshll.u32 v3, $0x1  }
0x8e: {  	[tilespmem:s12+$0x30] =	vst v6;
	v3 =	vor.u32 v0, v3;
	v4 =	vshll.u32 v4, $0x1  }
0x8f: {  	[tilespmem:s12+$0x40] =	vst v3;
	v3 =	vor.u32 v0, v4;
	v62 =	vshll.u32 v5, $0x1  }
0x90: {  	[tilespmem:s12+$0x50] =	vst v3;
	v3 =	vor.u32 v0, v62;
	v63 =	vshll.u32 v61, $0x1  }
0x91: {  	[tilespmem:s12+$0x60] =	vst v3;
	v3 =	vor.u32 v0, v63  }
0x92: {  	[tilespmem:s12+$0x70] =	vst v3;
	s12 =	simm.s32 $0x0  }
0x93: {  	[tilespmem:s21], [sflag:$0x1] =	stream.indirect.gather [hbm4b:s1+s25], $0x40, s12, s25, $0xb8;
	[tilespmem:$0x1C580] =	vst v63  }
0x94: {  	_ = 	snop  }
0x95: {  	[tilespmem:s26], [sflag:$0x2] =	stream.indirect.gather [hbm4b:s1+s25], $0x40, s25, s25, $0xb8;
	[tilespmem:$0x1C580] =	vst v63  }
0x96: {  	s6 =	simm.s32 $0x100  }
0x97: {  	[tilespmem:s29], [sflag:$0x3] =	stream.indirect.gather [hbm4b:s1+s25], $0x40, s6, s25, $0xb8;
	[tilespmem:$0x1C580] =	vst v63  }
0x98: {  	s20 =	simm.s32 $0x180  }
0x99: {  	[tilespmem:s31], [sflag:$0x4] =	stream.indirect.gather [hbm4b:s1+s25], $0x40, s20, s25, $0xb8;
	[tilespmem:$0x1C580] =	vst v63  }
0x9a: {  	s14 =	simm.s32 $0x5000;
	p2 =	por $0x0, $0x0;
	_ =	swait.ge [sflag:s0], $0x2000  }
0x9b: {  	s15 =	simm.s32 $0x1;
	s13 =	simm.s32 $0x1;
	[sflag:s0] =	ssyncset.done $0x0  }
0x9c: {  	s15 =	simm.s32 @!p2 $0x0;
	s13 =	simm.s32 @!p0 $0x0;
	[sflag:s0] =	ssyncadd.s32 $0xFFFFE000  }
0x9d: {  	[spmem:s3] =	stream.indirect.scatter.add.f32 [tilespmem:s21], [sflag:$0x5], $0x40, s14, s25, $0xb8;
	[tilespmem:$0x1C580] =	vst v63  }
0x9e: {  	p1 =	seq.s32 s13, s15;
	_ =	swait.ge [sflag:s22], $0x2000  }
0x9f: {  	s15 =	simm.s32 @!p1 $0x80;
	[sflag:s22] =	ssyncset.done $0x0  }
0xa0: {  	s16 =	simm.s32 @!p1 $0x12000;
	s17 =	simm.s32 @!p1 $0x5;
	[sflag:s22] =	ssyncadd.s32 $0xFFFFE000  }
0xa1: {  	[spmem:s4] =	stream.indirect.scatter.add.f32 @!p1 [tilespmem:s16], [sflag:$0x5], $0x1, s14, s15, $0xb8;
	[tilespmem:$0x1C580] =	vst v63  }
0xa2: {  	_ =	swait.ge @!p1 [sflag:s17], $0x80  }
0xa3: {  	[sflag:s17] =	ssyncset.done @!p1 $0x0  }
0xa4: {  	s23 =	simm.s32 $0x200;
	[sflag:s17] =	ssyncadd.s32 @!p1 $0xFFFFFF80  }
0xa5: {  	[tilespmem:s21], [sflag:$0x1] =	stream.indirect.gather [hbm4b:s1+s25], $0x40, s23, s25, $0xb8;
	[tilespmem:$0x1C580] =	vst v63  }
0xa6: {  	_ =	swait.ge [sflag:s2], $0x2000  }
0xa7: {  	[sflag:s2] =	ssyncset.done $0x0  }
0xa8: {  	s14 =	simm.s32 $0x5080;
	p1 =	por !p2, !p2;
	[sflag:s2] =	ssyncadd.s32 $0xFFFFE000  }
0xa9: {  	[spmem:s3] =	stream.indirect.scatter.add.f32 [tilespmem:s26], [sflag:$0x5], $0x40, s14, s25, $0xb8;
	[tilespmem:$0x1C580] =	vst v63  }
0xaa: {  	p1 =	por @!p0 p2, p2;
	_ =	swait.ge [sflag:s22], $0x2000  }
0xab: {  	s15 =	simm.s32 @!p1 $0x280;
	s16 =	simm.s32 @!p1 $0x3;
	[sflag:s22] =	ssyncset.done $0x0  }
0xac: {  	s17 =	simm.s32 @!p1 $0x80;
	s18 =	simm.s32 @!p1 $0xC000;
	[sflag:s22] =	ssyncadd.s32 $0xFFFFE000  }
0xad: {  	[tilespmem:s18], [sflag:$0x2] =	stream.indirect.gather @!p1 [hbm4b:s1+s17], $0x40, s15, s17, $0xb8;
	[tilespmem:$0x1C580] =	vst v63  }
0xae: {  	_ =	swait.ge @!p1 [sflag:s16], $0x2000  }
0xaf: {  	s15 =	simm.s32 @!p1 $0x5100;
	[sflag:s16] =	ssyncset.done @!p1 $0x0  }
0xb0: {  	s18 =	simm.s32 @!p1 $0x5;
	[sflag:s16] =	ssyncadd.s32 @!p1 $0xFFFFE000;
	s16 =	simm.s32 @!p1 $0xE000  }
0xb1: {  	[spmem:s3] =	stream.indirect.scatter.add.f32 @!p1 [tilespmem:s16], [sflag:$0x5], $0x40, s15, s17, $0xb8;
	[tilespmem:$0x1C580] =	vst v63  }
0xb2: {  	_ =	swait.ge @!p1 [sflag:s18], $0x2000  }
0xb3: {  	s17 =	simm.s32 @p1 $0x5;
	[sflag:s18] =	ssyncset.done @!p1 $0x0  }
0xb4: {  	s15 =	simm.s32 @p1 $0x80;
	s16 =	simm.s32 @p1 $0x12000;
	[sflag:s18] =	ssyncadd.s32 @!p1 $0xFFFFE000  }
0xb5: {  	[spmem:s4] =	stream.indirect.scatter.add.f32 @p1 [tilespmem:s16], [sflag:$0x5], $0x1, s14, s15, $0xb8;
	[tilespmem:$0x1C580] =	vst v63  }
0xb6: {  	_ =	swait.ge @p1 [sflag:s17], $0x80  }
0xb7: {  	s19 =	simm.s32 @p1 $0x3;
	[sflag:s17] =	ssyncset.done @p1 $0x0  }
0xb8: {  	s18 =	simm.s32 @p1 $0xC000;
	s14 =	simm.s32 @p1 $0x280;
	[sflag:s17] =	ssyncadd.s32 @p1 $0xFFFFFF80  }
0xb9: {  	[tilespmem:s18], [sflag:$0x2] =	stream.indirect.gather @p1 [hbm4b:s1+s15], $0x40, s14, s15, $0xb8;
	[tilespmem:$0x1C580] =	vst v63  }
0xba: {  	_ =	swait.ge @p1 [sflag:s19], $0x2000  }
0xbb: {  	[sflag:s19] =	ssyncset.done @p1 $0x0  }
0xbc: {  	s14 =	simm.s32 @p1 $0x5100;
	s18 =	simm.s32 @p1 $0xE000;
	[sflag:s19] =	ssyncadd.s32 @p1 $0xFFFFE000  }
0xbd: {  	[spmem:s3] =	stream.indirect.scatter.add.f32 @p1 [tilespmem:s18], [sflag:$0x5], $0x40, s14, s15, $0xb8;
	[tilespmem:$0x1C580] =	vst v63  }
0xbe: {  	_ =	swait.ge @p1 [sflag:s17], $0x2000  }
0xbf: {  	[sflag:s17] =	ssyncset.done @p1 $0x0  }
0xc0: {  	[sflag:s17] =	ssyncadd.s32 @p1 $0xFFFFE000  }
0xc1: {  	[spmem:s4] =	stream.indirect.scatter.add.f32 @p1 [tilespmem:s16], [sflag:$0x5], $0x1, s14, s15, $0xb8;
	[tilespmem:$0x1C580] =	vst v63  }
0xc2: {  	_ =	swait.ge @p1 [sflag:s17], $0x80  }
0xc3: {  	[sflag:s17] =	ssyncset.done @p1 $0x0  }
0xc4: {  	s28 =	simm.s32 $0x300;
	[sflag:s17] =	ssyncadd.s32 @p1 $0xFFFFFF80  }
0xc5: {  	[tilespmem:s29], [sflag:$0x3] =	stream.indirect.gather [hbm4b:s1+s25], $0x40, s28, s25, $0xb8;
	[tilespmem:$0x1C580] =	vst v63  }
0xc6: {  	_ =	swait.ge [sflag:s5], $0x2000  }
0xc7: {  	[sflag:s5] =	ssyncset.done $0x0  }
0xc8: {  	s14 =	simm.s32 $0x5180;
	[sflag:s5] =	ssyncadd.s32 $0xFFFFE000  }
0xc9: {  	[spmem:s3] =	stream.indirect.scatter.add.f32 [tilespmem:s31], [sflag:$0x5], $0x40, s14, s25, $0xb8;
	[tilespmem:$0x1C580] =	vst v63  }
0xca: {  	_ =	swait.ge [sflag:s22], $0x2000  }
0xcb: {  	[sflag:s22] =	ssyncset.done $0x0  }
0xcc: {  	[sflag:s22] =	ssyncadd.s32 $0xFFFFE000  }
0xcd: {  	[spmem:s4] =	stream.indirect.scatter.add.f32 @p1 [tilespmem:s16], [sflag:$0x5], $0x1, s14, s15, $0xb8;
	[tilespmem:$0x1C580] =	vst v63  }
0xce: {  	s8 =	smov.u32 s7;
	_ =	swait.ge @p1 [sflag:s17], $0x80  }
0xcf: {  	s14 =	simm.s32 $0x800;
	s16 =	simm.s32 $0x380;
	[sflag:s17] =	ssyncset.done @p1 $0x0  }
.LBB2_6:
0xd0: {  	[sflag:s17] =	ssyncadd.s32 @p1 $0xFFFFFF80;
	s12 =	sadd.s32 $0x1, s12  }
0xd1: {  	s17 =	smov.u32 s14;
	s14 =	sadd.s32 $0x800, s14;
	s18 =	simm.s32 $0x1  }
0xd2: {  	[tilespmem:s31], [sflag:$0x4] =	stream.indirect.gather [hbm4b:s1+s25], $0x40, s16, s25, $0xb8;
	[tilespmem:$0x1C580] =	vst v63  }
0xd3: {  	s15 =	sshra.s32 s17, $0x2;
	p2 =	sne.s32 s14, $0x13800;
	_ =	swait.ge [sflag:s0], $0x2000  }
0xd4: {  	p4 =	sgt.u32 s12, $0x13;
	s16 =	sadd.s32 $0x5000, s15;
	[sflag:s0] =	ssyncset.done $0x0  }
0xd5: {  	s18 =	simm.s32 @!p4 $0x0;
	[sflag:s0] =	ssyncadd.s32 $0xFFFFE000  }
0xd6: {  	[spmem:s3] =	stream.indirect.scatter.add.f32 [tilespmem:s21], [sflag:$0x5], $0x40, s16, s25, $0xb8;
	[tilespmem:$0x1C580] =	vst v63  }
0xd7: {  	p1 =	por !p4, !p4;
	p3 =	seq.s32 s13, s18;
	_ =	swait.ge [sflag:s22], $0x2000  }
0xd8: {  	s18 =	simm.s32 @!p3 $0x80;
	s19 =	simm.s32 @!p3 $0x12000;
	[sflag:s22] =	ssyncset.done $0x0  }
0xd9: {  	p1 =	por @!p0 p4, p4;
	s20 =	simm.s32 @!p3 $0x5;
	[sflag:s22] =	ssyncadd.s32 $0xFFFFE000  }
0xda: {  	[spmem:s4] =	stream.indirect.scatter.add.f32 @!p3 [tilespmem:s19], [sflag:$0x5], $0x1, s16, s18, $0xb8;
	[tilespmem:$0x1C580] =	vst v63  }
0xdb: {  	s16 =	sshra.s32 @!p1 s17, $0x2;
	s18 =	sshra.s32 @p1 s17, $0x2;
	_ =	swait.ge @!p3 [sflag:s20], $0x80  }
0xdc: {  	s17 =	sadd.s32 $0x200, s15;
	s19 =	sadd.s32 @!p1 $0x280, s16;
	[sflag:s20] =	ssyncset.done @!p3 $0x0  }
0xdd: {  	s23 =	sadd.s32 @p1 $0x280, s18;
	[sflag:s20] =	ssyncadd.s32 @!p3 $0xFFFFFF80;
	s20 =	sadd.s32 @!p1 $0x5100, s16  }
0xde: {  	[tilespmem:s21], [sflag:$0x1] =	stream.indirect.gather [hbm4b:s1+s25], $0x40, s17, s25, $0xb8;
	[tilespmem:$0x1C580] =	vst v63  }
0xdf: {  	s16 =	sadd.s32 $0x380, s15;
	_ =	swait.ge [sflag:s2], $0x2000  }
0xe0: {  	s28 =	sadd.s32 $0x5080, s15;
	[sflag:s2] =	ssyncset.done $0x0  }
0xe1: {  	[sflag:s2] =	ssyncadd.s32 $0xFFFFE000  }
0xe2: {  	[spmem:s3] =	stream.indirect.scatter.add.f32 [tilespmem:s26], [sflag:$0x5], $0x40, s28, s25, $0xb8;
	[tilespmem:$0x1C580] =	vst v63  }
0xe3: {  	_ =	swait.ge [sflag:s22], $0x2000  }
0xe4: {  	s17 =	simm.s32 @!p1 $0x3;
	[sflag:s22] =	ssyncset.done $0x0  }
0xe5: {  	s6 =	simm.s32 @!p1 $0x80;
	s7 =	simm.s32 @!p1 $0xC000;
	[sflag:s22] =	ssyncadd.s32 $0xFFFFE000  }
0xe6: {  	[tilespmem:s7], [sflag:$0x2] =	stream.indirect.gather @!p1 [hbm4b:s1+s6], $0x40, s19, s6, $0xb8;
	[tilespmem:$0x1C580] =	vst v63  }
0xe7: {  	_ =	swait.ge @!p1 [sflag:s17], $0x2000  }
0xe8: {  	[sflag:s17] =	ssyncset.done @!p1 $0x0  }
0xe9: {  	s7 =	simm.s32 @!p1 $0xE000;
	s19 =	simm.s32 @!p1 $0x5;
	[sflag:s17] =	ssyncadd.s32 @!p1 $0xFFFFE000  }
0xea: {  	[spmem:s3] =	stream.indirect.scatter.add.f32 @!p1 [tilespmem:s7], [sflag:$0x5], $0x40, s20, s6, $0xb8;
	[tilespmem:$0x1C580] =	vst v63  }
0xeb: {  	_ =	swait.ge @!p1 [sflag:s19], $0x2000  }
0xec: {  	s17 =	simm.s32 @p1 $0x5;
	[sflag:s19] =	ssyncset.done @!p1 $0x0  }
0xed: {  	s6 =	simm.s32 @p1 $0x80;
	s7 =	simm.s32 @p1 $0x12000;
	[sflag:s19] =	ssyncadd.s32 @!p1 $0xFFFFE000  }
0xee: {  	[spmem:s4] =	stream.indirect.scatter.add.f32 @p1 [tilespmem:s7], [sflag:$0x5], $0x1, s28, s6, $0xb8;
	[tilespmem:$0x1C580] =	vst v63  }
0xef: {  	_ =	swait.ge @p1 [sflag:s17], $0x80  }
0xf0: {  	[sflag:s17] =	ssyncset.done @p1 $0x0  }
0xf1: {  	s20 =	simm.s32 @p1 $0x3;
	s19 =	simm.s32 @p1 $0xC000;
	[sflag:s17] =	ssyncadd.s32 @p1 $0xFFFFFF80  }
0xf2: {  	[tilespmem:s19], [sflag:$0x2] =	stream.indirect.gather @p1 [hbm4b:s1+s6], $0x40, s23, s6, $0xb8;
	[tilespmem:$0x1C580] =	vst v63  }
0xf3: {  	_ =	swait.ge @p1 [sflag:s20], $0x2000  }
0xf4: {  	[sflag:s20] =	ssyncset.done @p1 $0x0  }
0xf5: {  	s18 =	sadd.s32 @p1 $0x5100, s18;
	s19 =	simm.s32 @p1 $0xE000;
	[sflag:s20] =	ssyncadd.s32 @p1 $0xFFFFE000  }
0xf6: {  	[spmem:s3] =	stream.indirect.scatter.add.f32 @p1 [tilespmem:s19], [sflag:$0x5], $0x40, s18, s6, $0xb8;
	[tilespmem:$0x1C580] =	vst v63  }
0xf7: {  	_ =	swait.ge @p1 [sflag:s17], $0x2000  }
0xf8: {  	[sflag:s17] =	ssyncset.done @p1 $0x0  }
0xf9: {  	[sflag:s17] =	ssyncadd.s32 @p1 $0xFFFFE000  }
0xfa: {  	[spmem:s4] =	stream.indirect.scatter.add.f32 @p1 [tilespmem:s7], [sflag:$0x5], $0x1, s18, s6, $0xb8;
	[tilespmem:$0x1C580] =	vst v63  }
0xfb: {  	_ =	swait.ge @p1 [sflag:s17], $0x80  }
0xfc: {  	[sflag:s17] =	ssyncset.done @p1 $0x0  }
0xfd: {  	s18 =	sadd.s32 $0x300, s15;
	[sflag:s17] =	ssyncadd.s32 @p1 $0xFFFFFF80  }
0xfe: {  	[tilespmem:s29], [sflag:$0x3] =	stream.indirect.gather [hbm4b:s1+s25], $0x40, s18, s25, $0xb8;
	[tilespmem:$0x1C580] =	vst v63  }
0xff: {  	_ =	swait.ge [sflag:s5], $0x2000  }
0x100: {  	[sflag:s5] =	ssyncset.done $0x0  }
0x101: {  	s15 =	sadd.s32 $0x5180, s15;
	[sflag:s5] =	ssyncadd.s32 $0xFFFFE000  }
0x102: {  	[spmem:s3] =	stream.indirect.scatter.add.f32 [tilespmem:s31], [sflag:$0x5], $0x40, s15, s25, $0xb8;
	[tilespmem:$0x1C580] =	vst v63  }
0x103: {  	_ =	swait.ge [sflag:s22], $0x2000  }
.Ltmp2:
0x104: {  	[sflag:s22] =	ssyncset.done $0x0;
	(pc) =	sbr.rel @p2 .LBB2_6-.Ltmp2, $4  }
0x105: {  	[sflag:s22] =	ssyncadd.s32 $0xFFFFE000  }
0x106: {  	[spmem:s4] =	stream.indirect.scatter.add.f32 @p1 [tilespmem:s7], [sflag:$0x5], $0x1, s15, s6, $0xb8;
	[tilespmem:$0x1C580] =	vst v63  }
0x107: {  	_ =	swait.ge @p1 [sflag:s17], $0x80  }
0x108: {  	[sflag:s17] =	ssyncset.done @p1 $0x0  }
0x109: {  	[sflag:s17] =	ssyncadd.s32 @p1 $0xFFFFFF80  }
0x10a: {  	[tilespmem:s31], [sflag:$0x4] =	stream.indirect.gather [hbm4b:s1+s25], $0x40, s16, s25, $0xb8;
	[tilespmem:$0x1C580] =	vst v63  }
0x10b: {  	_ =	swait.ge [sflag:s0], $0x2000  }
0x10c: {  	[sflag:s0] =	ssyncset.done $0x0  }
0x10d: {  	s6 =	simm.s32 $0x9E00;
	[sflag:s0] =	ssyncadd.s32 $0xFFFFE000  }
0x10e: {  	[spmem:s3] =	stream.indirect.scatter.add.f32 [tilespmem:s21], [sflag:$0x5], $0x40, s6, s25, $0xb8;
	[tilespmem:$0x1C580] =	vst v63  }
0x10f: {  	_ =	swait.ge [sflag:s22], $0x2000  }
0x110: {  	[sflag:s22] =	ssyncset.done $0x0  }
0x111: {  	s6 =	simm.s32 @p0 $0x2;
	[sflag:s22] =	ssyncadd.s32 $0xFFFFE000  }
0x112: {  	_ =	swait.ge @p0 [sflag:s6], $0x2000  }
0x113: {  	s7 =	simm.s32 @p0 $0x9E80;
	[sflag:s6] =	ssyncset.done @p0 $0x0  }
0x114: {  	s12 =	simm.s32 @p0 $0xC000;
	[sflag:s6] =	ssyncadd.s32 @p0 $0xFFFFE000;
	s6 =	simm.s32 @p0 $0x80  }
0x115: {  	[spmem:s3] =	stream.indirect.scatter.add.f32 @p0 [tilespmem:s12], [sflag:$0x5], $0x40, s7, s6, $0xb8;
	[tilespmem:$0x1C580] =	vst v63  }
0x116: {  	s7 =	simm.s32 @p0 $0x5  }
0x117: {  	_ =	swait.ge @p0 [sflag:s7], $0x2000  }
0x118: {  	s13 =	simm.s32 @!p0 $0x9E00;
	[sflag:s7] =	ssyncset.done @p0 $0x0  }
0x119: {  	s14 =	simm.s32 @!p0 $0x12000;
	s12 =	simm.s32 @!p0 $0x80;
	[sflag:s7] =	ssyncadd.s32 @p0 $0xFFFFE000  }
0x11a: {  	[spmem:s4] =	stream.indirect.scatter.add.f32 @!p0 [tilespmem:s14], [sflag:$0x5], $0x1, s13, s12, $0xb8;
	[tilespmem:$0x1C580] =	vst v63  }
0x11b: {  	s13 =	simm.s32 @!p0 $0x5  }
0x11c: {  	_ =	swait.ge @!p0 [sflag:s13], $0x80  }
0x11d: {  	[sflag:s13] =	ssyncset.done @!p0 $0x0  }
0x11e: {  	s15 =	simm.s32 @!p0 $0x2;
	[sflag:s13] =	ssyncadd.s32 @!p0 $0xFFFFFF80  }
0x11f: {  	_ =	swait.ge @!p0 [sflag:s15], $0x2000  }
0x120: {  	[sflag:s15] =	ssyncset.done @!p0 $0x0  }
0x121: {  	s16 =	simm.s32 @!p0 $0xC000;
	[sflag:s15] =	ssyncadd.s32 @!p0 $0xFFFFE000;
	s15 =	simm.s32 @!p0 $0x9E80  }
0x122: {  	[spmem:s3] =	stream.indirect.scatter.add.f32 @!p0 [tilespmem:s16], [sflag:$0x5], $0x40, s15, s12, $0xb8;
	[tilespmem:$0x1C580] =	vst v63  }
0x123: {  	_ =	swait.ge @!p0 [sflag:s13], $0x2000  }
0x124: {  	[sflag:s13] =	ssyncset.done @!p0 $0x0  }
0x125: {  	[sflag:s13] =	ssyncadd.s32 @!p0 $0xFFFFE000  }
0x126: {  	[spmem:s4] =	stream.indirect.scatter.add.f32 @!p0 [tilespmem:s14], [sflag:$0x5], $0x1, s15, s12, $0xb8;
	[tilespmem:$0x1C580] =	vst v63  }
0x127: {  	_ =	swait.ge @!p0 [sflag:s13], $0x80  }
0x128: {  	[sflag:s13] =	ssyncset.done @!p0 $0x0  }
0x129: {  	s20 =	simm.s32 $0x3;
	[sflag:s13] =	ssyncadd.s32 @!p0 $0xFFFFFF80  }
0x12a: {  	_ =	swait.ge [sflag:s20], $0x2000  }
0x12b: {  	[sflag:s20] =	ssyncset.done $0x0  }
0x12c: {  	s23 =	simm.s32 $0x9F00;
	[sflag:s20] =	ssyncadd.s32 $0xFFFFE000  }
0x12d: {  	[spmem:s3] =	stream.indirect.scatter.add.f32 [tilespmem:s29], [sflag:$0x5], $0x40, s23, s25, $0xb8;
	[tilespmem:$0x1C580] =	vst v63  }
0x12e: {  	_ =	swait.ge [sflag:s22], $0x2000  }
0x12f: {  	[sflag:s22] =	ssyncset.done $0x0  }
0x130: {  	s15 =	simm.s32 @p0 $0x4;
	[sflag:s22] =	ssyncadd.s32 $0xFFFFE000  }
0x131: {  	_ =	swait.ge @p0 [sflag:s15], $0x2000  }
0x132: {  	[sflag:s15] =	ssyncset.done @p0 $0x0  }
0x133: {  	s16 =	simm.s32 @p0 $0x10000;
	[sflag:s15] =	ssyncadd.s32 @p0 $0xFFFFE000;
	s15 =	simm.s32 @p0 $0x9F80  }
0x134: {  	[spmem:s3] =	stream.indirect.scatter.add.f32 @p0 [tilespmem:s16], [sflag:$0x5], $0x40, s15, s6, $0xb8;
	[tilespmem:$0x1C580] =	vst v63  }
0x135: {  	_ =	swait.ge @p0 [sflag:s7], $0x2000  }
0x136: {  	[sflag:s7] =	ssyncset.done @p0 $0x0  }
0x137: {  	s6 =	simm.s32 @!p0 $0x9F00;
	[sflag:s7] =	ssyncadd.s32 @p0 $0xFFFFE000  }
0x138: {  	[spmem:s4] =	stream.indirect.scatter.add.f32 @!p0 [tilespmem:s14], [sflag:$0x5], $0x1, s6, s12, $0xb8;
	[tilespmem:$0x1C580] =	vst v63  }
0x139: {  	_ =	swait.ge @!p0 [sflag:s13], $0x80  }
0x13a: {  	[sflag:s13] =	ssyncset.done @!p0 $0x0  }
0x13b: {  	s6 =	simm.s32 @!p0 $0x4;
	[sflag:s13] =	ssyncadd.s32 @!p0 $0xFFFFFF80  }
0x13c: {  	_ =	swait.ge @!p0 [sflag:s6], $0x2000  }
0x13d: {  	[sflag:s6] =	ssyncset.done @!p0 $0x0  }
0x13e: {  	s7 =	simm.s32 @!p0 $0x10000;
	[sflag:s6] =	ssyncadd.s32 @!p0 $0xFFFFE000;
	s6 =	simm.s32 @!p0 $0x9F80  }
0x13f: {  	[spmem:s3] =	stream.indirect.scatter.add.f32 @!p0 [tilespmem:s7], [sflag:$0x5], $0x40, s6, s12, $0xb8;
	[tilespmem:$0x1C580] =	vst v63  }
0x140: {  	_ =	swait.ge @!p0 [sflag:s13], $0x2000  }
0x141: {  	[sflag:s13] =	ssyncset.done @!p0 $0x0  }
0x142: {  	[sflag:s13] =	ssyncadd.s32 @!p0 $0xFFFFE000  }
0x143: {  	[spmem:s4] =	stream.indirect.scatter.add.f32 @!p0 [tilespmem:s14], [sflag:$0x5], $0x1, s6, s12, $0xb8;
	[tilespmem:$0x1C580] =	vst v63  }
0x144: {  	_ =	swait.ge @!p0 [sflag:s13], $0x80  }
0x145: {  	[sflag:s13] =	ssyncset.done @!p0 $0x0  }
0x146: {  	[sflag:s13] =	ssyncadd.s32 @!p0 $0xFFFFFF80  }
0x147: {  	[bflag:$0x0] =	sbarrier.arrive $0xFFFF  }
0x148: {  	[tilespmem:s21], [sflag:$0x5] =	stream.linear.gather [spmem:s8], $0x2000, $0x38;
	[tilespmem:$0x1C580] =	vst v63  }
0x149: {  	_ =	swait.ge [sflag:s22], $0x2000  }
0x14a: {  	[sflag:s22] =	ssyncset.done $0x0  }
0x14b: {  	s7 =	smov.u32 s8;
	s8 =	rddreg [dreg:$0xa];
	[sflag:s22] =	ssyncadd.s32 $0xFFFFE000  }
0x14c: {  	[hbm4b:s8+s24] =	stream.strided.scatter [tilespmem:s21], [sflag:$0x5], $0x2000, s25, s24, $0x38;
	[tilespmem:$0x1C580] =	vst v63  }
0x14d: {  	_ =	swait.ge [sflag:s22], $0x2000  }
0x14e: {  	[sflag:s22] =	ssyncset.done $0x0  }
0x14f: {  	[sflag:s22] =	ssyncadd.s32 $0xFFFFE000  }
0x150: {  	[tilespmem:s21], [sflag:$0x5] =	stream.linear.gather [spmem:s9], $0x2000, $0x38;
	[tilespmem:$0x1C580] =	vst v63  }
0x151: {  	_ =	swait.ge [sflag:s22], $0x2000  }
0x152: {  	[sflag:s22] =	ssyncset.done $0x0  }
0x153: {  	s12 =	rddreg [dreg:$0xb];
	[sflag:s22] =	ssyncadd.s32 $0xFFFFE000  }
0x154: {  	[hbm4b:s12+s24] =	stream.strided.scatter [tilespmem:s21], [sflag:$0x5], $0x2000, s25, s24, $0x38;
	[tilespmem:$0x1C580] =	vst v63  }
0x155: {  	_ =	swait.ge [sflag:s22], $0x2000  }
0x156: {  	[sflag:s22] =	ssyncset.done $0x0  }
0x157: {  	[sflag:s22] =	ssyncadd.s32 $0xFFFFE000  }
0x158: {  	[tilespmem:s21], [sflag:$0x5] =	stream.linear.gather [spmem:s10], $0x2000, $0x38;
	[tilespmem:$0x1C580] =	vst v63  }
0x159: {  	_ =	swait.ge [sflag:s22], $0x2000  }
0x15a: {  	[sflag:s22] =	ssyncset.done $0x0  }
0x15b: {  	s13 =	rddreg [dreg:$0xc];
	[sflag:s22] =	ssyncadd.s32 $0xFFFFE000  }
0x15c: {  	[hbm4b:s13+s24] =	stream.strided.scatter [tilespmem:s21], [sflag:$0x5], $0x2000, s25, s24, $0x38;
	[tilespmem:$0x1C580] =	vst v63  }
0x15d: {  	_ =	swait.ge [sflag:s22], $0x2000  }
0x15e: {  	[sflag:s22] =	ssyncset.done $0x0  }
0x15f: {  	[sflag:s22] =	ssyncadd.s32 $0xFFFFE000  }
0x160: {  	[tilespmem:s21], [sflag:$0x5] =	stream.linear.gather [spmem:s11], $0x2000, $0x38;
	[tilespmem:$0x1C580] =	vst v63  }
0x161: {  	_ =	swait.ge [sflag:s22], $0x2000  }
0x162: {  	[sflag:s22] =	ssyncset.done $0x0  }
0x163: {  	s14 =	rddreg [dreg:$0xd];
	[sflag:s22] =	ssyncadd.s32 $0xFFFFE000  }
0x164: {  	[hbm4b:s14+s24] =	stream.strided.scatter [tilespmem:s21], [sflag:$0x5], $0x2000, s25, s24, $0x38;
	[tilespmem:$0x1C580] =	vst v63  }
0x165: {  	_ =	swait.ge [sflag:s22], $0x2000  }
0x166: {  	[sflag:s22] =	ssyncset.done $0x0  }
0x167: {  	s28 =	rddreg [dreg:$0x6];
	[sflag:s22] =	ssyncadd.s32 $0xFFFFE000  }
0x168: {  	[tilespmem:s21], [sflag:$0x5] =	stream.linear.gather [spmem:s28], $0x2000, $0x38;
	[tilespmem:$0x1C580] =	vst v63  }
0x169: {  	_ =	swait.ge [sflag:s22], $0x2000  }
0x16a: {  	[sflag:s22] =	ssyncset.done $0x0  }
0x16b: {  	s15 =	rddreg [dreg:$0xe];
	[sflag:s22] =	ssyncadd.s32 $0xFFFFE000  }
0x16c: {  	[hbm4b:s15+s24] =	stream.strided.scatter [tilespmem:s21], [sflag:$0x5], $0x2000, s25, s24, $0x38;
	[tilespmem:$0x1C580] =	vst v63  }
0x16d: {  	_ =	swait.ge [sflag:s22], $0x2000  }
0x16e: {  	[sflag:s22] =	ssyncset.done $0x0  }
0x16f: {  	s15 =	simm.s32 $0x12080;
	s16 =	rddreg [dreg:$0x7];
	[sflag:s22] =	ssyncadd.s32 $0xFFFFE000  }
0x170: {  	[tilespmem:s15], [sflag:$0x5] =	stream.linear.gather [spmem:s16], $0x280, $0x38;
	[tilespmem:$0x1C580] =	vst v63  }
0x171: {  	_ =	swait.ge [sflag:s22], $0x280  }
0x172: {  	[sflag:s22] =	ssyncset.done $0x0  }
0x173: {  	s17 =	simm.s32 $0x0;
	s18 =	rddreg [dreg:$0xf];
	[sflag:s22] =	ssyncadd.s32 $0xFFFFFD80  }
0x174: {  	[hbm4b:s18+s17] =	stream.linear.scatter [tilespmem:s15], [sflag:$0x5], $0x280, $0x38;
	[tilespmem:$0x1C580] =	vst v63  }
0x175: {  	_ =	swait.ge [sflag:s22], $0x280  }
0x176: {  	s30 =	sadd.s32 $0x1, s30;
	s19 =	rddreg [dreg:$0x10]  }
0x177: {  	p1 =	sne.s32 s30, s19  }
.Ltmp3:
0x178: {  	_ = 	snop;
	(pc) =	sbr.rel @p1 .LBB2_1-.Ltmp3, $3  }
0x179: {  	_ =	sdelay $0x1  }
0x17a: {  	s20 =	smov.u32 s9;
	[sflag:s22] =	ssyncset.done $0x0  }
0x17b: {  	s23 =	smov.u32 s11;
	s8 =	smov.u32 s10;
	[sflag:s22] =	ssyncadd.s32 $0xFFFFFD80  }
0x17c: {  	_ =	sfence.sel $0x180000  }
0x17d: {  	[bflag:$0x0] =	sbarrier.arrive $0xFFFF  }
0x17e: {  	_ =	strace $0x90000047  }
0x17f: {  	s0 =	stileid.u32;
	[bflag:$0x2] =	sbarrier.arrive $0xFFFF  }
0x180: {  	p0 =	sne.s32 s0, $0x0;
	s0 =	rddreg [dreg:$0x5]  }
0x181: {  	s0 =	sadd.s32 @!p0 $0x100000, s0  }
0x182: {  	[sflag:s0] =	ssyncadd.tile.s32 @!p0 $0x1;
	_ =	shalt  }
.Lfunc_end2:
_tile_overlayer_lowered:
.L_overlay_start_2:
0x183: {  	(tag) =	ssettag $0x2  }
0x184: {  	s0 =	rddreg [dreg:$0x0];
	s2 =	stileid.u32  }
0x185: {  	s1 =	rddreg [dreg:$0x1];
	p0 =	sne.s32 s2, $0x0  }
0x186: {  	s3 =	rddreg [dreg:$0x2];
	[bflag:$0x3] =	sbarrier.arrive $0xFFFF;
	s2 =	simm.s32 @!p0 $0x1C05  }
0x187: {  	[timem:s3], [sflag:s2] =	dma.local @!p0 [hbm:s0], s1  }
0x188: {  	s0 =	simm.s32 @!p0 $0x5  }
0x189: {  	_ =	swait.ge @!p0 [sflag:s0], s1  }
0x18a: {  	s1 =	ssub.s32 @!p0 $0x0, s1;
	[sflag:s0] =	ssyncset.done @!p0 $0x0  }
0x18b: {  	[sflag:s0] =	ssyncadd.s32 @!p0 s1  }
0x18c: {  	[bflag:$0x3] =	sbarrier.arrive $0xFFFF  }
0x18d: {  	_ =	shalt  }

</sc_bundles>
